<compile_context>
chip_gen: v7x
topology: tpu7x:2x2x1
jax: 0.10.2.dev20260603
libtpu: 0.0.44.dev20260713+nightly
codegen_flags: <defaults>
</compile_context>

<pallas_src>
import functools

import jax
import jax.numpy as jnp
from jax import lax
from jax.experimental import pallas as pl
from jax.experimental.pallas import tpu as pltpu
from jax.experimental.pallas import tpu_sc as plsc

NC = 2
NS = 16
CHUNK = 128
NBUF = 8
FAST_SHARE = 0.58


def _sc_mesh():
  return plsc.VectorSubcoreMesh(core_axis_name="c", subcore_axis_name="s")


def _copy_out(sh_ref, out_slice, s, N):
  R = 8 * ((N + 8 * NS - 1) // (8 * NS))
  full = N // R
  rem = N - full * R

  @pl.when(s < full)
  def _():
    pltpu.sync_copy(sh_ref.at[pl.ds(s * R, R)],
                    out_slice.at[pl.ds(s * R, R)])

  if rem:
    @pl.when(s == full)
    def _():
      pltpu.sync_copy(sh_ref.at[pl.ds(full * R, rem)],
                      out_slice.at[pl.ds(full * R, rem)])


def _plan(E, share):
  K = -(-E // CHUNK)
  C0 = max(8, 8 * round(K * share / (NS * 8)))
  K1 = K - NS * C0
  assert K1 > 0
  C1 = 8 * (K1 // ((NS - 1) * 8))
  tail = K1 - (NS - 1) * C1
  assert 0 <= tail and C1 >= 8 and tail <= C0 and C1 <= C0
  return K, C0, C1, tail


def _stage_idx(e3_row, buf, c, s, C0, C1, tail):
  off1 = NS * C0

  @pl.when(c == 0)
  def _():
    pltpu.sync_copy(e3_row.at[pl.ds(s * C0, C0)], buf.at[pl.ds(0, C0)])

  @pl.when((c == 1) & (s < NS - 1))
  def _():
    pltpu.sync_copy(e3_row.at[pl.ds(off1 + s * C1, C1)],
                    buf.at[pl.ds(0, C1)])

  if tail:
    @pl.when((c == 1) & (s == NS - 1))
    def _():
      pltpu.sync_copy(e3_row.at[pl.ds(off1 + (NS - 1) * C1, tail)],
                      buf.at[pl.ds(0, tail)])


def _tile_chunks(c, s, C0, C1, tail):
  return jnp.where(c == 0, C0, jnp.where(s < NS - 1, C1, tail))


def _make_deg_kernel(N, NP, C0, C1, tail):
  rows_per_tile_zero = NP // NS

  @functools.partial(
      pl.kernel,
      out_type=jax.ShapeDtypeStruct((NC, N, 16), jnp.float32),
      mesh=_sc_mesh(),
      scratch_types=[
          pltpu.VMEM((C0, CHUNK), jnp.int32),
          pltpu.VMEM((CHUNK, 16), jnp.float32),
          pltpu.VMEM_SHARED((NP, 16), jnp.float32),
          pltpu.SemaphoreType.DMA,
      ],
      compiler_params=pltpu.CompilerParams(use_tc_tiling_on_sc=False),
  )
  def deg_kernel(e3_hbm, zeros_hbm, ones_hbm, out_hbm,
                 dstv, ones_v, deg_sh, sem):
    c = lax.axis_index("c")
    s = lax.axis_index("s")
    CC = _tile_chunks(c, s, C0, C1, tail)
    _stage_idx(e3_hbm.at[1], dstv, c, s, C0, C1, tail)
    pltpu.sync_copy(ones_hbm, ones_v)
    z0 = s * rows_per_tile_zero
    pltpu.sync_copy(zeros_hbm, deg_sh.at[pl.ds(z0, rows_per_tile_zero)])
    plsc.subcore_barrier()

    def fire(j, carry):
      pltpu.async_copy(ones_v, deg_sh.at[dstv.at[j]], sem, add=True)
      return carry

    lax.fori_loop(0, CC, fire, 0, unroll=False)

    def drain(j, carry):
      pltpu.make_async_copy(ones_v, deg_sh.at[dstv.at[j]], sem).wait()
      return carry

    lax.fori_loop(0, CC, drain, 0, unroll=False)
    plsc.subcore_barrier()
    _copy_out(deg_sh, out_hbm.at[c], s, N)

  return deg_kernel


def _make_edge_kernel(N, NP, C0, C1, tail):
  rows_per_tile_zero = NP // NS

  @functools.partial(
      pl.kernel,
      out_type=jax.ShapeDtypeStruct((NC, N, 16), jnp.float32),
      mesh=_sc_mesh(),
      scratch_types=[
          pltpu.VMEM((C0, CHUNK), jnp.int32),
          pltpu.VMEM((C0, CHUNK), jnp.int32),
          pltpu.VMEM((NBUF, CHUNK, 16), jnp.float32),
          pltpu.VMEM_SHARED((NP, 16), jnp.float32),
          pltpu.SemaphoreType.DMA((NBUF,)),
          pltpu.SemaphoreType.DMA((NBUF,)),
      ],
      compiler_params=pltpu.CompilerParams(use_tc_tiling_on_sc=False),
  )
  def edge_kernel(e3_hbm, y_hbm, zeros_hbm,
                  out_hbm, srcv, dstv, rows_v, acc_sh, sem_g, sem_s):
    c = lax.axis_index("c")
    s = lax.axis_index("s")
    CC = _tile_chunks(c, s, C0, C1, tail)
    _stage_idx(e3_hbm.at[0], srcv, c, s, C0, C1, tail)
    _stage_idx(e3_hbm.at[1], dstv, c, s, C0, C1, tail)
    z0 = s * rows_per_tile_zero
    pltpu.sync_copy(zeros_hbm, acc_sh.at[pl.ds(z0, rows_per_tile_zero)])
    plsc.subcore_barrier()

    def start_gather(j):
      b = lax.rem(j, NBUF)
      pltpu.async_copy(y_hbm.at[srcv.at[j]], rows_v.at[b], sem_g.at[b])

    def wait_gather(j):
      b = lax.rem(j, NBUF)
      pltpu.make_async_copy(y_hbm.at[srcv.at[j]], rows_v.at[b],
                            sem_g.at[b]).wait()

    def start_scatter(j):
      b = lax.rem(j, NBUF)
      pltpu.async_copy(rows_v.at[b], acc_sh.at[dstv.at[j]], sem_s.at[b],
                       add=True)

    def wait_scatter(j):
      b = lax.rem(j, NBUF)
      pltpu.make_async_copy(rows_v.at[b], acc_sh.at[dstv.at[j]],
                            sem_s.at[b]).wait()

    for j in range(NBUF - 1):
      jj = jnp.int32(j)

      @pl.when(jj < CC)
      def _():
        start_gather(jj)

    def body(j, carry):
      wait_gather(j)
      start_scatter(j)

      @pl.when(j >= 1)
      def _():
        wait_scatter(j - 1)

      @pl.when(j + NBUF - 1 < CC)
      def _():
        start_gather(j + NBUF - 1)

      return carry

    lax.fori_loop(0, CC, body, 0, unroll=False)
    wait_scatter(CC - 1)
    plsc.subcore_barrier()
    _copy_out(acc_sh, out_hbm.at[c], s, N)

  return edge_kernel




def _pdense1a_body(x_ref, w1b_ref, xw_ref):
  xw_ref[...] = jnp.dot(
      x_ref[...], w1b_ref[...], preferred_element_type=jnp.float32)


def _pdense1b_body(xw_ref, deg_ref, y1_ref, dv_ref):
  dv = lax.rsqrt(1.0 + deg_ref[0] + deg_ref[1])
  dv_ref[...] = dv
  y1_ref[...] = xw_ref[...] * dv


def _pdense2_body(y1_ref, acc_ref, dv_ref, b1_ref, w2b_ref, y2_ref):
  dv = dv_ref[...]
  h = jnp.maximum(
      dv * (acc_ref[0] + acc_ref[1] + y1_ref[...]) + b1_ref[...], 0.0)
  y2_ref[...] = jnp.dot(
      h, w2b_ref[...], preferred_element_type=jnp.float32) * dv


def _pdense3_body(y2_ref, acc_ref, dv_ref, b2_ref, z_ref):
  z_ref[...] = dv_ref[...] * (acc_ref[0] + acc_ref[1] + y2_ref[...]) \
      + b2_ref[...]


def kernel(x, edge_index, W1, b1, W2, b2):
  N, d_in = x.shape
  d_h = W1.shape[1]
  d_out = W2.shape[1]
  E = edge_index.shape[1]
  assert d_h == 16 and d_out == 16

  K, C0, C1, tail = _plan(E, FAST_SHARE)
  NP = ((N + 127) // 128) * 128
  pad = K * CHUNK - E
  ei = edge_index.astype(jnp.int32)
  if pad:
    ei = jnp.concatenate(
        [ei, jnp.stack([jnp.zeros((pad,), jnp.int32),
                        jnp.full((pad,), N, jnp.int32)])], axis=1)
  e3 = ei.reshape(2, K, CHUNK)

  zeros_tile16 = jnp.zeros((NP // NS, 16), jnp.float32)
  ones_chunk = jnp.ones((CHUNK, 16), jnp.float32)

  deg_kernel = _make_deg_kernel(N, NP, C0, C1, tail)
  edge_kernel = _make_edge_kernel(N, NP, C0, C1, tail)

  NR = N // 8
  xp = x.reshape(NR, 8 * d_in)
  w1b = jnp.kron(jnp.eye(8, dtype=jnp.float32), W1)
  w2b = jnp.kron(jnp.eye(8, dtype=jnp.float32), W2)
  b1p = jnp.tile(b1, 8).reshape(1, 8 * d_h)
  b2p = jnp.tile(b2, 8).reshape(1, 8 * d_out)
  full = lambda *shape: pl.BlockSpec(shape, lambda: tuple(0 for _ in shape))
  cp = pltpu.CompilerParams(skip_device_barrier=True)

  xw1 = pl.pallas_call(
      _pdense1a_body,
      in_specs=[full(NR, 8 * d_in), full(8 * d_in, 8 * d_h)],
      out_specs=full(NR, 8 * d_h),
      out_shape=jax.ShapeDtypeStruct((NR, 8 * d_h), jnp.float32),
      compiler_params=cp,
  )(xp, w1b)

  degp = deg_kernel(e3, zeros_tile16, ones_chunk).reshape(NC, NR, 128)

  y1, dv = pl.pallas_call(
      _pdense1b_body,
      in_specs=[full(NR, 128), full(NC, NR, 128)],
      out_specs=[full(NR, 128), full(NR, 128)],
      out_shape=[
          jax.ShapeDtypeStruct((NR, 128), jnp.float32),
          jax.ShapeDtypeStruct((NR, 128), jnp.float32),
      ],
      compiler_params=cp,
  )(xw1, degp)

  acc1 = edge_kernel(e3, y1.reshape(N, 16), zeros_tile16)

  y2 = pl.pallas_call(
      _pdense2_body,
      in_specs=[full(NR, 128), full(NC, NR, 128), full(NR, 128),
                full(1, 128), full(128, 128)],
      out_specs=full(NR, 128),
      out_shape=jax.ShapeDtypeStruct((NR, 128), jnp.float32),
      compiler_params=cp,
  )(y1, acc1.reshape(NC, NR, 128), dv, b1p, w2b)

  acc2 = edge_kernel(e3, y2.reshape(N, 16), zeros_tile16)

  z = pl.pallas_call(
      _pdense3_body,
      in_specs=[full(NR, 128), full(NC, NR, 128), full(NR, 128),
                full(1, 128)],
      out_specs=full(NR, 128),
      out_shape=jax.ShapeDtypeStruct((NR, 128), jnp.float32),
      compiler_params=cp,
  )(y2, acc2.reshape(NC, NR, 128), dv, b2p)
  z = z.reshape(N, d_out)

  return z

# --- scband reference (transcript-rebuilt; emitter-appended) ---
"""Pipeline reference for scband-gcnlink-predictor-11742440587907 (READ-ONLY COPY).

The authoritative reference and input builder live on the scoring server;
editing this copy changes nothing except your own understanding.
"""

import jax, jax.numpy as jnp
import numpy as np


def gcn_conv(x, edge_index, W, b):
    # Faithful GCNConv: add self-loops, symmetric degree normalization,
    # linear transform, scatter-add aggregation, then bias.
    n = x.shape[0]
    loop = jnp.arange(n, dtype=edge_index.dtype)
    src = jnp.concatenate([edge_index[0], loop])
    dst = jnp.concatenate([edge_index[1], loop])
    deg = jnp.zeros((n,), dtype=x.dtype).at[dst].add(1.0)
    dinv = jnp.where(deg > 0, jax.lax.rsqrt(deg), 0.0)
    norm = dinv[src] * dinv[dst]
    xw = x @ W
    msg = xw[src] * norm[:, None]
    out = jnp.zeros((n, W.shape[1]), dtype=x.dtype).at[dst].add(msg)
    return out + b


def setup_inputs(seed: int = 0) -> dict:
    key = jax.random.key(seed)
    k1, k2, k3, k4, k5, k6 = jax.random.split(key, 6)
    N, E, d_in, d_h, d_out = 10000, 320000, 128, 16, 16
    x = jax.random.normal(k1, (N, d_in), dtype=jnp.float32)
    edge_index = jax.random.randint(k2, (2, E), 0, N)
    W1 = jax.random.normal(k3, (d_in, d_h), dtype=jnp.float32) * (1.0 / np.sqrt(d_in))
    b1 = jnp.zeros((d_h,), dtype=jnp.float32)
    W2 = jax.random.normal(k4, (d_h, d_out), dtype=jnp.float32) * (1.0 / np.sqrt(d_h))
    b2 = jnp.zeros((d_out,), dtype=jnp.float32)
    return {"x": x, "edge_index": edge_index, "W1": W1, "b1": b1, "W2": W2, "b2": b2}


def reference(x, edge_index, W1, b1, W2, b2):
    # encode(x, edge_index) with edge_weight=None path:
    # conv1 -> relu -> conv2
    h = jax.nn.relu(gcn_conv(x, edge_index, W1, b1))
    z = gcn_conv(h, edge_index, W2, b2)
    return z

if __name__ == "__main__":
    import jax
    _d = setup_inputs()
    print(jax.jit(kernel)(*tuple(_d.values())))

</pallas_src>

<mosaic_0001>
#map = affine_map<(d0, d1) -> (0, 0, 0)>
#map1 = affine_map<(d0, d1) -> (0, 0)>
module attributes {stable_mosaic.version = 14 : i64} {
  func.func @deg_kernel(%arg0: i32, %arg1: i32, %arg2: memref<2x2500x128xi32, #tpu.memory_space<hbm>>, %arg3: memref<632x16xf32, #tpu.memory_space<hbm>>, %arg4: memref<128x16xf32, #tpu.memory_space<hbm>>, %arg5: memref<2x10000x16xf32, #tpu.memory_space<hbm>>, %arg6: memref<88x128xi32, #tpu.memory_space<vmem>>, %arg7: memref<128x16xf32, #tpu.memory_space<vmem>>, %arg8: memref<10112x16xf32, #tpu.memory_space<vmem_shared>>, %arg9: memref<!tpu.dma_semaphore, #tpu.memory_space<semaphore_mem>>) attributes {dimension_semantics = [#tpu.dimension_semantics<core_parallel>, #tpu.dimension_semantics<subcore_parallel>], iteration_bounds = array<i64: 2, 16>, scalar_prefetch = 0 : i64, scratch_operands = 4 : i64, tpu.core_type = #tpu.core_type<sc_vector_subcore>, window_params = [{transform_indices = #map}, {transform_indices = #map1}, {transform_indices = #map1}, {transform_indices = #map}]} {
    %eq3A = arith.constant 0 : i32
    %eq3A_0 = arith.cmpi eq, %arg0, %eq3A : i32
    %lt3A = arith.constant 15 : i32
    %lt3A_1 = arith.cmpi slt, %arg1, %lt3A : i32
    %jit3A = arith.constant 72 : i32
    %jit3A_2 = arith.constant 12 : i32
    %select_n3A = arith.select %lt3A_1, %jit3A, %jit3A_2 : i32
    %jit3A_3 = arith.constant 88 : i32
    %select_n3A_4 = arith.select %eq3A_0, %jit3A_3, %select_n3A : i32
    %eq3A_5 = arith.constant 0 : i32
    %eq3A_6 = arith.cmpi eq, %arg0, %eq3A_5 : i32
    %convert_element_type3A = arith.extui %eq3A_6 : i1 to i32
    %cond3A = arith.constant 1 : i32
    %cond3A_7 = arith.constant 0 : i32
    %cond3A_8 = arith.cmpi ne, %convert_element_type3A, %cond3A_7 : i32
    scf.if %cond3A_8 {
      %mul3A_57 = arith.constant 88 : i32
      %mul3A_58 = arith.muli %arg1, %mul3A_57 : i32
      "tpu.region"() ({
        %run_scoped3A = tpu.sem_alloc : memref<!tpu.dma_semaphore, #tpu.memory_space<semaphore_mem>>
        %dma_start3A = arith.constant 0 : i32
        %dma_start3A_59 = arith.constant 0 : i32
        %dma_start3A_60 = tpu.memref_slice %arg6[%dma_start3A, %dma_start3A_59] : memref<88x128xi32, #tpu.memory_space<vmem>> -> memref<88x128xi32, #tpu.memory_space<vmem>>
        %dma_start3A_61 = arith.constant 0 : i32
        %dma_start3A_62 = arith.constant 0 : i32
        %dma_start3A_63 = tpu.memref_slice %arg2[%cond3A, %dma_start3A_61, %dma_start3A_62] : memref<2x2500x128xi32, #tpu.memory_space<hbm>> -> memref<1x2500x128xi32, #tpu.memory_space<hbm>>
        %dma_start3A_64 = tpu.memref_squeeze %dma_start3A_63 : memref<1x2500x128xi32, #tpu.memory_space<hbm>> -> memref<2500x128xi32, #tpu.memory_space<hbm>>
        %dma_start3A_65 = arith.constant 0 : i32
        %dma_start3A_66 = tpu.memref_slice %dma_start3A_64[%mul3A_58, %dma_start3A_65] : memref<2500x128xi32, #tpu.memory_space<hbm>> -> memref<88x128xi32, #tpu.memory_space<hbm>>
        %dma_start3A_67 = arith.constant 0 : i32
        %dma_start3A_68 = arith.constant 0 : i32
        %dma_start3A_69 = tpu.memref_slice %arg6[%dma_start3A_67, %dma_start3A_68] : memref<88x128xi32, #tpu.memory_space<vmem>> -> memref<88x128xi32, #tpu.memory_space<vmem>>
        %dma_start3A_70 = arith.constant 0 : i32
        %dma_start3A_71 = arith.constant 0 : i32
        %dma_start3A_72 = tpu.memref_slice %arg2[%cond3A, %dma_start3A_70, %dma_start3A_71] : memref<2x2500x128xi32, #tpu.memory_space<hbm>> -> memref<1x2500x128xi32, #tpu.memory_space<hbm>>
        %dma_start3A_73 = tpu.memref_squeeze %dma_start3A_72 : memref<1x2500x128xi32, #tpu.memory_space<hbm>> -> memref<2500x128xi32, #tpu.memory_space<hbm>>
        %dma_start3A_74 = arith.constant 0 : i32
        %dma_start3A_75 = tpu.memref_slice %dma_start3A_73[%mul3A_58, %dma_start3A_74] : memref<2500x128xi32, #tpu.memory_space<hbm>> -> memref<88x128xi32, #tpu.memory_space<hbm>>
        tpu.enqueue_dma source(%dma_start3A_75 : memref<88x128xi32, #tpu.memory_space<hbm>>) target(%dma_start3A_69 : memref<88x128xi32, #tpu.memory_space<vmem>>) target_semaphore(%run_scoped3A : memref<!tpu.dma_semaphore, #tpu.memory_space<semaphore_mem>>)
        %dma_wait3A = arith.constant 0 : i32
        %dma_wait3A_76 = arith.constant 0 : i32
        %dma_wait3A_77 = tpu.memref_slice %arg6[%dma_wait3A, %dma_wait3A_76] : memref<88x128xi32, #tpu.memory_space<vmem>> -> memref<88x128xi32, #tpu.memory_space<vmem>>
        %dma_wait3A_78 = arith.constant 0 : i32
        %dma_wait3A_79 = arith.constant 0 : i32
        %dma_wait3A_80 = tpu.memref_slice %arg2[%cond3A, %dma_wait3A_78, %dma_wait3A_79] : memref<2x2500x128xi32, #tpu.memory_space<hbm>> -> memref<1x2500x128xi32, #tpu.memory_space<hbm>>
        %dma_wait3A_81 = tpu.memref_squeeze %dma_wait3A_80 : memref<1x2500x128xi32, #tpu.memory_space<hbm>> -> memref<2500x128xi32, #tpu.memory_space<hbm>>
        %dma_wait3A_82 = arith.constant 0 : i32
        %dma_wait3A_83 = tpu.memref_slice %dma_wait3A_81[%mul3A_58, %dma_wait3A_82] : memref<2500x128xi32, #tpu.memory_space<hbm>> -> memref<88x128xi32, #tpu.memory_space<hbm>>
        %dma_wait3A_84 = arith.constant 0 : i32
        %dma_wait3A_85 = arith.constant 0 : i32
        %dma_wait3A_86 = tpu.memref_slice %arg6[%dma_wait3A_84, %dma_wait3A_85] : memref<88x128xi32, #tpu.memory_space<vmem>> -> memref<88x128xi32, #tpu.memory_space<vmem>>
        %dma_wait3A_87 = arith.constant 0 : i32
        %dma_wait3A_88 = arith.constant 0 : i32
        %dma_wait3A_89 = tpu.memref_slice %arg2[%cond3A, %dma_wait3A_87, %dma_wait3A_88] : memref<2x2500x128xi32, #tpu.memory_space<hbm>> -> memref<1x2500x128xi32, #tpu.memory_space<hbm>>
        %dma_wait3A_90 = tpu.memref_squeeze %dma_wait3A_89 : memref<1x2500x128xi32, #tpu.memory_space<hbm>> -> memref<2500x128xi32, #tpu.memory_space<hbm>>
        %dma_wait3A_91 = arith.constant 0 : i32
        %dma_wait3A_92 = tpu.memref_slice %dma_wait3A_90[%mul3A_58, %dma_wait3A_91] : memref<2500x128xi32, #tpu.memory_space<hbm>> -> memref<88x128xi32, #tpu.memory_space<hbm>>
        tpu.wait_dma2 semaphore(%run_scoped3A : memref<!tpu.dma_semaphore, #tpu.memory_space<semaphore_mem>>) src(%dma_wait3A_92 : memref<88x128xi32, #tpu.memory_space<hbm>>) dst(%dma_wait3A_86 : memref<88x128xi32, #tpu.memory_space<vmem>>)
        tpu.yield
      }) : () -> ()
    } else {
    }
    %eq3A_9 = arith.constant 1 : i32
    %eq3A_10 = arith.cmpi eq, %arg0, %eq3A_9 : i32
    %lt3A_11 = arith.constant 15 : i32
    %lt3A_12 = arith.cmpi slt, %arg1, %lt3A_11 : i32
    %and3A = arith.andi %eq3A_10, %lt3A_12 : i1
    %convert_element_type3A_13 = arith.extui %and3A : i1 to i32
    %cond3A_14 = arith.constant 1 : i32
    %cond3A_15 = arith.constant 0 : i32
    %cond3A_16 = arith.cmpi ne, %convert_element_type3A_13, %cond3A_15 : i32
    scf.if %cond3A_16 {
      %mul3A_57 = arith.constant 72 : i32
      %mul3A_58 = arith.muli %arg1, %mul3A_57 : i32
      %add3A = arith.constant 1408 : i32
      %add3A_59 = arith.addi %add3A, %mul3A_58 : i32
      "tpu.region"() ({
        %run_scoped3A = tpu.sem_alloc : memref<!tpu.dma_semaphore, #tpu.memory_space<semaphore_mem>>
        %dma_start3A = arith.constant 0 : i32
        %dma_start3A_60 = arith.constant 0 : i32
        %dma_start3A_61 = tpu.memref_slice %arg6[%dma_start3A, %dma_start3A_60] : memref<88x128xi32, #tpu.memory_space<vmem>> -> memref<72x128xi32, #tpu.memory_space<vmem>>
        %dma_start3A_62 = arith.constant 0 : i32
        %dma_start3A_63 = arith.constant 0 : i32
        %dma_start3A_64 = tpu.memref_slice %arg2[%cond3A_14, %dma_start3A_62, %dma_start3A_63] : memref<2x2500x128xi32, #tpu.memory_space<hbm>> -> memref<1x2500x128xi32, #tpu.memory_space<hbm>>
        %dma_start3A_65 = tpu.memref_squeeze %dma_start3A_64 : memref<1x2500x128xi32, #tpu.memory_space<hbm>> -> memref<2500x128xi32, #tpu.memory_space<hbm>>
        %dma_start3A_66 = arith.constant 0 : i32
        %dma_start3A_67 = tpu.memref_slice %dma_start3A_65[%add3A_59, %dma_start3A_66] : memref<2500x128xi32, #tpu.memory_space<hbm>> -> memref<72x128xi32, #tpu.memory_space<hbm>>
        %dma_start3A_68 = arith.constant 0 : i32
        %dma_start3A_69 = arith.constant 0 : i32
        %dma_start3A_70 = tpu.memref_slice %arg6[%dma_start3A_68, %dma_start3A_69] : memref<88x128xi32, #tpu.memory_space<vmem>> -> memref<72x128xi32, #tpu.memory_space<vmem>>
        %dma_start3A_71 = arith.constant 0 : i32
        %dma_start3A_72 = arith.constant 0 : i32
        %dma_start3A_73 = tpu.memref_slice %arg2[%cond3A_14, %dma_start3A_71, %dma_start3A_72] : memref<2x2500x128xi32, #tpu.memory_space<hbm>> -> memref<1x2500x128xi32, #tpu.memory_space<hbm>>
        %dma_start3A_74 = tpu.memref_squeeze %dma_start3A_73 : memref<1x2500x128xi32, #tpu.memory_space<hbm>> -> memref<2500x128xi32, #tpu.memory_space<hbm>>
        %dma_start3A_75 = arith.constant 0 : i32
        %dma_start3A_76 = tpu.memref_slice %dma_start3A_74[%add3A_59, %dma_start3A_75] : memref<2500x128xi32, #tpu.memory_space<hbm>> -> memref<72x128xi32, #tpu.memory_space<hbm>>
        tpu.enqueue_dma source(%dma_start3A_76 : memref<72x128xi32, #tpu.memory_space<hbm>>) target(%dma_start3A_70 : memref<72x128xi32, #tpu.memory_space<vmem>>) target_semaphore(%run_scoped3A : memref<!tpu.dma_semaphore, #tpu.memory_space<semaphore_mem>>)
        %dma_wait3A = arith.constant 0 : i32
        %dma_wait3A_77 = arith.constant 0 : i32
        %dma_wait3A_78 = tpu.memref_slice %arg6[%dma_wait3A, %dma_wait3A_77] : memref<88x128xi32, #tpu.memory_space<vmem>> -> memref<72x128xi32, #tpu.memory_space<vmem>>
        %dma_wait3A_79 = arith.constant 0 : i32
        %dma_wait3A_80 = arith.constant 0 : i32
        %dma_wait3A_81 = tpu.memref_slice %arg2[%cond3A_14, %dma_wait3A_79, %dma_wait3A_80] : memref<2x2500x128xi32, #tpu.memory_space<hbm>> -> memref<1x2500x128xi32, #tpu.memory_space<hbm>>
        %dma_wait3A_82 = tpu.memref_squeeze %dma_wait3A_81 : memref<1x2500x128xi32, #tpu.memory_space<hbm>> -> memref<2500x128xi32, #tpu.memory_space<hbm>>
        %dma_wait3A_83 = arith.constant 0 : i32
        %dma_wait3A_84 = tpu.memref_slice %dma_wait3A_82[%add3A_59, %dma_wait3A_83] : memref<2500x128xi32, #tpu.memory_space<hbm>> -> memref<72x128xi32, #tpu.memory_space<hbm>>
        %dma_wait3A_85 = arith.constant 0 : i32
        %dma_wait3A_86 = arith.constant 0 : i32
        %dma_wait3A_87 = tpu.memref_slice %arg6[%dma_wait3A_85, %dma_wait3A_86] : memref<88x128xi32, #tpu.memory_space<vmem>> -> memref<72x128xi32, #tpu.memory_space<vmem>>
        %dma_wait3A_88 = arith.constant 0 : i32
        %dma_wait3A_89 = arith.constant 0 : i32
        %dma_wait3A_90 = tpu.memref_slice %arg2[%cond3A_14, %dma_wait3A_88, %dma_wait3A_89] : memref<2x2500x128xi32, #tpu.memory_space<hbm>> -> memref<1x2500x128xi32, #tpu.memory_space<hbm>>
        %dma_wait3A_91 = tpu.memref_squeeze %dma_wait3A_90 : memref<1x2500x128xi32, #tpu.memory_space<hbm>> -> memref<2500x128xi32, #tpu.memory_space<hbm>>
        %dma_wait3A_92 = arith.constant 0 : i32
        %dma_wait3A_93 = tpu.memref_slice %dma_wait3A_91[%add3A_59, %dma_wait3A_92] : memref<2500x128xi32, #tpu.memory_space<hbm>> -> memref<72x128xi32, #tpu.memory_space<hbm>>
        tpu.wait_dma2 semaphore(%run_scoped3A : memref<!tpu.dma_semaphore, #tpu.memory_space<semaphore_mem>>) src(%dma_wait3A_93 : memref<72x128xi32, #tpu.memory_space<hbm>>) dst(%dma_wait3A_87 : memref<72x128xi32, #tpu.memory_space<vmem>>)
        tpu.yield
      }) : () -> ()
    } else {
    }
    %eq3A_17 = arith.constant 1 : i32
    %eq3A_18 = arith.cmpi eq, %arg0, %eq3A_17 : i32
    %eq3A_19 = arith.constant 15 : i32
    %eq3A_20 = arith.cmpi eq, %arg1, %eq3A_19 : i32
    %and3A_21 = arith.andi %eq3A_18, %eq3A_20 : i1
    %convert_element_type3A_22 = arith.extui %and3A_21 : i1 to i32
    %cond3A_23 = arith.constant 1 : i32
    %cond3A_24 = arith.constant 0 : i32
    %cond3A_25 = arith.cmpi ne, %convert_element_type3A_22, %cond3A_24 : i32
    scf.if %cond3A_25 {
      "tpu.region"() ({
        %run_scoped3A = tpu.sem_alloc : memref<!tpu.dma_semaphore, #tpu.memory_space<semaphore_mem>>
        %dma_start3A = arith.constant 0 : i32
        %dma_start3A_57 = arith.constant 0 : i32
        %dma_start3A_58 = tpu.memref_slice %arg6[%dma_start3A, %dma_start3A_57] : memref<88x128xi32, #tpu.memory_space<vmem>> -> memref<12x128xi32, #tpu.memory_space<vmem>>
        %dma_start3A_59 = arith.constant 0 : i32
        %dma_start3A_60 = arith.constant 0 : i32
        %dma_start3A_61 = tpu.memref_slice %arg2[%cond3A_23, %dma_start3A_59, %dma_start3A_60] : memref<2x2500x128xi32, #tpu.memory_space<hbm>> -> memref<1x2500x128xi32, #tpu.memory_space<hbm>>
        %dma_start3A_62 = tpu.memref_squeeze %dma_start3A_61 : memref<1x2500x128xi32, #tpu.memory_space<hbm>> -> memref<2500x128xi32, #tpu.memory_space<hbm>>
        %dma_start3A_63 = arith.constant 2488 : i32
        %dma_start3A_64 = arith.constant 0 : i32
        %dma_start3A_65 = tpu.memref_slice %dma_start3A_62[%dma_start3A_63, %dma_start3A_64] : memref<2500x128xi32, #tpu.memory_space<hbm>> -> memref<12x128xi32, #tpu.memory_space<hbm>>
        %dma_start3A_66 = arith.constant 0 : i32
        %dma_start3A_67 = arith.constant 0 : i32
        %dma_start3A_68 = tpu.memref_slice %arg6[%dma_start3A_66, %dma_start3A_67] : memref<88x128xi32, #tpu.memory_space<vmem>> -> memref<12x128xi32, #tpu.memory_space<vmem>>
        %dma_start3A_69 = arith.constant 0 : i32
        %dma_start3A_70 = arith.constant 0 : i32
        %dma_start3A_71 = tpu.memref_slice %arg2[%cond3A_23, %dma_start3A_69, %dma_start3A_70] : memref<2x2500x128xi32, #tpu.memory_space<hbm>> -> memref<1x2500x128xi32, #tpu.memory_space<hbm>>
        %dma_start3A_72 = tpu.memref_squeeze %dma_start3A_71 : memref<1x2500x128xi32, #tpu.memory_space<hbm>> -> memref<2500x128xi32, #tpu.memory_space<hbm>>
        %dma_start3A_73 = arith.constant 2488 : i32
        %dma_start3A_74 = arith.constant 0 : i32
        %dma_start3A_75 = tpu.memref_slice %dma_start3A_72[%dma_start3A_73, %dma_start3A_74] : memref<2500x128xi32, #tpu.memory_space<hbm>> -> memref<12x128xi32, #tpu.memory_space<hbm>>
        tpu.enqueue_dma source(%dma_start3A_75 : memref<12x128xi32, #tpu.memory_space<hbm>>) target(%dma_start3A_68 : memref<12x128xi32, #tpu.memory_space<vmem>>) target_semaphore(%run_scoped3A : memref<!tpu.dma_semaphore, #tpu.memory_space<semaphore_mem>>)
        %dma_wait3A = arith.constant 0 : i32
        %dma_wait3A_76 = arith.constant 0 : i32
        %dma_wait3A_77 = tpu.memref_slice %arg6[%dma_wait3A, %dma_wait3A_76] : memref<88x128xi32, #tpu.memory_space<vmem>> -> memref<12x128xi32, #tpu.memory_space<vmem>>
        %dma_wait3A_78 = arith.constant 0 : i32
        %dma_wait3A_79 = arith.constant 0 : i32
        %dma_wait3A_80 = tpu.memref_slice %arg2[%cond3A_23, %dma_wait3A_78, %dma_wait3A_79] : memref<2x2500x128xi32, #tpu.memory_space<hbm>> -> memref<1x2500x128xi32, #tpu.memory_space<hbm>>
        %dma_wait3A_81 = tpu.memref_squeeze %dma_wait3A_80 : memref<1x2500x128xi32, #tpu.memory_space<hbm>> -> memref<2500x128xi32, #tpu.memory_space<hbm>>
        %dma_wait3A_82 = arith.constant 2488 : i32
        %dma_wait3A_83 = arith.constant 0 : i32
        %dma_wait3A_84 = tpu.memref_slice %dma_wait3A_81[%dma_wait3A_82, %dma_wait3A_83] : memref<2500x128xi32, #tpu.memory_space<hbm>> -> memref<12x128xi32, #tpu.memory_space<hbm>>
        %dma_wait3A_85 = arith.constant 0 : i32
        %dma_wait3A_86 = arith.constant 0 : i32
        %dma_wait3A_87 = tpu.memref_slice %arg6[%dma_wait3A_85, %dma_wait3A_86] : memref<88x128xi32, #tpu.memory_space<vmem>> -> memref<12x128xi32, #tpu.memory_space<vmem>>
        %dma_wait3A_88 = arith.constant 0 : i32
        %dma_wait3A_89 = arith.constant 0 : i32
        %dma_wait3A_90 = tpu.memref_slice %arg2[%cond3A_23, %dma_wait3A_88, %dma_wait3A_89] : memref<2x2500x128xi32, #tpu.memory_space<hbm>> -> memref<1x2500x128xi32, #tpu.memory_space<hbm>>
        %dma_wait3A_91 = tpu.memref_squeeze %dma_wait3A_90 : memref<1x2500x128xi32, #tpu.memory_space<hbm>> -> memref<2500x128xi32, #tpu.memory_space<hbm>>
        %dma_wait3A_92 = arith.constant 2488 : i32
        %dma_wait3A_93 = arith.constant 0 : i32
        %dma_wait3A_94 = tpu.memref_slice %dma_wait3A_91[%dma_wait3A_92, %dma_wait3A_93] : memref<2500x128xi32, #tpu.memory_space<hbm>> -> memref<12x128xi32, #tpu.memory_space<hbm>>
        tpu.wait_dma2 semaphore(%run_scoped3A : memref<!tpu.dma_semaphore, #tpu.memory_space<semaphore_mem>>) src(%dma_wait3A_94 : memref<12x128xi32, #tpu.memory_space<hbm>>) dst(%dma_wait3A_87 : memref<12x128xi32, #tpu.memory_space<vmem>>)
        tpu.yield
      }) : () -> ()
    } else {
    }
    "tpu.region"() ({
      %run_scoped3A = tpu.sem_alloc : memref<!tpu.dma_semaphore, #tpu.memory_space<semaphore_mem>>
      tpu.enqueue_dma source(%arg4 : memref<128x16xf32, #tpu.memory_space<hbm>>) target(%arg7 : memref<128x16xf32, #tpu.memory_space<vmem>>) target_semaphore(%run_scoped3A : memref<!tpu.dma_semaphore, #tpu.memory_space<semaphore_mem>>)
      tpu.wait_dma2 semaphore(%run_scoped3A : memref<!tpu.dma_semaphore, #tpu.memory_space<semaphore_mem>>) src(%arg4 : memref<128x16xf32, #tpu.memory_space<hbm>>) dst(%arg7 : memref<128x16xf32, #tpu.memory_space<vmem>>)
      tpu.yield
    }) : () -> ()
    %mul3A = arith.constant 632 : i32
    %mul3A_26 = arith.muli %arg1, %mul3A : i32
    "tpu.region"() ({
      %run_scoped3A = tpu.sem_alloc : memref<!tpu.dma_semaphore, #tpu.memory_space<semaphore_mem>>
      %dma_start3A = arith.constant 0 : i32
      %dma_start3A_57 = tpu.memref_slice %arg8[%mul3A_26, %dma_start3A] : memref<10112x16xf32, #tpu.memory_space<vmem_shared>> -> memref<632x16xf32, #tpu.memory_space<vmem_shared>>
      tpu.enqueue_dma source(%arg3 : memref<632x16xf32, #tpu.memory_space<hbm>>) target(%dma_start3A_57 : memref<632x16xf32, #tpu.memory_space<vmem_shared>>) target_semaphore(%run_scoped3A : memref<!tpu.dma_semaphore, #tpu.memory_space<semaphore_mem>>)
      %dma_wait3A = arith.constant 0 : i32
      %dma_wait3A_58 = tpu.memref_slice %arg8[%mul3A_26, %dma_wait3A] : memref<10112x16xf32, #tpu.memory_space<vmem_shared>> -> memref<632x16xf32, #tpu.memory_space<vmem_shared>>
      tpu.wait_dma2 semaphore(%run_scoped3A : memref<!tpu.dma_semaphore, #tpu.memory_space<semaphore_mem>>) src(%arg3 : memref<632x16xf32, #tpu.memory_space<hbm>>) dst(%dma_wait3A_58 : memref<632x16xf32, #tpu.memory_space<vmem_shared>>)
      tpu.yield
    }) : () -> ()
    %barrier3A = arith.constant 0 : index
    tpu.barrier barrier_id(%barrier3A)
    %while3A = arith.constant 0 : i32
    %while3A_27 = arith.constant 0 : i32
    %while3A_28 = arith.subi %select_n3A_4, %while3A_27 : i32
    %while3A_29 = arith.addi %while3A_27, %while3A_28 : i32
    %while3A_30 = arith.constant 1 : i32
    %while3A_31 = arith.divsi %while3A_28, %while3A_30 : i32
    %while3A_32 = arith.muli %while3A_31, %while3A_30 : i32
    %while3A_33 = arith.addi %while3A_27, %while3A_32 : i32
    %while3A_34 = arith.constant 1 : i32
    scf.for %while3A_57 = %while3A_27 to %while3A_33 step %while3A_34  : i32 {
      %dma_start3A = arith.constant 0 : i32
      %dma_start3A_58 = tpu.memref_slice %arg6[%while3A_57, %dma_start3A] : memref<88x128xi32, #tpu.memory_space<vmem>> -> memref<1x128xi32, #tpu.memory_space<vmem>>
      %dma_start3A_59 = tpu.memref_squeeze %dma_start3A_58 : memref<1x128xi32, #tpu.memory_space<vmem>> -> memref<128xi32, #tpu.memory_space<vmem>>
      %dma_start3A_60 = arith.constant 0 : i32
      %dma_start3A_61 = arith.constant 0 : i32
      %dma_start3A_62 = tpu.memref_slice %arg8[%dma_start3A_60, %dma_start3A_61] : memref<10112x16xf32, #tpu.memory_space<vmem_shared>> -> memref<10112x16xf32, #tpu.memory_space<vmem_shared>>
      tpu.enqueue_indirect_dma source(%arg7 : memref<128x16xf32, #tpu.memory_space<vmem>>) target(%dma_start3A_62 : memref<10112x16xf32, #tpu.memory_space<vmem_shared>>) offsets(%dma_start3A_59 : memref<128xi32, #tpu.memory_space<vmem>>) semaphore(%arg9 : memref<!tpu.dma_semaphore, #tpu.memory_space<semaphore_mem>>) {add = true}
    }
    %while3A_35 = arith.constant 1 : i32
    scf.for %while3A_57 = %while3A_33 to %while3A_29 step %while3A_35  : i32 {
      %dma_start3A = arith.constant 0 : i32
      %dma_start3A_58 = tpu.memref_slice %arg6[%while3A_57, %dma_start3A] : memref<88x128xi32, #tpu.memory_space<vmem>> -> memref<1x128xi32, #tpu.memory_space<vmem>>
      %dma_start3A_59 = tpu.memref_squeeze %dma_start3A_58 : memref<1x128xi32, #tpu.memory_space<vmem>> -> memref<128xi32, #tpu.memory_space<vmem>>
      %dma_start3A_60 = arith.constant 0 : i32
      %dma_start3A_61 = arith.constant 0 : i32
      %dma_start3A_62 = tpu.memref_slice %arg8[%dma_start3A_60, %dma_start3A_61] : memref<10112x16xf32, #tpu.memory_space<vmem_shared>> -> memref<10112x16xf32, #tpu.memory_space<vmem_shared>>
      tpu.enqueue_indirect_dma source(%arg7 : memref<128x16xf32, #tpu.memory_space<vmem>>) target(%dma_start3A_62 : memref<10112x16xf32, #tpu.memory_space<vmem_shared>>) offsets(%dma_start3A_59 : memref<128xi32, #tpu.memory_space<vmem>>) semaphore(%arg9 : memref<!tpu.dma_semaphore, #tpu.memory_space<semaphore_mem>>) {add = true}
    }
    %while3A_36 = arith.constant 0 : i32
    %while3A_37 = arith.constant 0 : i32
    %while3A_38 = arith.subi %select_n3A_4, %while3A_37 : i32
    %while3A_39 = arith.addi %while3A_37, %while3A_38 : i32
    %while3A_40 = arith.constant 1 : i32
    %while3A_41 = arith.divsi %while3A_38, %while3A_40 : i32
    %while3A_42 = arith.muli %while3A_41, %while3A_40 : i32
    %while3A_43 = arith.addi %while3A_37, %while3A_42 : i32
    %while3A_44 = arith.constant 1 : i32
    scf.for %while3A_57 = %while3A_37 to %while3A_43 step %while3A_44  : i32 {
      %dma_wait3A = arith.constant 0 : i32
      %dma_wait3A_58 = tpu.memref_slice %arg6[%while3A_57, %dma_wait3A] : memref<88x128xi32, #tpu.memory_space<vmem>> -> memref<1x128xi32, #tpu.memory_space<vmem>>
      %dma_wait3A_59 = tpu.memref_squeeze %dma_wait3A_58 : memref<1x128xi32, #tpu.memory_space<vmem>> -> memref<128xi32, #tpu.memory_space<vmem>>
      %dma_wait3A_60 = arith.constant 0 : i32
      %dma_wait3A_61 = arith.constant 0 : i32
      %dma_wait3A_62 = tpu.memref_slice %arg8[%dma_wait3A_60, %dma_wait3A_61] : memref<10112x16xf32, #tpu.memory_space<vmem_shared>> -> memref<10112x16xf32, #tpu.memory_space<vmem_shared>>
      tpu.wait_indirect_dma semaphore(%arg9 : memref<!tpu.dma_semaphore, #tpu.memory_space<semaphore_mem>>) src(%arg7 : memref<128x16xf32, #tpu.memory_space<vmem>>) dst(%dma_wait3A_62 : memref<10112x16xf32, #tpu.memory_space<vmem_shared>>)
    }
    %while3A_45 = arith.constant 1 : i32
    scf.for %while3A_57 = %while3A_43 to %while3A_39 step %while3A_45  : i32 {
      %dma_wait3A = arith.constant 0 : i32
      %dma_wait3A_58 = tpu.memref_slice %arg6[%while3A_57, %dma_wait3A] : memref<88x128xi32, #tpu.memory_space<vmem>> -> memref<1x128xi32, #tpu.memory_space<vmem>>
      %dma_wait3A_59 = tpu.memref_squeeze %dma_wait3A_58 : memref<1x128xi32, #tpu.memory_space<vmem>> -> memref<128xi32, #tpu.memory_space<vmem>>
      %dma_wait3A_60 = arith.constant 0 : i32
      %dma_wait3A_61 = arith.constant 0 : i32
      %dma_wait3A_62 = tpu.memref_slice %arg8[%dma_wait3A_60, %dma_wait3A_61] : memref<10112x16xf32, #tpu.memory_space<vmem_shared>> -> memref<10112x16xf32, #tpu.memory_space<vmem_shared>>
      tpu.wait_indirect_dma semaphore(%arg9 : memref<!tpu.dma_semaphore, #tpu.memory_space<semaphore_mem>>) src(%arg7 : memref<128x16xf32, #tpu.memory_space<vmem>>) dst(%dma_wait3A_62 : memref<10112x16xf32, #tpu.memory_space<vmem_shared>>)
    }
    %barrier3A_46 = arith.constant 0 : index
    tpu.barrier barrier_id(%barrier3A_46)
    %lt3A_47 = arith.constant 15 : i32
    %lt3A_48 = arith.cmpi slt, %arg1, %lt3A_47 : i32
    %convert_element_type3A_49 = arith.extui %lt3A_48 : i1 to i32
    %cond3A_50 = arith.constant 0 : i32
    %cond3A_51 = arith.cmpi ne, %convert_element_type3A_49, %cond3A_50 : i32
    scf.if %cond3A_51 {
      %mul3A_57 = arith.constant 632 : i32
      %mul3A_58 = arith.muli %arg1, %mul3A_57 : i32
      %mul3A_59 = arith.constant 632 : i32
      %mul3A_60 = arith.muli %arg1, %mul3A_59 : i32
      "tpu.region"() ({
        %run_scoped3A = tpu.sem_alloc : memref<!tpu.dma_semaphore, #tpu.memory_space<semaphore_mem>>
        %dma_start3A = arith.constant 0 : i32
        %dma_start3A_61 = arith.constant 0 : i32
        %dma_start3A_62 = tpu.memref_slice %arg5[%arg0, %dma_start3A, %dma_start3A_61] : memref<2x10000x16xf32, #tpu.memory_space<hbm>> -> memref<1x10000x16xf32, #tpu.memory_space<hbm>>
        %dma_start3A_63 = tpu.memref_squeeze %dma_start3A_62 : memref<1x10000x16xf32, #tpu.memory_space<hbm>> -> memref<10000x16xf32, #tpu.memory_space<hbm>>
        %dma_start3A_64 = arith.constant 0 : i32
        %dma_start3A_65 = tpu.memref_slice %dma_start3A_63[%mul3A_60, %dma_start3A_64] : memref<10000x16xf32, #tpu.memory_space<hbm>> -> memref<632x16xf32, #tpu.memory_space<hbm>>
        %dma_start3A_66 = arith.constant 0 : i32
        %dma_start3A_67 = tpu.memref_slice %arg8[%mul3A_58, %dma_start3A_66] : memref<10112x16xf32, #tpu.memory_space<vmem_shared>> -> memref<632x16xf32, #tpu.memory_space<vmem_shared>>
        tpu.enqueue_dma source(%dma_start3A_67 : memref<632x16xf32, #tpu.memory_space<vmem_shared>>) target(%dma_start3A_65 : memref<632x16xf32, #tpu.memory_space<hbm>>) target_semaphore(%run_scoped3A : memref<!tpu.dma_semaphore, #tpu.memory_space<semaphore_mem>>)
        %dma_wait3A = arith.constant 0 : i32
        %dma_wait3A_68 = arith.constant 0 : i32
        %dma_wait3A_69 = tpu.memref_slice %arg5[%arg0, %dma_wait3A, %dma_wait3A_68] : memref<2x10000x16xf32, #tpu.memory_space<hbm>> -> memref<1x10000x16xf32, #tpu.memory_space<hbm>>
        %dma_wait3A_70 = tpu.memref_squeeze %dma_wait3A_69 : memref<1x10000x16xf32, #tpu.memory_space<hbm>> -> memref<10000x16xf32, #tpu.memory_space<hbm>>
        %dma_wait3A_71 = arith.constant 0 : i32
        %dma_wait3A_72 = tpu.memref_slice %dma_wait3A_70[%mul3A_60, %dma_wait3A_71] : memref<10000x16xf32, #tpu.memory_space<hbm>> -> memref<632x16xf32, #tpu.memory_space<hbm>>
        %dma_wait3A_73 = arith.constant 0 : i32
        %dma_wait3A_74 = tpu.memref_slice %arg8[%mul3A_58, %dma_wait3A_73] : memref<10112x16xf32, #tpu.memory_space<vmem_shared>> -> memref<632x16xf32, #tpu.memory_space<vmem_shared>>
        tpu.wait_dma2 semaphore(%run_scoped3A : memref<!tpu.dma_semaphore, #tpu.memory_space<semaphore_mem>>) src(%dma_wait3A_74 : memref<632x16xf32, #tpu.memory_space<vmem_shared>>) dst(%dma_wait3A_72 : memref<632x16xf32, #tpu.memory_space<hbm>>)
        tpu.yield
      }) : () -> ()
    } else {
    }
    %eq3A_52 = arith.constant 15 : i32
    %eq3A_53 = arith.cmpi eq, %arg1, %eq3A_52 : i32
    %convert_element_type3A_54 = arith.extui %eq3A_53 : i1 to i32
    %cond3A_55 = arith.constant 0 : i32
    %cond3A_56 = arith.cmpi ne, %convert_element_type3A_54, %cond3A_55 : i32
    scf.if %cond3A_56 {
      "tpu.region"() ({
        %run_scoped3A = tpu.sem_alloc : memref<!tpu.dma_semaphore, #tpu.memory_space<semaphore_mem>>
        %dma_start3A = arith.constant 0 : i32
        %dma_start3A_57 = arith.constant 0 : i32
        %dma_start3A_58 = tpu.memref_slice %arg5[%arg0, %dma_start3A, %dma_start3A_57] : memref<2x10000x16xf32, #tpu.memory_space<hbm>> -> memref<1x10000x16xf32, #tpu.memory_space<hbm>>
        %dma_start3A_59 = tpu.memref_squeeze %dma_start3A_58 : memref<1x10000x16xf32, #tpu.memory_space<hbm>> -> memref<10000x16xf32, #tpu.memory_space<hbm>>
        %dma_start3A_60 = arith.constant 9480 : i32
        %dma_start3A_61 = arith.constant 0 : i32
        %dma_start3A_62 = tpu.memref_slice %dma_start3A_59[%dma_start3A_60, %dma_start3A_61] : memref<10000x16xf32, #tpu.memory_space<hbm>> -> memref<520x16xf32, #tpu.memory_space<hbm>>
        %dma_start3A_63 = arith.constant 9480 : i32
        %dma_start3A_64 = arith.constant 0 : i32
        %dma_start3A_65 = tpu.memref_slice %arg8[%dma_start3A_63, %dma_start3A_64] : memref<10112x16xf32, #tpu.memory_space<vmem_shared>> -> memref<520x16xf32, #tpu.memory_space<vmem_shared>>
        tpu.enqueue_dma source(%dma_start3A_65 : memref<520x16xf32, #tpu.memory_space<vmem_shared>>) target(%dma_start3A_62 : memref<520x16xf32, #tpu.memory_space<hbm>>) target_semaphore(%run_scoped3A : memref<!tpu.dma_semaphore, #tpu.memory_space<semaphore_mem>>)
        %dma_wait3A = arith.constant 0 : i32
        %dma_wait3A_66 = arith.constant 0 : i32
        %dma_wait3A_67 = tpu.memref_slice %arg5[%arg0, %dma_wait3A, %dma_wait3A_66] : memref<2x10000x16xf32, #tpu.memory_space<hbm>> -> memref<1x10000x16xf32, #tpu.memory_space<hbm>>
        %dma_wait3A_68 = tpu.memref_squeeze %dma_wait3A_67 : memref<1x10000x16xf32, #tpu.memory_space<hbm>> -> memref<10000x16xf32, #tpu.memory_space<hbm>>
        %dma_wait3A_69 = arith.constant 9480 : i32
        %dma_wait3A_70 = arith.constant 0 : i32
        %dma_wait3A_71 = tpu.memref_slice %dma_wait3A_68[%dma_wait3A_69, %dma_wait3A_70] : memref<10000x16xf32, #tpu.memory_space<hbm>> -> memref<520x16xf32, #tpu.memory_space<hbm>>
        %dma_wait3A_72 = arith.constant 9480 : i32
        %dma_wait3A_73 = arith.constant 0 : i32
        %dma_wait3A_74 = tpu.memref_slice %arg8[%dma_wait3A_72, %dma_wait3A_73] : memref<10112x16xf32, #tpu.memory_space<vmem_shared>> -> memref<520x16xf32, #tpu.memory_space<vmem_shared>>
        tpu.wait_dma2 semaphore(%run_scoped3A : memref<!tpu.dma_semaphore, #tpu.memory_space<semaphore_mem>>) src(%dma_wait3A_74 : memref<520x16xf32, #tpu.memory_space<vmem_shared>>) dst(%dma_wait3A_71 : memref<520x16xf32, #tpu.memory_space<hbm>>)
        tpu.yield
      }) : () -> ()
    } else {
    }
    return
  }
}

#map = affine_map<(d0, d1) -> (0, 0, 0)>
#map1 = affine_map<(d0, d1) -> (0, 0)>
module attributes {stable_mosaic.version = 14 : i64} {
  func.func @edge_kernel(%arg0: i32, %arg1: i32, %arg2: memref<2x2500x128xi32, #tpu.memory_space<hbm>>, %arg3: memref<10000x16xf32, #tpu.memory_space<hbm>>, %arg4: memref<632x16xf32, #tpu.memory_space<hbm>>, %arg5: memref<2x10000x16xf32, #tpu.memory_space<hbm>>, %arg6: memref<88x128xi32, #tpu.memory_space<vmem>>, %arg7: memref<88x128xi32, #tpu.memory_space<vmem>>, %arg8: memref<8x128x16xf32, #tpu.memory_space<vmem>>, %arg9: memref<10112x16xf32, #tpu.memory_space<vmem_shared>>, %arg10: memref<8x!tpu.dma_semaphore, #tpu.memory_space<semaphore_mem>>, %arg11: memref<8x!tpu.dma_semaphore, #tpu.memory_space<semaphore_mem>>) attributes {dimension_semantics = [#tpu.dimension_semantics<core_parallel>, #tpu.dimension_semantics<subcore_parallel>], iteration_bounds = array<i64: 2, 16>, scalar_prefetch = 0 : i64, scratch_operands = 6 : i64, tpu.core_type = #tpu.core_type<sc_vector_subcore>, window_params = [{transform_indices = #map}, {transform_indices = #map1}, {transform_indices = #map1}, {transform_indices = #map}]} {
    %eq3A = arith.constant 0 : i32
    %eq3A_0 = arith.cmpi eq, %arg0, %eq3A : i32
    %lt3A = arith.constant 15 : i32
    %lt3A_1 = arith.cmpi slt, %arg1, %lt3A : i32
    %jit3A = arith.constant 72 : i32
    %jit3A_2 = arith.constant 12 : i32
    %select_n3A = arith.select %lt3A_1, %jit3A, %jit3A_2 : i32
    %jit3A_3 = arith.constant 88 : i32
    %select_n3A_4 = arith.select %eq3A_0, %jit3A_3, %select_n3A : i32
    %eq3A_5 = arith.constant 0 : i32
    %eq3A_6 = arith.cmpi eq, %arg0, %eq3A_5 : i32
    %convert_element_type3A = arith.extui %eq3A_6 : i1 to i32
    %cond3A = arith.constant 0 : i32
    %cond3A_7 = arith.constant 0 : i32
    %cond3A_8 = arith.cmpi ne, %convert_element_type3A, %cond3A_7 : i32
    scf.if %cond3A_8 {
      %mul3A_126 = arith.constant 88 : i32
      %mul3A_127 = arith.muli %arg1, %mul3A_126 : i32
      "tpu.region"() ({
        %run_scoped3A = tpu.sem_alloc : memref<!tpu.dma_semaphore, #tpu.memory_space<semaphore_mem>>
        %dma_start3A = arith.constant 0 : i32
        %dma_start3A_128 = arith.constant 0 : i32
        %dma_start3A_129 = tpu.memref_slice %arg6[%dma_start3A, %dma_start3A_128] : memref<88x128xi32, #tpu.memory_space<vmem>> -> memref<88x128xi32, #tpu.memory_space<vmem>>
        %dma_start3A_130 = arith.constant 0 : i32
        %dma_start3A_131 = arith.constant 0 : i32
        %dma_start3A_132 = tpu.memref_slice %arg2[%cond3A, %dma_start3A_130, %dma_start3A_131] : memref<2x2500x128xi32, #tpu.memory_space<hbm>> -> memref<1x2500x128xi32, #tpu.memory_space<hbm>>
        %dma_start3A_133 = tpu.memref_squeeze %dma_start3A_132 : memref<1x2500x128xi32, #tpu.memory_space<hbm>> -> memref<2500x128xi32, #tpu.memory_space<hbm>>
        %dma_start3A_134 = arith.constant 0 : i32
        %dma_start3A_135 = tpu.memref_slice %dma_start3A_133[%mul3A_127, %dma_start3A_134] : memref<2500x128xi32, #tpu.memory_space<hbm>> -> memref<88x128xi32, #tpu.memory_space<hbm>>
        %dma_start3A_136 = arith.constant 0 : i32
        %dma_start3A_137 = arith.constant 0 : i32
        %dma_start3A_138 = tpu.memref_slice %arg6[%dma_start3A_136, %dma_start3A_137] : memref<88x128xi32, #tpu.memory_space<vmem>> -> memref<88x128xi32, #tpu.memory_space<vmem>>
        %dma_start3A_139 = arith.constant 0 : i32
        %dma_start3A_140 = arith.constant 0 : i32
        %dma_start3A_141 = tpu.memref_slice %arg2[%cond3A, %dma_start3A_139, %dma_start3A_140] : memref<2x2500x128xi32, #tpu.memory_space<hbm>> -> memref<1x2500x128xi32, #tpu.memory_space<hbm>>
        %dma_start3A_142 = tpu.memref_squeeze %dma_start3A_141 : memref<1x2500x128xi32, #tpu.memory_space<hbm>> -> memref<2500x128xi32, #tpu.memory_space<hbm>>
        %dma_start3A_143 = arith.constant 0 : i32
        %dma_start3A_144 = tpu.memref_slice %dma_start3A_142[%mul3A_127, %dma_start3A_143] : memref<2500x128xi32, #tpu.memory_space<hbm>> -> memref<88x128xi32, #tpu.memory_space<hbm>>
        tpu.enqueue_dma source(%dma_start3A_144 : memref<88x128xi32, #tpu.memory_space<hbm>>) target(%dma_start3A_138 : memref<88x128xi32, #tpu.memory_space<vmem>>) target_semaphore(%run_scoped3A : memref<!tpu.dma_semaphore, #tpu.memory_space<semaphore_mem>>)
        %dma_wait3A_145 = arith.constant 0 : i32
        %dma_wait3A_146 = arith.constant 0 : i32
        %dma_wait3A_147 = tpu.memref_slice %arg6[%dma_wait3A_145, %dma_wait3A_146] : memref<88x128xi32, #tpu.memory_space<vmem>> -> memref<88x128xi32, #tpu.memory_space<vmem>>
        %dma_wait3A_148 = arith.constant 0 : i32
        %dma_wait3A_149 = arith.constant 0 : i32
        %dma_wait3A_150 = tpu.memref_slice %arg2[%cond3A, %dma_wait3A_148, %dma_wait3A_149] : memref<2x2500x128xi32, #tpu.memory_space<hbm>> -> memref<1x2500x128xi32, #tpu.memory_space<hbm>>
        %dma_wait3A_151 = tpu.memref_squeeze %dma_wait3A_150 : memref<1x2500x128xi32, #tpu.memory_space<hbm>> -> memref<2500x128xi32, #tpu.memory_space<hbm>>
        %dma_wait3A_152 = arith.constant 0 : i32
        %dma_wait3A_153 = tpu.memref_slice %dma_wait3A_151[%mul3A_127, %dma_wait3A_152] : memref<2500x128xi32, #tpu.memory_space<hbm>> -> memref<88x128xi32, #tpu.memory_space<hbm>>
        %dma_wait3A_154 = arith.constant 0 : i32
        %dma_wait3A_155 = arith.constant 0 : i32
        %dma_wait3A_156 = tpu.memref_slice %arg6[%dma_wait3A_154, %dma_wait3A_155] : memref<88x128xi32, #tpu.memory_space<vmem>> -> memref<88x128xi32, #tpu.memory_space<vmem>>
        %dma_wait3A_157 = arith.constant 0 : i32
        %dma_wait3A_158 = arith.constant 0 : i32
        %dma_wait3A_159 = tpu.memref_slice %arg2[%cond3A, %dma_wait3A_157, %dma_wait3A_158] : memref<2x2500x128xi32, #tpu.memory_space<hbm>> -> memref<1x2500x128xi32, #tpu.memory_space<hbm>>
        %dma_wait3A_160 = tpu.memref_squeeze %dma_wait3A_159 : memref<1x2500x128xi32, #tpu.memory_space<hbm>> -> memref<2500x128xi32, #tpu.memory_space<hbm>>
        %dma_wait3A_161 = arith.constant 0 : i32
        %dma_wait3A_162 = tpu.memref_slice %dma_wait3A_160[%mul3A_127, %dma_wait3A_161] : memref<2500x128xi32, #tpu.memory_space<hbm>> -> memref<88x128xi32, #tpu.memory_space<hbm>>
        tpu.wait_dma2 semaphore(%run_scoped3A : memref<!tpu.dma_semaphore, #tpu.memory_space<semaphore_mem>>) src(%dma_wait3A_162 : memref<88x128xi32, #tpu.memory_space<hbm>>) dst(%dma_wait3A_156 : memref<88x128xi32, #tpu.memory_space<vmem>>)
        tpu.yield
      }) : () -> ()
    } else {
    }
    %eq3A_9 = arith.constant 1 : i32
    %eq3A_10 = arith.cmpi eq, %arg0, %eq3A_9 : i32
    %lt3A_11 = arith.constant 15 : i32
    %lt3A_12 = arith.cmpi slt, %arg1, %lt3A_11 : i32
    %and3A = arith.andi %eq3A_10, %lt3A_12 : i1
    %convert_element_type3A_13 = arith.extui %and3A : i1 to i32
    %cond3A_14 = arith.constant 0 : i32
    %cond3A_15 = arith.constant 0 : i32
    %cond3A_16 = arith.cmpi ne, %convert_element_type3A_13, %cond3A_15 : i32
    scf.if %cond3A_16 {
      %mul3A_126 = arith.constant 72 : i32
      %mul3A_127 = arith.muli %arg1, %mul3A_126 : i32
      %add3A = arith.constant 1408 : i32
      %add3A_128 = arith.addi %add3A, %mul3A_127 : i32
      "tpu.region"() ({
        %run_scoped3A = tpu.sem_alloc : memref<!tpu.dma_semaphore, #tpu.memory_space<semaphore_mem>>
        %dma_start3A = arith.constant 0 : i32
        %dma_start3A_129 = arith.constant 0 : i32
        %dma_start3A_130 = tpu.memref_slice %arg6[%dma_start3A, %dma_start3A_129] : memref<88x128xi32, #tpu.memory_space<vmem>> -> memref<72x128xi32, #tpu.memory_space<vmem>>
        %dma_start3A_131 = arith.constant 0 : i32
        %dma_start3A_132 = arith.constant 0 : i32
        %dma_start3A_133 = tpu.memref_slice %arg2[%cond3A_14, %dma_start3A_131, %dma_start3A_132] : memref<2x2500x128xi32, #tpu.memory_space<hbm>> -> memref<1x2500x128xi32, #tpu.memory_space<hbm>>
        %dma_start3A_134 = tpu.memref_squeeze %dma_start3A_133 : memref<1x2500x128xi32, #tpu.memory_space<hbm>> -> memref<2500x128xi32, #tpu.memory_space<hbm>>
        %dma_start3A_135 = arith.constant 0 : i32
        %dma_start3A_136 = tpu.memref_slice %dma_start3A_134[%add3A_128, %dma_start3A_135] : memref<2500x128xi32, #tpu.memory_space<hbm>> -> memref<72x128xi32, #tpu.memory_space<hbm>>
        %dma_start3A_137 = arith.constant 0 : i32
        %dma_start3A_138 = arith.constant 0 : i32
        %dma_start3A_139 = tpu.memref_slice %arg6[%dma_start3A_137, %dma_start3A_138] : memref<88x128xi32, #tpu.memory_space<vmem>> -> memref<72x128xi32, #tpu.memory_space<vmem>>
        %dma_start3A_140 = arith.constant 0 : i32
        %dma_start3A_141 = arith.constant 0 : i32
        %dma_start3A_142 = tpu.memref_slice %arg2[%cond3A_14, %dma_start3A_140, %dma_start3A_141] : memref<2x2500x128xi32, #tpu.memory_space<hbm>> -> memref<1x2500x128xi32, #tpu.memory_space<hbm>>
        %dma_start3A_143 = tpu.memref_squeeze %dma_start3A_142 : memref<1x2500x128xi32, #tpu.memory_space<hbm>> -> memref<2500x128xi32, #tpu.memory_space<hbm>>
        %dma_start3A_144 = arith.constant 0 : i32
        %dma_start3A_145 = tpu.memref_slice %dma_start3A_143[%add3A_128, %dma_start3A_144] : memref<2500x128xi32, #tpu.memory_space<hbm>> -> memref<72x128xi32, #tpu.memory_space<hbm>>
        tpu.enqueue_dma source(%dma_start3A_145 : memref<72x128xi32, #tpu.memory_space<hbm>>) target(%dma_start3A_139 : memref<72x128xi32, #tpu.memory_space<vmem>>) target_semaphore(%run_scoped3A : memref<!tpu.dma_semaphore, #tpu.memory_space<semaphore_mem>>)
        %dma_wait3A_146 = arith.constant 0 : i32
        %dma_wait3A_147 = arith.constant 0 : i32
        %dma_wait3A_148 = tpu.memref_slice %arg6[%dma_wait3A_146, %dma_wait3A_147] : memref<88x128xi32, #tpu.memory_space<vmem>> -> memref<72x128xi32, #tpu.memory_space<vmem>>
        %dma_wait3A_149 = arith.constant 0 : i32
        %dma_wait3A_150 = arith.constant 0 : i32
        %dma_wait3A_151 = tpu.memref_slice %arg2[%cond3A_14, %dma_wait3A_149, %dma_wait3A_150] : memref<2x2500x128xi32, #tpu.memory_space<hbm>> -> memref<1x2500x128xi32, #tpu.memory_space<hbm>>
        %dma_wait3A_152 = tpu.memref_squeeze %dma_wait3A_151 : memref<1x2500x128xi32, #tpu.memory_space<hbm>> -> memref<2500x128xi32, #tpu.memory_space<hbm>>
        %dma_wait3A_153 = arith.constant 0 : i32
        %dma_wait3A_154 = tpu.memref_slice %dma_wait3A_152[%add3A_128, %dma_wait3A_153] : memref<2500x128xi32, #tpu.memory_space<hbm>> -> memref<72x128xi32, #tpu.memory_space<hbm>>
        %dma_wait3A_155 = arith.constant 0 : i32
        %dma_wait3A_156 = arith.constant 0 : i32
        %dma_wait3A_157 = tpu.memref_slice %arg6[%dma_wait3A_155, %dma_wait3A_156] : memref<88x128xi32, #tpu.memory_space<vmem>> -> memref<72x128xi32, #tpu.memory_space<vmem>>
        %dma_wait3A_158 = arith.constant 0 : i32
        %dma_wait3A_159 = arith.constant 0 : i32
        %dma_wait3A_160 = tpu.memref_slice %arg2[%cond3A_14, %dma_wait3A_158, %dma_wait3A_159] : memref<2x2500x128xi32, #tpu.memory_space<hbm>> -> memref<1x2500x128xi32, #tpu.memory_space<hbm>>
        %dma_wait3A_161 = tpu.memref_squeeze %dma_wait3A_160 : memref<1x2500x128xi32, #tpu.memory_space<hbm>> -> memref<2500x128xi32, #tpu.memory_space<hbm>>
        %dma_wait3A_162 = arith.constant 0 : i32
        %dma_wait3A_163 = tpu.memref_slice %dma_wait3A_161[%add3A_128, %dma_wait3A_162] : memref<2500x128xi32, #tpu.memory_space<hbm>> -> memref<72x128xi32, #tpu.memory_space<hbm>>
        tpu.wait_dma2 semaphore(%run_scoped3A : memref<!tpu.dma_semaphore, #tpu.memory_space<semaphore_mem>>) src(%dma_wait3A_163 : memref<72x128xi32, #tpu.memory_space<hbm>>) dst(%dma_wait3A_157 : memref<72x128xi32, #tpu.memory_space<vmem>>)
        tpu.yield
      }) : () -> ()
    } else {
    }
    %eq3A_17 = arith.constant 1 : i32
    %eq3A_18 = arith.cmpi eq, %arg0, %eq3A_17 : i32
    %eq3A_19 = arith.constant 15 : i32
    %eq3A_20 = arith.cmpi eq, %arg1, %eq3A_19 : i32
    %and3A_21 = arith.andi %eq3A_18, %eq3A_20 : i1
    %convert_element_type3A_22 = arith.extui %and3A_21 : i1 to i32
    %cond3A_23 = arith.constant 0 : i32
    %cond3A_24 = arith.constant 0 : i32
    %cond3A_25 = arith.cmpi ne, %convert_element_type3A_22, %cond3A_24 : i32
    scf.if %cond3A_25 {
      "tpu.region"() ({
        %run_scoped3A = tpu.sem_alloc : memref<!tpu.dma_semaphore, #tpu.memory_space<semaphore_mem>>
        %dma_start3A = arith.constant 0 : i32
        %dma_start3A_126 = arith.constant 0 : i32
        %dma_start3A_127 = tpu.memref_slice %arg6[%dma_start3A, %dma_start3A_126] : memref<88x128xi32, #tpu.memory_space<vmem>> -> memref<12x128xi32, #tpu.memory_space<vmem>>
        %dma_start3A_128 = arith.constant 0 : i32
        %dma_start3A_129 = arith.constant 0 : i32
        %dma_start3A_130 = tpu.memref_slice %arg2[%cond3A_23, %dma_start3A_128, %dma_start3A_129] : memref<2x2500x128xi32, #tpu.memory_space<hbm>> -> memref<1x2500x128xi32, #tpu.memory_space<hbm>>
        %dma_start3A_131 = tpu.memref_squeeze %dma_start3A_130 : memref<1x2500x128xi32, #tpu.memory_space<hbm>> -> memref<2500x128xi32, #tpu.memory_space<hbm>>
        %dma_start3A_132 = arith.constant 2488 : i32
        %dma_start3A_133 = arith.constant 0 : i32
        %dma_start3A_134 = tpu.memref_slice %dma_start3A_131[%dma_start3A_132, %dma_start3A_133] : memref<2500x128xi32, #tpu.memory_space<hbm>> -> memref<12x128xi32, #tpu.memory_space<hbm>>
        %dma_start3A_135 = arith.constant 0 : i32
        %dma_start3A_136 = arith.constant 0 : i32
        %dma_start3A_137 = tpu.memref_slice %arg6[%dma_start3A_135, %dma_start3A_136] : memref<88x128xi32, #tpu.memory_space<vmem>> -> memref<12x128xi32, #tpu.memory_space<vmem>>
        %dma_start3A_138 = arith.constant 0 : i32
        %dma_start3A_139 = arith.constant 0 : i32
        %dma_start3A_140 = tpu.memref_slice %arg2[%cond3A_23, %dma_start3A_138, %dma_start3A_139] : memref<2x2500x128xi32, #tpu.memory_space<hbm>> -> memref<1x2500x128xi32, #tpu.memory_space<hbm>>
        %dma_start3A_141 = tpu.memref_squeeze %dma_start3A_140 : memref<1x2500x128xi32, #tpu.memory_space<hbm>> -> memref<2500x128xi32, #tpu.memory_space<hbm>>
        %dma_start3A_142 = arith.constant 2488 : i32
        %dma_start3A_143 = arith.constant 0 : i32
        %dma_start3A_144 = tpu.memref_slice %dma_start3A_141[%dma_start3A_142, %dma_start3A_143] : memref<2500x128xi32, #tpu.memory_space<hbm>> -> memref<12x128xi32, #tpu.memory_space<hbm>>
        tpu.enqueue_dma source(%dma_start3A_144 : memref<12x128xi32, #tpu.memory_space<hbm>>) target(%dma_start3A_137 : memref<12x128xi32, #tpu.memory_space<vmem>>) target_semaphore(%run_scoped3A : memref<!tpu.dma_semaphore, #tpu.memory_space<semaphore_mem>>)
        %dma_wait3A_145 = arith.constant 0 : i32
        %dma_wait3A_146 = arith.constant 0 : i32
        %dma_wait3A_147 = tpu.memref_slice %arg6[%dma_wait3A_145, %dma_wait3A_146] : memref<88x128xi32, #tpu.memory_space<vmem>> -> memref<12x128xi32, #tpu.memory_space<vmem>>
        %dma_wait3A_148 = arith.constant 0 : i32
        %dma_wait3A_149 = arith.constant 0 : i32
        %dma_wait3A_150 = tpu.memref_slice %arg2[%cond3A_23, %dma_wait3A_148, %dma_wait3A_149] : memref<2x2500x128xi32, #tpu.memory_space<hbm>> -> memref<1x2500x128xi32, #tpu.memory_space<hbm>>
        %dma_wait3A_151 = tpu.memref_squeeze %dma_wait3A_150 : memref<1x2500x128xi32, #tpu.memory_space<hbm>> -> memref<2500x128xi32, #tpu.memory_space<hbm>>
        %dma_wait3A_152 = arith.constant 2488 : i32
        %dma_wait3A_153 = arith.constant 0 : i32
        %dma_wait3A_154 = tpu.memref_slice %dma_wait3A_151[%dma_wait3A_152, %dma_wait3A_153] : memref<2500x128xi32, #tpu.memory_space<hbm>> -> memref<12x128xi32, #tpu.memory_space<hbm>>
        %dma_wait3A_155 = arith.constant 0 : i32
        %dma_wait3A_156 = arith.constant 0 : i32
        %dma_wait3A_157 = tpu.memref_slice %arg6[%dma_wait3A_155, %dma_wait3A_156] : memref<88x128xi32, #tpu.memory_space<vmem>> -> memref<12x128xi32, #tpu.memory_space<vmem>>
        %dma_wait3A_158 = arith.constant 0 : i32
        %dma_wait3A_159 = arith.constant 0 : i32
        %dma_wait3A_160 = tpu.memref_slice %arg2[%cond3A_23, %dma_wait3A_158, %dma_wait3A_159] : memref<2x2500x128xi32, #tpu.memory_space<hbm>> -> memref<1x2500x128xi32, #tpu.memory_space<hbm>>
        %dma_wait3A_161 = tpu.memref_squeeze %dma_wait3A_160 : memref<1x2500x128xi32, #tpu.memory_space<hbm>> -> memref<2500x128xi32, #tpu.memory_space<hbm>>
        %dma_wait3A_162 = arith.constant 2488 : i32
        %dma_wait3A_163 = arith.constant 0 : i32
        %dma_wait3A_164 = tpu.memref_slice %dma_wait3A_161[%dma_wait3A_162, %dma_wait3A_163] : memref<2500x128xi32, #tpu.memory_space<hbm>> -> memref<12x128xi32, #tpu.memory_space<hbm>>
        tpu.wait_dma2 semaphore(%run_scoped3A : memref<!tpu.dma_semaphore, #tpu.memory_space<semaphore_mem>>) src(%dma_wait3A_164 : memref<12x128xi32, #tpu.memory_space<hbm>>) dst(%dma_wait3A_157 : memref<12x128xi32, #tpu.memory_space<vmem>>)
        tpu.yield
      }) : () -> ()
    } else {
    }
    %eq3A_26 = arith.constant 0 : i32
    %eq3A_27 = arith.cmpi eq, %arg0, %eq3A_26 : i32
    %convert_element_type3A_28 = arith.extui %eq3A_27 : i1 to i32
    %cond3A_29 = arith.constant 1 : i32
    %cond3A_30 = arith.constant 0 : i32
    %cond3A_31 = arith.cmpi ne, %convert_element_type3A_28, %cond3A_30 : i32
    scf.if %cond3A_31 {
      %mul3A_126 = arith.constant 88 : i32
      %mul3A_127 = arith.muli %arg1, %mul3A_126 : i32
      "tpu.region"() ({
        %run_scoped3A = tpu.sem_alloc : memref<!tpu.dma_semaphore, #tpu.memory_space<semaphore_mem>>
        %dma_start3A = arith.constant 0 : i32
        %dma_start3A_128 = arith.constant 0 : i32
        %dma_start3A_129 = tpu.memref_slice %arg7[%dma_start3A, %dma_start3A_128] : memref<88x128xi32, #tpu.memory_space<vmem>> -> memref<88x128xi32, #tpu.memory_space<vmem>>
        %dma_start3A_130 = arith.constant 0 : i32
        %dma_start3A_131 = arith.constant 0 : i32
        %dma_start3A_132 = tpu.memref_slice %arg2[%cond3A_29, %dma_start3A_130, %dma_start3A_131] : memref<2x2500x128xi32, #tpu.memory_space<hbm>> -> memref<1x2500x128xi32, #tpu.memory_space<hbm>>
        %dma_start3A_133 = tpu.memref_squeeze %dma_start3A_132 : memref<1x2500x128xi32, #tpu.memory_space<hbm>> -> memref<2500x128xi32, #tpu.memory_space<hbm>>
        %dma_start3A_134 = arith.constant 0 : i32
        %dma_start3A_135 = tpu.memref_slice %dma_start3A_133[%mul3A_127, %dma_start3A_134] : memref<2500x128xi32, #tpu.memory_space<hbm>> -> memref<88x128xi32, #tpu.memory_space<hbm>>
        %dma_start3A_136 = arith.constant 0 : i32
        %dma_start3A_137 = arith.constant 0 : i32
        %dma_start3A_138 = tpu.memref_slice %arg7[%dma_start3A_136, %dma_start3A_137] : memref<88x128xi32, #tpu.memory_space<vmem>> -> memref<88x128xi32, #tpu.memory_space<vmem>>
        %dma_start3A_139 = arith.constant 0 : i32
        %dma_start3A_140 = arith.constant 0 : i32
        %dma_start3A_141 = tpu.memref_slice %arg2[%cond3A_29, %dma_start3A_139, %dma_start3A_140] : memref<2x2500x128xi32, #tpu.memory_space<hbm>> -> memref<1x2500x128xi32, #tpu.memory_space<hbm>>
        %dma_start3A_142 = tpu.memref_squeeze %dma_start3A_141 : memref<1x2500x128xi32, #tpu.memory_space<hbm>> -> memref<2500x128xi32, #tpu.memory_space<hbm>>
        %dma_start3A_143 = arith.constant 0 : i32
        %dma_start3A_144 = tpu.memref_slice %dma_start3A_142[%mul3A_127, %dma_start3A_143] : memref<2500x128xi32, #tpu.memory_space<hbm>> -> memref<88x128xi32, #tpu.memory_space<hbm>>
        tpu.enqueue_dma source(%dma_start3A_144 : memref<88x128xi32, #tpu.memory_space<hbm>>) target(%dma_start3A_138 : memref<88x128xi32, #tpu.memory_space<vmem>>) target_semaphore(%run_scoped3A : memref<!tpu.dma_semaphore, #tpu.memory_space<semaphore_mem>>)
        %dma_wait3A_145 = arith.constant 0 : i32
        %dma_wait3A_146 = arith.constant 0 : i32
        %dma_wait3A_147 = tpu.memref_slice %arg7[%dma_wait3A_145, %dma_wait3A_146] : memref<88x128xi32, #tpu.memory_space<vmem>> -> memref<88x128xi32, #tpu.memory_space<vmem>>
        %dma_wait3A_148 = arith.constant 0 : i32
        %dma_wait3A_149 = arith.constant 0 : i32
        %dma_wait3A_150 = tpu.memref_slice %arg2[%cond3A_29, %dma_wait3A_148, %dma_wait3A_149] : memref<2x2500x128xi32, #tpu.memory_space<hbm>> -> memref<1x2500x128xi32, #tpu.memory_space<hbm>>
        %dma_wait3A_151 = tpu.memref_squeeze %dma_wait3A_150 : memref<1x2500x128xi32, #tpu.memory_space<hbm>> -> memref<2500x128xi32, #tpu.memory_space<hbm>>
        %dma_wait3A_152 = arith.constant 0 : i32
        %dma_wait3A_153 = tpu.memref_slice %dma_wait3A_151[%mul3A_127, %dma_wait3A_152] : memref<2500x128xi32, #tpu.memory_space<hbm>> -> memref<88x128xi32, #tpu.memory_space<hbm>>
        %dma_wait3A_154 = arith.constant 0 : i32
        %dma_wait3A_155 = arith.constant 0 : i32
        %dma_wait3A_156 = tpu.memref_slice %arg7[%dma_wait3A_154, %dma_wait3A_155] : memref<88x128xi32, #tpu.memory_space<vmem>> -> memref<88x128xi32, #tpu.memory_space<vmem>>
        %dma_wait3A_157 = arith.constant 0 : i32
        %dma_wait3A_158 = arith.constant 0 : i32
        %dma_wait3A_159 = tpu.memref_slice %arg2[%cond3A_29, %dma_wait3A_157, %dma_wait3A_158] : memref<2x2500x128xi32, #tpu.memory_space<hbm>> -> memref<1x2500x128xi32, #tpu.memory_space<hbm>>
        %dma_wait3A_160 = tpu.memref_squeeze %dma_wait3A_159 : memref<1x2500x128xi32, #tpu.memory_space<hbm>> -> memref<2500x128xi32, #tpu.memory_space<hbm>>
        %dma_wait3A_161 = arith.constant 0 : i32
        %dma_wait3A_162 = tpu.memref_slice %dma_wait3A_160[%mul3A_127, %dma_wait3A_161] : memref<2500x128xi32, #tpu.memory_space<hbm>> -> memref<88x128xi32, #tpu.memory_space<hbm>>
        tpu.wait_dma2 semaphore(%run_scoped3A : memref<!tpu.dma_semaphore, #tpu.memory_space<semaphore_mem>>) src(%dma_wait3A_162 : memref<88x128xi32, #tpu.memory_space<hbm>>) dst(%dma_wait3A_156 : memref<88x128xi32, #tpu.memory_space<vmem>>)
        tpu.yield
      }) : () -> ()
    } else {
    }
    %eq3A_32 = arith.constant 1 : i32
    %eq3A_33 = arith.cmpi eq, %arg0, %eq3A_32 : i32
    %lt3A_34 = arith.constant 15 : i32
    %lt3A_35 = arith.cmpi slt, %arg1, %lt3A_34 : i32
    %and3A_36 = arith.andi %eq3A_33, %lt3A_35 : i1
    %convert_element_type3A_37 = arith.extui %and3A_36 : i1 to i32
    %cond3A_38 = arith.constant 1 : i32
    %cond3A_39 = arith.constant 0 : i32
    %cond3A_40 = arith.cmpi ne, %convert_element_type3A_37, %cond3A_39 : i32
    scf.if %cond3A_40 {
      %mul3A_126 = arith.constant 72 : i32
      %mul3A_127 = arith.muli %arg1, %mul3A_126 : i32
      %add3A = arith.constant 1408 : i32
      %add3A_128 = arith.addi %add3A, %mul3A_127 : i32
      "tpu.region"() ({
        %run_scoped3A = tpu.sem_alloc : memref<!tpu.dma_semaphore, #tpu.memory_space<semaphore_mem>>
        %dma_start3A = arith.constant 0 : i32
        %dma_start3A_129 = arith.constant 0 : i32
        %dma_start3A_130 = tpu.memref_slice %arg7[%dma_start3A, %dma_start3A_129] : memref<88x128xi32, #tpu.memory_space<vmem>> -> memref<72x128xi32, #tpu.memory_space<vmem>>
        %dma_start3A_131 = arith.constant 0 : i32
        %dma_start3A_132 = arith.constant 0 : i32
        %dma_start3A_133 = tpu.memref_slice %arg2[%cond3A_38, %dma_start3A_131, %dma_start3A_132] : memref<2x2500x128xi32, #tpu.memory_space<hbm>> -> memref<1x2500x128xi32, #tpu.memory_space<hbm>>
        %dma_start3A_134 = tpu.memref_squeeze %dma_start3A_133 : memref<1x2500x128xi32, #tpu.memory_space<hbm>> -> memref<2500x128xi32, #tpu.memory_space<hbm>>
        %dma_start3A_135 = arith.constant 0 : i32
        %dma_start3A_136 = tpu.memref_slice %dma_start3A_134[%add3A_128, %dma_start3A_135] : memref<2500x128xi32, #tpu.memory_space<hbm>> -> memref<72x128xi32, #tpu.memory_space<hbm>>
        %dma_start3A_137 = arith.constant 0 : i32
        %dma_start3A_138 = arith.constant 0 : i32
        %dma_start3A_139 = tpu.memref_slice %arg7[%dma_start3A_137, %dma_start3A_138] : memref<88x128xi32, #tpu.memory_space<vmem>> -> memref<72x128xi32, #tpu.memory_space<vmem>>
        %dma_start3A_140 = arith.constant 0 : i32
        %dma_start3A_141 = arith.constant 0 : i32
        %dma_start3A_142 = tpu.memref_slice %arg2[%cond3A_38, %dma_start3A_140, %dma_start3A_141] : memref<2x2500x128xi32, #tpu.memory_space<hbm>> -> memref<1x2500x128xi32, #tpu.memory_space<hbm>>
        %dma_start3A_143 = tpu.memref_squeeze %dma_start3A_142 : memref<1x2500x128xi32, #tpu.memory_space<hbm>> -> memref<2500x128xi32, #tpu.memory_space<hbm>>
        %dma_start3A_144 = arith.constant 0 : i32
        %dma_start3A_145 = tpu.memref_slice %dma_start3A_143[%add3A_128, %dma_start3A_144] : memref<2500x128xi32, #tpu.memory_space<hbm>> -> memref<72x128xi32, #tpu.memory_space<hbm>>
        tpu.enqueue_dma source(%dma_start3A_145 : memref<72x128xi32, #tpu.memory_space<hbm>>) target(%dma_start3A_139 : memref<72x128xi32, #tpu.memory_space<vmem>>) target_semaphore(%run_scoped3A : memref<!tpu.dma_semaphore, #tpu.memory_space<semaphore_mem>>)
        %dma_wait3A_146 = arith.constant 0 : i32
        %dma_wait3A_147 = arith.constant 0 : i32
        %dma_wait3A_148 = tpu.memref_slice %arg7[%dma_wait3A_146, %dma_wait3A_147] : memref<88x128xi32, #tpu.memory_space<vmem>> -> memref<72x128xi32, #tpu.memory_space<vmem>>
        %dma_wait3A_149 = arith.constant 0 : i32
        %dma_wait3A_150 = arith.constant 0 : i32
        %dma_wait3A_151 = tpu.memref_slice %arg2[%cond3A_38, %dma_wait3A_149, %dma_wait3A_150] : memref<2x2500x128xi32, #tpu.memory_space<hbm>> -> memref<1x2500x128xi32, #tpu.memory_space<hbm>>
        %dma_wait3A_152 = tpu.memref_squeeze %dma_wait3A_151 : memref<1x2500x128xi32, #tpu.memory_space<hbm>> -> memref<2500x128xi32, #tpu.memory_space<hbm>>
        %dma_wait3A_153 = arith.constant 0 : i32
        %dma_wait3A_154 = tpu.memref_slice %dma_wait3A_152[%add3A_128, %dma_wait3A_153] : memref<2500x128xi32, #tpu.memory_space<hbm>> -> memref<72x128xi32, #tpu.memory_space<hbm>>
        %dma_wait3A_155 = arith.constant 0 : i32
        %dma_wait3A_156 = arith.constant 0 : i32
        %dma_wait3A_157 = tpu.memref_slice %arg7[%dma_wait3A_155, %dma_wait3A_156] : memref<88x128xi32, #tpu.memory_space<vmem>> -> memref<72x128xi32, #tpu.memory_space<vmem>>
        %dma_wait3A_158 = arith.constant 0 : i32
        %dma_wait3A_159 = arith.constant 0 : i32
        %dma_wait3A_160 = tpu.memref_slice %arg2[%cond3A_38, %dma_wait3A_158, %dma_wait3A_159] : memref<2x2500x128xi32, #tpu.memory_space<hbm>> -> memref<1x2500x128xi32, #tpu.memory_space<hbm>>
        %dma_wait3A_161 = tpu.memref_squeeze %dma_wait3A_160 : memref<1x2500x128xi32, #tpu.memory_space<hbm>> -> memref<2500x128xi32, #tpu.memory_space<hbm>>
        %dma_wait3A_162 = arith.constant 0 : i32
        %dma_wait3A_163 = tpu.memref_slice %dma_wait3A_161[%add3A_128, %dma_wait3A_162] : memref<2500x128xi32, #tpu.memory_space<hbm>> -> memref<72x128xi32, #tpu.memory_space<hbm>>
        tpu.wait_dma2 semaphore(%run_scoped3A : memref<!tpu.dma_semaphore, #tpu.memory_space<semaphore_mem>>) src(%dma_wait3A_163 : memref<72x128xi32, #tpu.memory_space<hbm>>) dst(%dma_wait3A_157 : memref<72x128xi32, #tpu.memory_space<vmem>>)
        tpu.yield
      }) : () -> ()
    } else {
    }
    %eq3A_41 = arith.constant 1 : i32
    %eq3A_42 = arith.cmpi eq, %arg0, %eq3A_41 : i32
    %eq3A_43 = arith.constant 15 : i32
    %eq3A_44 = arith.cmpi eq, %arg1, %eq3A_43 : i32
    %and3A_45 = arith.andi %eq3A_42, %eq3A_44 : i1
    %convert_element_type3A_46 = arith.extui %and3A_45 : i1 to i32
    %cond3A_47 = arith.constant 1 : i32
    %cond3A_48 = arith.constant 0 : i32
    %cond3A_49 = arith.cmpi ne, %convert_element_type3A_46, %cond3A_48 : i32
    scf.if %cond3A_49 {
      "tpu.region"() ({
        %run_scoped3A = tpu.sem_alloc : memref<!tpu.dma_semaphore, #tpu.memory_space<semaphore_mem>>
        %dma_start3A = arith.constant 0 : i32
        %dma_start3A_126 = arith.constant 0 : i32
        %dma_start3A_127 = tpu.memref_slice %arg7[%dma_start3A, %dma_start3A_126] : memref<88x128xi32, #tpu.memory_space<vmem>> -> memref<12x128xi32, #tpu.memory_space<vmem>>
        %dma_start3A_128 = arith.constant 0 : i32
        %dma_start3A_129 = arith.constant 0 : i32
        %dma_start3A_130 = tpu.memref_slice %arg2[%cond3A_47, %dma_start3A_128, %dma_start3A_129] : memref<2x2500x128xi32, #tpu.memory_space<hbm>> -> memref<1x2500x128xi32, #tpu.memory_space<hbm>>
        %dma_start3A_131 = tpu.memref_squeeze %dma_start3A_130 : memref<1x2500x128xi32, #tpu.memory_space<hbm>> -> memref<2500x128xi32, #tpu.memory_space<hbm>>
        %dma_start3A_132 = arith.constant 2488 : i32
        %dma_start3A_133 = arith.constant 0 : i32
        %dma_start3A_134 = tpu.memref_slice %dma_start3A_131[%dma_start3A_132, %dma_start3A_133] : memref<2500x128xi32, #tpu.memory_space<hbm>> -> memref<12x128xi32, #tpu.memory_space<hbm>>
        %dma_start3A_135 = arith.constant 0 : i32
        %dma_start3A_136 = arith.constant 0 : i32
        %dma_start3A_137 = tpu.memref_slice %arg7[%dma_start3A_135, %dma_start3A_136] : memref<88x128xi32, #tpu.memory_space<vmem>> -> memref<12x128xi32, #tpu.memory_space<vmem>>
        %dma_start3A_138 = arith.constant 0 : i32
        %dma_start3A_139 = arith.constant 0 : i32
        %dma_start3A_140 = tpu.memref_slice %arg2[%cond3A_47, %dma_start3A_138, %dma_start3A_139] : memref<2x2500x128xi32, #tpu.memory_space<hbm>> -> memref<1x2500x128xi32, #tpu.memory_space<hbm>>
        %dma_start3A_141 = tpu.memref_squeeze %dma_start3A_140 : memref<1x2500x128xi32, #tpu.memory_space<hbm>> -> memref<2500x128xi32, #tpu.memory_space<hbm>>
        %dma_start3A_142 = arith.constant 2488 : i32
        %dma_start3A_143 = arith.constant 0 : i32
        %dma_start3A_144 = tpu.memref_slice %dma_start3A_141[%dma_start3A_142, %dma_start3A_143] : memref<2500x128xi32, #tpu.memory_space<hbm>> -> memref<12x128xi32, #tpu.memory_space<hbm>>
        tpu.enqueue_dma source(%dma_start3A_144 : memref<12x128xi32, #tpu.memory_space<hbm>>) target(%dma_start3A_137 : memref<12x128xi32, #tpu.memory_space<vmem>>) target_semaphore(%run_scoped3A : memref<!tpu.dma_semaphore, #tpu.memory_space<semaphore_mem>>)
        %dma_wait3A_145 = arith.constant 0 : i32
        %dma_wait3A_146 = arith.constant 0 : i32
        %dma_wait3A_147 = tpu.memref_slice %arg7[%dma_wait3A_145, %dma_wait3A_146] : memref<88x128xi32, #tpu.memory_space<vmem>> -> memref<12x128xi32, #tpu.memory_space<vmem>>
        %dma_wait3A_148 = arith.constant 0 : i32
        %dma_wait3A_149 = arith.constant 0 : i32
        %dma_wait3A_150 = tpu.memref_slice %arg2[%cond3A_47, %dma_wait3A_148, %dma_wait3A_149] : memref<2x2500x128xi32, #tpu.memory_space<hbm>> -> memref<1x2500x128xi32, #tpu.memory_space<hbm>>
        %dma_wait3A_151 = tpu.memref_squeeze %dma_wait3A_150 : memref<1x2500x128xi32, #tpu.memory_space<hbm>> -> memref<2500x128xi32, #tpu.memory_space<hbm>>
        %dma_wait3A_152 = arith.constant 2488 : i32
        %dma_wait3A_153 = arith.constant 0 : i32
        %dma_wait3A_154 = tpu.memref_slice %dma_wait3A_151[%dma_wait3A_152, %dma_wait3A_153] : memref<2500x128xi32, #tpu.memory_space<hbm>> -> memref<12x128xi32, #tpu.memory_space<hbm>>
        %dma_wait3A_155 = arith.constant 0 : i32
        %dma_wait3A_156 = arith.constant 0 : i32
        %dma_wait3A_157 = tpu.memref_slice %arg7[%dma_wait3A_155, %dma_wait3A_156] : memref<88x128xi32, #tpu.memory_space<vmem>> -> memref<12x128xi32, #tpu.memory_space<vmem>>
        %dma_wait3A_158 = arith.constant 0 : i32
        %dma_wait3A_159 = arith.constant 0 : i32
        %dma_wait3A_160 = tpu.memref_slice %arg2[%cond3A_47, %dma_wait3A_158, %dma_wait3A_159] : memref<2x2500x128xi32, #tpu.memory_space<hbm>> -> memref<1x2500x128xi32, #tpu.memory_space<hbm>>
        %dma_wait3A_161 = tpu.memref_squeeze %dma_wait3A_160 : memref<1x2500x128xi32, #tpu.memory_space<hbm>> -> memref<2500x128xi32, #tpu.memory_space<hbm>>
        %dma_wait3A_162 = arith.constant 2488 : i32
        %dma_wait3A_163 = arith.constant 0 : i32
        %dma_wait3A_164 = tpu.memref_slice %dma_wait3A_161[%dma_wait3A_162, %dma_wait3A_163] : memref<2500x128xi32, #tpu.memory_space<hbm>> -> memref<12x128xi32, #tpu.memory_space<hbm>>
        tpu.wait_dma2 semaphore(%run_scoped3A : memref<!tpu.dma_semaphore, #tpu.memory_space<semaphore_mem>>) src(%dma_wait3A_164 : memref<12x128xi32, #tpu.memory_space<hbm>>) dst(%dma_wait3A_157 : memref<12x128xi32, #tpu.memory_space<vmem>>)
        tpu.yield
      }) : () -> ()
    } else {
    }
    %mul3A = arith.constant 632 : i32
    %mul3A_50 = arith.muli %arg1, %mul3A : i32
    "tpu.region"() ({
      %run_scoped3A = tpu.sem_alloc : memref<!tpu.dma_semaphore, #tpu.memory_space<semaphore_mem>>
      %dma_start3A = arith.constant 0 : i32
      %dma_start3A_126 = tpu.memref_slice %arg9[%mul3A_50, %dma_start3A] : memref<10112x16xf32, #tpu.memory_space<vmem_shared>> -> memref<632x16xf32, #tpu.memory_space<vmem_shared>>
      tpu.enqueue_dma source(%arg4 : memref<632x16xf32, #tpu.memory_space<hbm>>) target(%dma_start3A_126 : memref<632x16xf32, #tpu.memory_space<vmem_shared>>) target_semaphore(%run_scoped3A : memref<!tpu.dma_semaphore, #tpu.memory_space<semaphore_mem>>)
      %dma_wait3A_127 = arith.constant 0 : i32
      %dma_wait3A_128 = tpu.memref_slice %arg9[%mul3A_50, %dma_wait3A_127] : memref<10112x16xf32, #tpu.memory_space<vmem_shared>> -> memref<632x16xf32, #tpu.memory_space<vmem_shared>>
      tpu.wait_dma2 semaphore(%run_scoped3A : memref<!tpu.dma_semaphore, #tpu.memory_space<semaphore_mem>>) src(%arg4 : memref<632x16xf32, #tpu.memory_space<hbm>>) dst(%dma_wait3A_128 : memref<632x16xf32, #tpu.memory_space<vmem_shared>>)
      tpu.yield
    }) : () -> ()
    %barrier3A = arith.constant 0 : index
    tpu.barrier barrier_id(%barrier3A)
    %lt3A_51 = arith.constant 0 : i32
    %lt3A_52 = arith.cmpi slt, %lt3A_51, %select_n3A_4 : i32
    %convert_element_type3A_53 = arith.extui %lt3A_52 : i1 to i32
    %cond3A_54 = arith.constant 0 : i32
    %cond3A_55 = arith.constant 0 : i32
    %cond3A_56 = arith.cmpi ne, %convert_element_type3A_53, %cond3A_55 : i32
    scf.if %cond3A_56 {
      %rem3A_126 = arith.constant 8 : i32
      %rem3A_127 = arith.remsi %cond3A_54, %rem3A_126 : i32
      %dma_start3A = arith.constant 0 : i32
      %dma_start3A_128 = arith.constant 0 : i32
      %dma_start3A_129 = tpu.memref_slice %arg8[%rem3A_127, %dma_start3A, %dma_start3A_128] : memref<8x128x16xf32, #tpu.memory_space<vmem>> -> memref<1x128x16xf32, #tpu.memory_space<vmem>>
      %dma_start3A_130 = tpu.memref_squeeze %dma_start3A_129 : memref<1x128x16xf32, #tpu.memory_space<vmem>> -> memref<128x16xf32, #tpu.memory_space<vmem>>
      %dma_start3A_131 = arith.constant 0 : i32
      %dma_start3A_132 = tpu.memref_slice %arg6[%cond3A_54, %dma_start3A_131] : memref<88x128xi32, #tpu.memory_space<vmem>> -> memref<1x128xi32, #tpu.memory_space<vmem>>
      %dma_start3A_133 = tpu.memref_squeeze %dma_start3A_132 : memref<1x128xi32, #tpu.memory_space<vmem>> -> memref<128xi32, #tpu.memory_space<vmem>>
      %dma_start3A_134 = arith.constant 0 : i32
      %dma_start3A_135 = arith.constant 0 : i32
      %dma_start3A_136 = tpu.memref_slice %arg3[%dma_start3A_134, %dma_start3A_135] : memref<10000x16xf32, #tpu.memory_space<hbm>> -> memref<10000x16xf32, #tpu.memory_space<hbm>>
      %dma_start3A_137 = tpu.memref_slice %arg10[%rem3A_127] : memref<8x!tpu.dma_semaphore, #tpu.memory_space<semaphore_mem>> -> memref<1x!tpu.dma_semaphore, #tpu.memory_space<semaphore_mem>>
      %dma_start3A_138 = tpu.memref_squeeze %dma_start3A_137 : memref<1x!tpu.dma_semaphore, #tpu.memory_space<semaphore_mem>> -> memref<!tpu.dma_semaphore, #tpu.memory_space<semaphore_mem>>
      tpu.enqueue_indirect_dma source(%dma_start3A_136 : memref<10000x16xf32, #tpu.memory_space<hbm>>) target(%dma_start3A_130 : memref<128x16xf32, #tpu.memory_space<vmem>>) offsets(%dma_start3A_133 : memref<128xi32, #tpu.memory_space<vmem>>) semaphore(%dma_start3A_138 : memref<!tpu.dma_semaphore, #tpu.memory_space<semaphore_mem>>)
    } else {
    }
    %lt3A_57 = arith.constant 1 : i32
    %lt3A_58 = arith.cmpi slt, %lt3A_57, %select_n3A_4 : i32
    %convert_element_type3A_59 = arith.extui %lt3A_58 : i1 to i32
    %cond3A_60 = arith.constant 1 : i32
    %cond3A_61 = arith.constant 0 : i32
    %cond3A_62 = arith.cmpi ne, %convert_element_type3A_59, %cond3A_61 : i32
    scf.if %cond3A_62 {
      %rem3A_126 = arith.constant 8 : i32
      %rem3A_127 = arith.remsi %cond3A_60, %rem3A_126 : i32
      %dma_start3A = arith.constant 0 : i32
      %dma_start3A_128 = arith.constant 0 : i32
      %dma_start3A_129 = tpu.memref_slice %arg8[%rem3A_127, %dma_start3A, %dma_start3A_128] : memref<8x128x16xf32, #tpu.memory_space<vmem>> -> memref<1x128x16xf32, #tpu.memory_space<vmem>>
      %dma_start3A_130 = tpu.memref_squeeze %dma_start3A_129 : memref<1x128x16xf32, #tpu.memory_space<vmem>> -> memref<128x16xf32, #tpu.memory_space<vmem>>
      %dma_start3A_131 = arith.constant 0 : i32
      %dma_start3A_132 = tpu.memref_slice %arg6[%cond3A_60, %dma_start3A_131] : memref<88x128xi32, #tpu.memory_space<vmem>> -> memref<1x128xi32, #tpu.memory_space<vmem>>
      %dma_start3A_133 = tpu.memref_squeeze %dma_start3A_132 : memref<1x128xi32, #tpu.memory_space<vmem>> -> memref<128xi32, #tpu.memory_space<vmem>>
      %dma_start3A_134 = arith.constant 0 : i32
      %dma_start3A_135 = arith.constant 0 : i32
      %dma_start3A_136 = tpu.memref_slice %arg3[%dma_start3A_134, %dma_start3A_135] : memref<10000x16xf32, #tpu.memory_space<hbm>> -> memref<10000x16xf32, #tpu.memory_space<hbm>>
      %dma_start3A_137 = tpu.memref_slice %arg10[%rem3A_127] : memref<8x!tpu.dma_semaphore, #tpu.memory_space<semaphore_mem>> -> memref<1x!tpu.dma_semaphore, #tpu.memory_space<semaphore_mem>>
      %dma_start3A_138 = tpu.memref_squeeze %dma_start3A_137 : memref<1x!tpu.dma_semaphore, #tpu.memory_space<semaphore_mem>> -> memref<!tpu.dma_semaphore, #tpu.memory_space<semaphore_mem>>
      tpu.enqueue_indirect_dma source(%dma_start3A_136 : memref<10000x16xf32, #tpu.memory_space<hbm>>) target(%dma_start3A_130 : memref<128x16xf32, #tpu.memory_space<vmem>>) offsets(%dma_start3A_133 : memref<128xi32, #tpu.memory_space<vmem>>) semaphore(%dma_start3A_138 : memref<!tpu.dma_semaphore, #tpu.memory_space<semaphore_mem>>)
    } else {
    }
    %lt3A_63 = arith.constant 2 : i32
    %lt3A_64 = arith.cmpi slt, %lt3A_63, %select_n3A_4 : i32
    %convert_element_type3A_65 = arith.extui %lt3A_64 : i1 to i32
    %cond3A_66 = arith.constant 2 : i32
    %cond3A_67 = arith.constant 0 : i32
    %cond3A_68 = arith.cmpi ne, %convert_element_type3A_65, %cond3A_67 : i32
    scf.if %cond3A_68 {
      %rem3A_126 = arith.constant 8 : i32
      %rem3A_127 = arith.remsi %cond3A_66, %rem3A_126 : i32
      %dma_start3A = arith.constant 0 : i32
      %dma_start3A_128 = arith.constant 0 : i32
      %dma_start3A_129 = tpu.memref_slice %arg8[%rem3A_127, %dma_start3A, %dma_start3A_128] : memref<8x128x16xf32, #tpu.memory_space<vmem>> -> memref<1x128x16xf32, #tpu.memory_space<vmem>>
      %dma_start3A_130 = tpu.memref_squeeze %dma_start3A_129 : memref<1x128x16xf32, #tpu.memory_space<vmem>> -> memref<128x16xf32, #tpu.memory_space<vmem>>
      %dma_start3A_131 = arith.constant 0 : i32
      %dma_start3A_132 = tpu.memref_slice %arg6[%cond3A_66, %dma_start3A_131] : memref<88x128xi32, #tpu.memory_space<vmem>> -> memref<1x128xi32, #tpu.memory_space<vmem>>
      %dma_start3A_133 = tpu.memref_squeeze %dma_start3A_132 : memref<1x128xi32, #tpu.memory_space<vmem>> -> memref<128xi32, #tpu.memory_space<vmem>>
      %dma_start3A_134 = arith.constant 0 : i32
      %dma_start3A_135 = arith.constant 0 : i32
      %dma_start3A_136 = tpu.memref_slice %arg3[%dma_start3A_134, %dma_start3A_135] : memref<10000x16xf32, #tpu.memory_space<hbm>> -> memref<10000x16xf32, #tpu.memory_space<hbm>>
      %dma_start3A_137 = tpu.memref_slice %arg10[%rem3A_127] : memref<8x!tpu.dma_semaphore, #tpu.memory_space<semaphore_mem>> -> memref<1x!tpu.dma_semaphore, #tpu.memory_space<semaphore_mem>>
      %dma_start3A_138 = tpu.memref_squeeze %dma_start3A_137 : memref<1x!tpu.dma_semaphore, #tpu.memory_space<semaphore_mem>> -> memref<!tpu.dma_semaphore, #tpu.memory_space<semaphore_mem>>
      tpu.enqueue_indirect_dma source(%dma_start3A_136 : memref<10000x16xf32, #tpu.memory_space<hbm>>) target(%dma_start3A_130 : memref<128x16xf32, #tpu.memory_space<vmem>>) offsets(%dma_start3A_133 : memref<128xi32, #tpu.memory_space<vmem>>) semaphore(%dma_start3A_138 : memref<!tpu.dma_semaphore, #tpu.memory_space<semaphore_mem>>)
    } else {
    }
    %lt3A_69 = arith.constant 3 : i32
    %lt3A_70 = arith.cmpi slt, %lt3A_69, %select_n3A_4 : i32
    %convert_element_type3A_71 = arith.extui %lt3A_70 : i1 to i32
    %cond3A_72 = arith.constant 3 : i32
    %cond3A_73 = arith.constant 0 : i32
    %cond3A_74 = arith.cmpi ne, %convert_element_type3A_71, %cond3A_73 : i32
    scf.if %cond3A_74 {
      %rem3A_126 = arith.constant 8 : i32
      %rem3A_127 = arith.remsi %cond3A_72, %rem3A_126 : i32
      %dma_start3A = arith.constant 0 : i32
      %dma_start3A_128 = arith.constant 0 : i32
      %dma_start3A_129 = tpu.memref_slice %arg8[%rem3A_127, %dma_start3A, %dma_start3A_128] : memref<8x128x16xf32, #tpu.memory_space<vmem>> -> memref<1x128x16xf32, #tpu.memory_space<vmem>>
      %dma_start3A_130 = tpu.memref_squeeze %dma_start3A_129 : memref<1x128x16xf32, #tpu.memory_space<vmem>> -> memref<128x16xf32, #tpu.memory_space<vmem>>
      %dma_start3A_131 = arith.constant 0 : i32
      %dma_start3A_132 = tpu.memref_slice %arg6[%cond3A_72, %dma_start3A_131] : memref<88x128xi32, #tpu.memory_space<vmem>> -> memref<1x128xi32, #tpu.memory_space<vmem>>
      %dma_start3A_133 = tpu.memref_squeeze %dma_start3A_132 : memref<1x128xi32, #tpu.memory_space<vmem>> -> memref<128xi32, #tpu.memory_space<vmem>>
      %dma_start3A_134 = arith.constant 0 : i32
      %dma_start3A_135 = arith.constant 0 : i32
      %dma_start3A_136 = tpu.memref_slice %arg3[%dma_start3A_134, %dma_start3A_135] : memref<10000x16xf32, #tpu.memory_space<hbm>> -> memref<10000x16xf32, #tpu.memory_space<hbm>>
      %dma_start3A_137 = tpu.memref_slice %arg10[%rem3A_127] : memref<8x!tpu.dma_semaphore, #tpu.memory_space<semaphore_mem>> -> memref<1x!tpu.dma_semaphore, #tpu.memory_space<semaphore_mem>>
      %dma_start3A_138 = tpu.memref_squeeze %dma_start3A_137 : memref<1x!tpu.dma_semaphore, #tpu.memory_space<semaphore_mem>> -> memref<!tpu.dma_semaphore, #tpu.memory_space<semaphore_mem>>
      tpu.enqueue_indirect_dma source(%dma_start3A_136 : memref<10000x16xf32, #tpu.memory_space<hbm>>) target(%dma_start3A_130 : memref<128x16xf32, #tpu.memory_space<vmem>>) offsets(%dma_start3A_133 : memref<128xi32, #tpu.memory_space<vmem>>) semaphore(%dma_start3A_138 : memref<!tpu.dma_semaphore, #tpu.memory_space<semaphore_mem>>)
    } else {
    }
    %lt3A_75 = arith.constant 4 : i32
    %lt3A_76 = arith.cmpi slt, %lt3A_75, %select_n3A_4 : i32
    %convert_element_type3A_77 = arith.extui %lt3A_76 : i1 to i32
    %cond3A_78 = arith.constant 4 : i32
    %cond3A_79 = arith.constant 0 : i32
    %cond3A_80 = arith.cmpi ne, %convert_element_type3A_77, %cond3A_79 : i32
    scf.if %cond3A_80 {
      %rem3A_126 = arith.constant 8 : i32
      %rem3A_127 = arith.remsi %cond3A_78, %rem3A_126 : i32
      %dma_start3A = arith.constant 0 : i32
      %dma_start3A_128 = arith.constant 0 : i32
      %dma_start3A_129 = tpu.memref_slice %arg8[%rem3A_127, %dma_start3A, %dma_start3A_128] : memref<8x128x16xf32, #tpu.memory_space<vmem>> -> memref<1x128x16xf32, #tpu.memory_space<vmem>>
      %dma_start3A_130 = tpu.memref_squeeze %dma_start3A_129 : memref<1x128x16xf32, #tpu.memory_space<vmem>> -> memref<128x16xf32, #tpu.memory_space<vmem>>
      %dma_start3A_131 = arith.constant 0 : i32
      %dma_start3A_132 = tpu.memref_slice %arg6[%cond3A_78, %dma_start3A_131] : memref<88x128xi32, #tpu.memory_space<vmem>> -> memref<1x128xi32, #tpu.memory_space<vmem>>
      %dma_start3A_133 = tpu.memref_squeeze %dma_start3A_132 : memref<1x128xi32, #tpu.memory_space<vmem>> -> memref<128xi32, #tpu.memory_space<vmem>>
      %dma_start3A_134 = arith.constant 0 : i32
      %dma_start3A_135 = arith.constant 0 : i32
      %dma_start3A_136 = tpu.memref_slice %arg3[%dma_start3A_134, %dma_start3A_135] : memref<10000x16xf32, #tpu.memory_space<hbm>> -> memref<10000x16xf32, #tpu.memory_space<hbm>>
      %dma_start3A_137 = tpu.memref_slice %arg10[%rem3A_127] : memref<8x!tpu.dma_semaphore, #tpu.memory_space<semaphore_mem>> -> memref<1x!tpu.dma_semaphore, #tpu.memory_space<semaphore_mem>>
      %dma_start3A_138 = tpu.memref_squeeze %dma_start3A_137 : memref<1x!tpu.dma_semaphore, #tpu.memory_space<semaphore_mem>> -> memref<!tpu.dma_semaphore, #tpu.memory_space<semaphore_mem>>
      tpu.enqueue_indirect_dma source(%dma_start3A_136 : memref<10000x16xf32, #tpu.memory_space<hbm>>) target(%dma_start3A_130 : memref<128x16xf32, #tpu.memory_space<vmem>>) offsets(%dma_start3A_133 : memref<128xi32, #tpu.memory_space<vmem>>) semaphore(%dma_start3A_138 : memref<!tpu.dma_semaphore, #tpu.memory_space<semaphore_mem>>)
    } else {
    }
    %lt3A_81 = arith.constant 5 : i32
    %lt3A_82 = arith.cmpi slt, %lt3A_81, %select_n3A_4 : i32
    %convert_element_type3A_83 = arith.extui %lt3A_82 : i1 to i32
    %cond3A_84 = arith.constant 5 : i32
    %cond3A_85 = arith.constant 0 : i32
    %cond3A_86 = arith.cmpi ne, %convert_element_type3A_83, %cond3A_85 : i32
    scf.if %cond3A_86 {
      %rem3A_126 = arith.constant 8 : i32
      %rem3A_127 = arith.remsi %cond3A_84, %rem3A_126 : i32
      %dma_start3A = arith.constant 0 : i32
      %dma_start3A_128 = arith.constant 0 : i32
      %dma_start3A_129 = tpu.memref_slice %arg8[%rem3A_127, %dma_start3A, %dma_start3A_128] : memref<8x128x16xf32, #tpu.memory_space<vmem>> -> memref<1x128x16xf32, #tpu.memory_space<vmem>>
      %dma_start3A_130 = tpu.memref_squeeze %dma_start3A_129 : memref<1x128x16xf32, #tpu.memory_space<vmem>> -> memref<128x16xf32, #tpu.memory_space<vmem>>
      %dma_start3A_131 = arith.constant 0 : i32
      %dma_start3A_132 = tpu.memref_slice %arg6[%cond3A_84, %dma_start3A_131] : memref<88x128xi32, #tpu.memory_space<vmem>> -> memref<1x128xi32, #tpu.memory_space<vmem>>
      %dma_start3A_133 = tpu.memref_squeeze %dma_start3A_132 : memref<1x128xi32, #tpu.memory_space<vmem>> -> memref<128xi32, #tpu.memory_space<vmem>>
      %dma_start3A_134 = arith.constant 0 : i32
      %dma_start3A_135 = arith.constant 0 : i32
      %dma_start3A_136 = tpu.memref_slice %arg3[%dma_start3A_134, %dma_start3A_135] : memref<10000x16xf32, #tpu.memory_space<hbm>> -> memref<10000x16xf32, #tpu.memory_space<hbm>>
      %dma_start3A_137 = tpu.memref_slice %arg10[%rem3A_127] : memref<8x!tpu.dma_semaphore, #tpu.memory_space<semaphore_mem>> -> memref<1x!tpu.dma_semaphore, #tpu.memory_space<semaphore_mem>>
      %dma_start3A_138 = tpu.memref_squeeze %dma_start3A_137 : memref<1x!tpu.dma_semaphore, #tpu.memory_space<semaphore_mem>> -> memref<!tpu.dma_semaphore, #tpu.memory_space<semaphore_mem>>
      tpu.enqueue_indirect_dma source(%dma_start3A_136 : memref<10000x16xf32, #tpu.memory_space<hbm>>) target(%dma_start3A_130 : memref<128x16xf32, #tpu.memory_space<vmem>>) offsets(%dma_start3A_133 : memref<128xi32, #tpu.memory_space<vmem>>) semaphore(%dma_start3A_138 : memref<!tpu.dma_semaphore, #tpu.memory_space<semaphore_mem>>)
    } else {
    }
    %lt3A_87 = arith.constant 6 : i32
    %lt3A_88 = arith.cmpi slt, %lt3A_87, %select_n3A_4 : i32
    %convert_element_type3A_89 = arith.extui %lt3A_88 : i1 to i32
    %cond3A_90 = arith.constant 6 : i32
    %cond3A_91 = arith.constant 0 : i32
    %cond3A_92 = arith.cmpi ne, %convert_element_type3A_89, %cond3A_91 : i32
    scf.if %cond3A_92 {
      %rem3A_126 = arith.constant 8 : i32
      %rem3A_127 = arith.remsi %cond3A_90, %rem3A_126 : i32
      %dma_start3A = arith.constant 0 : i32
      %dma_start3A_128 = arith.constant 0 : i32
      %dma_start3A_129 = tpu.memref_slice %arg8[%rem3A_127, %dma_start3A, %dma_start3A_128] : memref<8x128x16xf32, #tpu.memory_space<vmem>> -> memref<1x128x16xf32, #tpu.memory_space<vmem>>
      %dma_start3A_130 = tpu.memref_squeeze %dma_start3A_129 : memref<1x128x16xf32, #tpu.memory_space<vmem>> -> memref<128x16xf32, #tpu.memory_space<vmem>>
      %dma_start3A_131 = arith.constant 0 : i32
      %dma_start3A_132 = tpu.memref_slice %arg6[%cond3A_90, %dma_start3A_131] : memref<88x128xi32, #tpu.memory_space<vmem>> -> memref<1x128xi32, #tpu.memory_space<vmem>>
      %dma_start3A_133 = tpu.memref_squeeze %dma_start3A_132 : memref<1x128xi32, #tpu.memory_space<vmem>> -> memref<128xi32, #tpu.memory_space<vmem>>
      %dma_start3A_134 = arith.constant 0 : i32
      %dma_start3A_135 = arith.constant 0 : i32
      %dma_start3A_136 = tpu.memref_slice %arg3[%dma_start3A_134, %dma_start3A_135] : memref<10000x16xf32, #tpu.memory_space<hbm>> -> memref<10000x16xf32, #tpu.memory_space<hbm>>
      %dma_start3A_137 = tpu.memref_slice %arg10[%rem3A_127] : memref<8x!tpu.dma_semaphore, #tpu.memory_space<semaphore_mem>> -> memref<1x!tpu.dma_semaphore, #tpu.memory_space<semaphore_mem>>
      %dma_start3A_138 = tpu.memref_squeeze %dma_start3A_137 : memref<1x!tpu.dma_semaphore, #tpu.memory_space<semaphore_mem>> -> memref<!tpu.dma_semaphore, #tpu.memory_space<semaphore_mem>>
      tpu.enqueue_indirect_dma source(%dma_start3A_136 : memref<10000x16xf32, #tpu.memory_space<hbm>>) target(%dma_start3A_130 : memref<128x16xf32, #tpu.memory_space<vmem>>) offsets(%dma_start3A_133 : memref<128xi32, #tpu.memory_space<vmem>>) semaphore(%dma_start3A_138 : memref<!tpu.dma_semaphore, #tpu.memory_space<semaphore_mem>>)
    } else {
    }
    %while3A = arith.constant 0 : i32
    %while3A_93 = arith.constant 0 : i32
    %while3A_94 = arith.subi %select_n3A_4, %while3A_93 : i32
    %while3A_95 = arith.addi %while3A_93, %while3A_94 : i32
    %while3A_96 = arith.constant 1 : i32
    %while3A_97 = arith.divsi %while3A_94, %while3A_96 : i32
    %while3A_98 = arith.muli %while3A_97, %while3A_96 : i32
    %while3A_99 = arith.addi %while3A_93, %while3A_98 : i32
    %while3A_100 = arith.constant 1 : i32
    scf.for %while3A_126 = %while3A_93 to %while3A_99 step %while3A_100  : i32 {
      %rem3A_127 = arith.constant 8 : i32
      %rem3A_128 = arith.remsi %while3A_126, %rem3A_127 : i32
      %dma_wait3A_129 = arith.constant 0 : i32
      %dma_wait3A_130 = arith.constant 0 : i32
      %dma_wait3A_131 = tpu.memref_slice %arg8[%rem3A_128, %dma_wait3A_129, %dma_wait3A_130] : memref<8x128x16xf32, #tpu.memory_space<vmem>> -> memref<1x128x16xf32, #tpu.memory_space<vmem>>
      %dma_wait3A_132 = tpu.memref_squeeze %dma_wait3A_131 : memref<1x128x16xf32, #tpu.memory_space<vmem>> -> memref<128x16xf32, #tpu.memory_space<vmem>>
      %dma_wait3A_133 = arith.constant 0 : i32
      %dma_wait3A_134 = tpu.memref_slice %arg6[%while3A_126, %dma_wait3A_133] : memref<88x128xi32, #tpu.memory_space<vmem>> -> memref<1x128xi32, #tpu.memory_space<vmem>>
      %dma_wait3A_135 = tpu.memref_squeeze %dma_wait3A_134 : memref<1x128xi32, #tpu.memory_space<vmem>> -> memref<128xi32, #tpu.memory_space<vmem>>
      %dma_wait3A_136 = arith.constant 0 : i32
      %dma_wait3A_137 = arith.constant 0 : i32
      %dma_wait3A_138 = tpu.memref_slice %arg3[%dma_wait3A_136, %dma_wait3A_137] : memref<10000x16xf32, #tpu.memory_space<hbm>> -> memref<10000x16xf32, #tpu.memory_space<hbm>>
      %dma_wait3A_139 = tpu.memref_slice %arg10[%rem3A_128] : memref<8x!tpu.dma_semaphore, #tpu.memory_space<semaphore_mem>> -> memref<1x!tpu.dma_semaphore, #tpu.memory_space<semaphore_mem>>
      %dma_wait3A_140 = tpu.memref_squeeze %dma_wait3A_139 : memref<1x!tpu.dma_semaphore, #tpu.memory_space<semaphore_mem>> -> memref<!tpu.dma_semaphore, #tpu.memory_space<semaphore_mem>>
      tpu.wait_indirect_dma semaphore(%dma_wait3A_140 : memref<!tpu.dma_semaphore, #tpu.memory_space<semaphore_mem>>) src(%dma_wait3A_138 : memref<10000x16xf32, #tpu.memory_space<hbm>>) dst(%dma_wait3A_132 : memref<128x16xf32, #tpu.memory_space<vmem>>)
      %rem3A_141 = arith.constant 8 : i32
      %rem3A_142 = arith.remsi %while3A_126, %rem3A_141 : i32
      %dma_start3A = arith.constant 0 : i32
      %dma_start3A_143 = arith.constant 0 : i32
      %dma_start3A_144 = tpu.memref_slice %arg8[%rem3A_142, %dma_start3A, %dma_start3A_143] : memref<8x128x16xf32, #tpu.memory_space<vmem>> -> memref<1x128x16xf32, #tpu.memory_space<vmem>>
      %dma_start3A_145 = tpu.memref_squeeze %dma_start3A_144 : memref<1x128x16xf32, #tpu.memory_space<vmem>> -> memref<128x16xf32, #tpu.memory_space<vmem>>
      %dma_start3A_146 = arith.constant 0 : i32
      %dma_start3A_147 = tpu.memref_slice %arg7[%while3A_126, %dma_start3A_146] : memref<88x128xi32, #tpu.memory_space<vmem>> -> memref<1x128xi32, #tpu.memory_space<vmem>>
      %dma_start3A_148 = tpu.memref_squeeze %dma_start3A_147 : memref<1x128xi32, #tpu.memory_space<vmem>> -> memref<128xi32, #tpu.memory_space<vmem>>
      %dma_start3A_149 = arith.constant 0 : i32
      %dma_start3A_150 = arith.constant 0 : i32
      %dma_start3A_151 = tpu.memref_slice %arg9[%dma_start3A_149, %dma_start3A_150] : memref<10112x16xf32, #tpu.memory_space<vmem_shared>> -> memref<10112x16xf32, #tpu.memory_space<vmem_shared>>
      %dma_start3A_152 = tpu.memref_slice %arg11[%rem3A_142] : memref<8x!tpu.dma_semaphore, #tpu.memory_space<semaphore_mem>> -> memref<1x!tpu.dma_semaphore, #tpu.memory_space<semaphore_mem>>
      %dma_start3A_153 = tpu.memref_squeeze %dma_start3A_152 : memref<1x!tpu.dma_semaphore, #tpu.memory_space<semaphore_mem>> -> memref<!tpu.dma_semaphore, #tpu.memory_space<semaphore_mem>>
      tpu.enqueue_indirect_dma source(%dma_start3A_145 : memref<128x16xf32, #tpu.memory_space<vmem>>) target(%dma_start3A_151 : memref<10112x16xf32, #tpu.memory_space<vmem_shared>>) offsets(%dma_start3A_148 : memref<128xi32, #tpu.memory_space<vmem>>) semaphore(%dma_start3A_153 : memref<!tpu.dma_semaphore, #tpu.memory_space<semaphore_mem>>) {add = true}
      %ge3A = arith.constant 1 : i32
      %ge3A_154 = arith.cmpi sge, %while3A_126, %ge3A : i32
      %convert_element_type3A_155 = arith.extui %ge3A_154 : i1 to i32
      %cond3A_156 = arith.constant 0 : i32
      %cond3A_157 = arith.cmpi ne, %convert_element_type3A_155, %cond3A_156 : i32
      scf.if %cond3A_157 {
        %sub3A_165 = arith.constant 1 : i32
        %sub3A_166 = arith.subi %while3A_126, %sub3A_165 : i32
        %rem3A_167 = arith.constant 8 : i32
        %rem3A_168 = arith.remsi %sub3A_166, %rem3A_167 : i32
        %dma_wait3A_169 = arith.constant 0 : i32
        %dma_wait3A_170 = arith.constant 0 : i32
        %dma_wait3A_171 = tpu.memref_slice %arg8[%rem3A_168, %dma_wait3A_169, %dma_wait3A_170] : memref<8x128x16xf32, #tpu.memory_space<vmem>> -> memref<1x128x16xf32, #tpu.memory_space<vmem>>
        %dma_wait3A_172 = tpu.memref_squeeze %dma_wait3A_171 : memref<1x128x16xf32, #tpu.memory_space<vmem>> -> memref<128x16xf32, #tpu.memory_space<vmem>>
        %dma_wait3A_173 = arith.constant 0 : i32
        %dma_wait3A_174 = tpu.memref_slice %arg7[%sub3A_166, %dma_wait3A_173] : memref<88x128xi32, #tpu.memory_space<vmem>> -> memref<1x128xi32, #tpu.memory_space<vmem>>
        %dma_wait3A_175 = tpu.memref_squeeze %dma_wait3A_174 : memref<1x128xi32, #tpu.memory_space<vmem>> -> memref<128xi32, #tpu.memory_space<vmem>>
        %dma_wait3A_176 = arith.constant 0 : i32
        %dma_wait3A_177 = arith.constant 0 : i32
        %dma_wait3A_178 = tpu.memref_slice %arg9[%dma_wait3A_176, %dma_wait3A_177] : memref<10112x16xf32, #tpu.memory_space<vmem_shared>> -> memref<10112x16xf32, #tpu.memory_space<vmem_shared>>
        %dma_wait3A_179 = tpu.memref_slice %arg11[%rem3A_168] : memref<8x!tpu.dma_semaphore, #tpu.memory_space<semaphore_mem>> -> memref<1x!tpu.dma_semaphore, #tpu.memory_space<semaphore_mem>>
        %dma_wait3A_180 = tpu.memref_squeeze %dma_wait3A_179 : memref<1x!tpu.dma_semaphore, #tpu.memory_space<semaphore_mem>> -> memref<!tpu.dma_semaphore, #tpu.memory_space<semaphore_mem>>
        tpu.wait_indirect_dma semaphore(%dma_wait3A_180 : memref<!tpu.dma_semaphore, #tpu.memory_space<semaphore_mem>>) src(%dma_wait3A_172 : memref<128x16xf32, #tpu.memory_space<vmem>>) dst(%dma_wait3A_178 : memref<10112x16xf32, #tpu.memory_space<vmem_shared>>)
      } else {
      }
      %add3A = arith.constant 8 : i32
      %add3A_158 = arith.addi %while3A_126, %add3A : i32
      %sub3A_159 = arith.constant 1 : i32
      %sub3A_160 = arith.subi %add3A_158, %sub3A_159 : i32
      %lt3A_161 = arith.cmpi slt, %sub3A_160, %select_n3A_4 : i32
      %convert_element_type3A_162 = arith.extui %lt3A_161 : i1 to i32
      %cond3A_163 = arith.constant 0 : i32
      %cond3A_164 = arith.cmpi ne, %convert_element_type3A_162, %cond3A_163 : i32
      scf.if %cond3A_164 {
        %add3A_165 = arith.constant 8 : i32
        %add3A_166 = arith.addi %while3A_126, %add3A_165 : i32
        %sub3A_167 = arith.constant 1 : i32
        %sub3A_168 = arith.subi %add3A_166, %sub3A_167 : i32
        %rem3A_169 = arith.constant 8 : i32
        %rem3A_170 = arith.remsi %sub3A_168, %rem3A_169 : i32
        %dma_start3A_171 = arith.constant 0 : i32
        %dma_start3A_172 = arith.constant 0 : i32
        %dma_start3A_173 = tpu.memref_slice %arg8[%rem3A_170, %dma_start3A_171, %dma_start3A_172] : memref<8x128x16xf32, #tpu.memory_space<vmem>> -> memref<1x128x16xf32, #tpu.memory_space<vmem>>
        %dma_start3A_174 = tpu.memref_squeeze %dma_start3A_173 : memref<1x128x16xf32, #tpu.memory_space<vmem>> -> memref<128x16xf32, #tpu.memory_space<vmem>>
        %dma_start3A_175 = arith.constant 0 : i32
        %dma_start3A_176 = tpu.memref_slice %arg6[%sub3A_168, %dma_start3A_175] : memref<88x128xi32, #tpu.memory_space<vmem>> -> memref<1x128xi32, #tpu.memory_space<vmem>>
        %dma_start3A_177 = tpu.memref_squeeze %dma_start3A_176 : memref<1x128xi32, #tpu.memory_space<vmem>> -> memref<128xi32, #tpu.memory_space<vmem>>
        %dma_start3A_178 = arith.constant 0 : i32
        %dma_start3A_179 = arith.constant 0 : i32
        %dma_start3A_180 = tpu.memref_slice %arg3[%dma_start3A_178, %dma_start3A_179] : memref<10000x16xf32, #tpu.memory_space<hbm>> -> memref<10000x16xf32, #tpu.memory_space<hbm>>
        %dma_start3A_181 = tpu.memref_slice %arg10[%rem3A_170] : memref<8x!tpu.dma_semaphore, #tpu.memory_space<semaphore_mem>> -> memref<1x!tpu.dma_semaphore, #tpu.memory_space<semaphore_mem>>
        %dma_start3A_182 = tpu.memref_squeeze %dma_start3A_181 : memref<1x!tpu.dma_semaphore, #tpu.memory_space<semaphore_mem>> -> memref<!tpu.dma_semaphore, #tpu.memory_space<semaphore_mem>>
        tpu.enqueue_indirect_dma source(%dma_start3A_180 : memref<10000x16xf32, #tpu.memory_space<hbm>>) target(%dma_start3A_174 : memref<128x16xf32, #tpu.memory_space<vmem>>) offsets(%dma_start3A_177 : memref<128xi32, #tpu.memory_space<vmem>>) semaphore(%dma_start3A_182 : memref<!tpu.dma_semaphore, #tpu.memory_space<semaphore_mem>>)
      } else {
      }
    }
    %while3A_101 = arith.constant 1 : i32
    scf.for %while3A_126 = %while3A_99 to %while3A_95 step %while3A_101  : i32 {
      %rem3A_127 = arith.constant 8 : i32
      %rem3A_128 = arith.remsi %while3A_126, %rem3A_127 : i32
      %dma_wait3A_129 = arith.constant 0 : i32
      %dma_wait3A_130 = arith.constant 0 : i32
      %dma_wait3A_131 = tpu.memref_slice %arg8[%rem3A_128, %dma_wait3A_129, %dma_wait3A_130] : memref<8x128x16xf32, #tpu.memory_space<vmem>> -> memref<1x128x16xf32, #tpu.memory_space<vmem>>
      %dma_wait3A_132 = tpu.memref_squeeze %dma_wait3A_131 : memref<1x128x16xf32, #tpu.memory_space<vmem>> -> memref<128x16xf32, #tpu.memory_space<vmem>>
      %dma_wait3A_133 = arith.constant 0 : i32
      %dma_wait3A_134 = tpu.memref_slice %arg6[%while3A_126, %dma_wait3A_133] : memref<88x128xi32, #tpu.memory_space<vmem>> -> memref<1x128xi32, #tpu.memory_space<vmem>>
      %dma_wait3A_135 = tpu.memref_squeeze %dma_wait3A_134 : memref<1x128xi32, #tpu.memory_space<vmem>> -> memref<128xi32, #tpu.memory_space<vmem>>
      %dma_wait3A_136 = arith.constant 0 : i32
      %dma_wait3A_137 = arith.constant 0 : i32
      %dma_wait3A_138 = tpu.memref_slice %arg3[%dma_wait3A_136, %dma_wait3A_137] : memref<10000x16xf32, #tpu.memory_space<hbm>> -> memref<10000x16xf32, #tpu.memory_space<hbm>>
      %dma_wait3A_139 = tpu.memref_slice %arg10[%rem3A_128] : memref<8x!tpu.dma_semaphore, #tpu.memory_space<semaphore_mem>> -> memref<1x!tpu.dma_semaphore, #tpu.memory_space<semaphore_mem>>
      %dma_wait3A_140 = tpu.memref_squeeze %dma_wait3A_139 : memref<1x!tpu.dma_semaphore, #tpu.memory_space<semaphore_mem>> -> memref<!tpu.dma_semaphore, #tpu.memory_space<semaphore_mem>>
      tpu.wait_indirect_dma semaphore(%dma_wait3A_140 : memref<!tpu.dma_semaphore, #tpu.memory_space<semaphore_mem>>) src(%dma_wait3A_138 : memref<10000x16xf32, #tpu.memory_space<hbm>>) dst(%dma_wait3A_132 : memref<128x16xf32, #tpu.memory_space<vmem>>)
      %rem3A_141 = arith.constant 8 : i32
      %rem3A_142 = arith.remsi %while3A_126, %rem3A_141 : i32
      %dma_start3A = arith.constant 0 : i32
      %dma_start3A_143 = arith.constant 0 : i32
      %dma_start3A_144 = tpu.memref_slice %arg8[%rem3A_142, %dma_start3A, %dma_start3A_143] : memref<8x128x16xf32, #tpu.memory_space<vmem>> -> memref<1x128x16xf32, #tpu.memory_space<vmem>>
      %dma_start3A_145 = tpu.memref_squeeze %dma_start3A_144 : memref<1x128x16xf32, #tpu.memory_space<vmem>> -> memref<128x16xf32, #tpu.memory_space<vmem>>
      %dma_start3A_146 = arith.constant 0 : i32
      %dma_start3A_147 = tpu.memref_slice %arg7[%while3A_126, %dma_start3A_146] : memref<88x128xi32, #tpu.memory_space<vmem>> -> memref<1x128xi32, #tpu.memory_space<vmem>>
      %dma_start3A_148 = tpu.memref_squeeze %dma_start3A_147 : memref<1x128xi32, #tpu.memory_space<vmem>> -> memref<128xi32, #tpu.memory_space<vmem>>
      %dma_start3A_149 = arith.constant 0 : i32
      %dma_start3A_150 = arith.constant 0 : i32
      %dma_start3A_151 = tpu.memref_slice %arg9[%dma_start3A_149, %dma_start3A_150] : memref<10112x16xf32, #tpu.memory_space<vmem_shared>> -> memref<10112x16xf32, #tpu.memory_space<vmem_shared>>
      %dma_start3A_152 = tpu.memref_slice %arg11[%rem3A_142] : memref<8x!tpu.dma_semaphore, #tpu.memory_space<semaphore_mem>> -> memref<1x!tpu.dma_semaphore, #tpu.memory_space<semaphore_mem>>
      %dma_start3A_153 = tpu.memref_squeeze %dma_start3A_152 : memref<1x!tpu.dma_semaphore, #tpu.memory_space<semaphore_mem>> -> memref<!tpu.dma_semaphore, #tpu.memory_space<semaphore_mem>>
      tpu.enqueue_indirect_dma source(%dma_start3A_145 : memref<128x16xf32, #tpu.memory_space<vmem>>) target(%dma_start3A_151 : memref<10112x16xf32, #tpu.memory_space<vmem_shared>>) offsets(%dma_start3A_148 : memref<128xi32, #tpu.memory_space<vmem>>) semaphore(%dma_start3A_153 : memref<!tpu.dma_semaphore, #tpu.memory_space<semaphore_mem>>) {add = true}
      %ge3A = arith.constant 1 : i32
      %ge3A_154 = arith.cmpi sge, %while3A_126, %ge3A : i32
      %convert_element_type3A_155 = arith.extui %ge3A_154 : i1 to i32
      %cond3A_156 = arith.constant 0 : i32
      %cond3A_157 = arith.cmpi ne, %convert_element_type3A_155, %cond3A_156 : i32
      scf.if %cond3A_157 {
        %sub3A_165 = arith.constant 1 : i32
        %sub3A_166 = arith.subi %while3A_126, %sub3A_165 : i32
        %rem3A_167 = arith.constant 8 : i32
        %rem3A_168 = arith.remsi %sub3A_166, %rem3A_167 : i32
        %dma_wait3A_169 = arith.constant 0 : i32
        %dma_wait3A_170 = arith.constant 0 : i32
        %dma_wait3A_171 = tpu.memref_slice %arg8[%rem3A_168, %dma_wait3A_169, %dma_wait3A_170] : memref<8x128x16xf32, #tpu.memory_space<vmem>> -> memref<1x128x16xf32, #tpu.memory_space<vmem>>
        %dma_wait3A_172 = tpu.memref_squeeze %dma_wait3A_171 : memref<1x128x16xf32, #tpu.memory_space<vmem>> -> memref<128x16xf32, #tpu.memory_space<vmem>>
        %dma_wait3A_173 = arith.constant 0 : i32
        %dma_wait3A_174 = tpu.memref_slice %arg7[%sub3A_166, %dma_wait3A_173] : memref<88x128xi32, #tpu.memory_space<vmem>> -> memref<1x128xi32, #tpu.memory_space<vmem>>
        %dma_wait3A_175 = tpu.memref_squeeze %dma_wait3A_174 : memref<1x128xi32, #tpu.memory_space<vmem>> -> memref<128xi32, #tpu.memory_space<vmem>>
        %dma_wait3A_176 = arith.constant 0 : i32
        %dma_wait3A_177 = arith.constant 0 : i32
        %dma_wait3A_178 = tpu.memref_slice %arg9[%dma_wait3A_176, %dma_wait3A_177] : memref<10112x16xf32, #tpu.memory_space<vmem_shared>> -> memref<10112x16xf32, #tpu.memory_space<vmem_shared>>
        %dma_wait3A_179 = tpu.memref_slice %arg11[%rem3A_168] : memref<8x!tpu.dma_semaphore, #tpu.memory_space<semaphore_mem>> -> memref<1x!tpu.dma_semaphore, #tpu.memory_space<semaphore_mem>>
        %dma_wait3A_180 = tpu.memref_squeeze %dma_wait3A_179 : memref<1x!tpu.dma_semaphore, #tpu.memory_space<semaphore_mem>> -> memref<!tpu.dma_semaphore, #tpu.memory_space<semaphore_mem>>
        tpu.wait_indirect_dma semaphore(%dma_wait3A_180 : memref<!tpu.dma_semaphore, #tpu.memory_space<semaphore_mem>>) src(%dma_wait3A_172 : memref<128x16xf32, #tpu.memory_space<vmem>>) dst(%dma_wait3A_178 : memref<10112x16xf32, #tpu.memory_space<vmem_shared>>)
      } else {
      }
      %add3A = arith.constant 8 : i32
      %add3A_158 = arith.addi %while3A_126, %add3A : i32
      %sub3A_159 = arith.constant 1 : i32
      %sub3A_160 = arith.subi %add3A_158, %sub3A_159 : i32
      %lt3A_161 = arith.cmpi slt, %sub3A_160, %select_n3A_4 : i32
      %convert_element_type3A_162 = arith.extui %lt3A_161 : i1 to i32
      %cond3A_163 = arith.constant 0 : i32
      %cond3A_164 = arith.cmpi ne, %convert_element_type3A_162, %cond3A_163 : i32
      scf.if %cond3A_164 {
        %add3A_165 = arith.constant 8 : i32
        %add3A_166 = arith.addi %while3A_126, %add3A_165 : i32
        %sub3A_167 = arith.constant 1 : i32
        %sub3A_168 = arith.subi %add3A_166, %sub3A_167 : i32
        %rem3A_169 = arith.constant 8 : i32
        %rem3A_170 = arith.remsi %sub3A_168, %rem3A_169 : i32
        %dma_start3A_171 = arith.constant 0 : i32
        %dma_start3A_172 = arith.constant 0 : i32
        %dma_start3A_173 = tpu.memref_slice %arg8[%rem3A_170, %dma_start3A_171, %dma_start3A_172] : memref<8x128x16xf32, #tpu.memory_space<vmem>> -> memref<1x128x16xf32, #tpu.memory_space<vmem>>
        %dma_start3A_174 = tpu.memref_squeeze %dma_start3A_173 : memref<1x128x16xf32, #tpu.memory_space<vmem>> -> memref<128x16xf32, #tpu.memory_space<vmem>>
        %dma_start3A_175 = arith.constant 0 : i32
        %dma_start3A_176 = tpu.memref_slice %arg6[%sub3A_168, %dma_start3A_175] : memref<88x128xi32, #tpu.memory_space<vmem>> -> memref<1x128xi32, #tpu.memory_space<vmem>>
        %dma_start3A_177 = tpu.memref_squeeze %dma_start3A_176 : memref<1x128xi32, #tpu.memory_space<vmem>> -> memref<128xi32, #tpu.memory_space<vmem>>
        %dma_start3A_178 = arith.constant 0 : i32
        %dma_start3A_179 = arith.constant 0 : i32
        %dma_start3A_180 = tpu.memref_slice %arg3[%dma_start3A_178, %dma_start3A_179] : memref<10000x16xf32, #tpu.memory_space<hbm>> -> memref<10000x16xf32, #tpu.memory_space<hbm>>
        %dma_start3A_181 = tpu.memref_slice %arg10[%rem3A_170] : memref<8x!tpu.dma_semaphore, #tpu.memory_space<semaphore_mem>> -> memref<1x!tpu.dma_semaphore, #tpu.memory_space<semaphore_mem>>
        %dma_start3A_182 = tpu.memref_squeeze %dma_start3A_181 : memref<1x!tpu.dma_semaphore, #tpu.memory_space<semaphore_mem>> -> memref<!tpu.dma_semaphore, #tpu.memory_space<semaphore_mem>>
        tpu.enqueue_indirect_dma source(%dma_start3A_180 : memref<10000x16xf32, #tpu.memory_space<hbm>>) target(%dma_start3A_174 : memref<128x16xf32, #tpu.memory_space<vmem>>) offsets(%dma_start3A_177 : memref<128xi32, #tpu.memory_space<vmem>>) semaphore(%dma_start3A_182 : memref<!tpu.dma_semaphore, #tpu.memory_space<semaphore_mem>>)
      } else {
      }
    }
    %sub3A = arith.constant 1 : i32
    %sub3A_102 = arith.subi %select_n3A_4, %sub3A : i32
    %rem3A = arith.constant 8 : i32
    %rem3A_103 = arith.remsi %sub3A_102, %rem3A : i32
    %dma_wait3A = arith.constant 0 : i32
    %dma_wait3A_104 = arith.constant 0 : i32
    %dma_wait3A_105 = tpu.memref_slice %arg8[%rem3A_103, %dma_wait3A, %dma_wait3A_104] : memref<8x128x16xf32, #tpu.memory_space<vmem>> -> memref<1x128x16xf32, #tpu.memory_space<vmem>>
    %dma_wait3A_106 = tpu.memref_squeeze %dma_wait3A_105 : memref<1x128x16xf32, #tpu.memory_space<vmem>> -> memref<128x16xf32, #tpu.memory_space<vmem>>
    %dma_wait3A_107 = arith.constant 0 : i32
    %dma_wait3A_108 = tpu.memref_slice %arg7[%sub3A_102, %dma_wait3A_107] : memref<88x128xi32, #tpu.memory_space<vmem>> -> memref<1x128xi32, #tpu.memory_space<vmem>>
    %dma_wait3A_109 = tpu.memref_squeeze %dma_wait3A_108 : memref<1x128xi32, #tpu.memory_space<vmem>> -> memref<128xi32, #tpu.memory_space<vmem>>
    %dma_wait3A_110 = arith.constant 0 : i32
    %dma_wait3A_111 = arith.constant 0 : i32
    %dma_wait3A_112 = tpu.memref_slice %arg9[%dma_wait3A_110, %dma_wait3A_111] : memref<10112x16xf32, #tpu.memory_space<vmem_shared>> -> memref<10112x16xf32, #tpu.memory_space<vmem_shared>>
    %dma_wait3A_113 = tpu.memref_slice %arg11[%rem3A_103] : memref<8x!tpu.dma_semaphore, #tpu.memory_space<semaphore_mem>> -> memref<1x!tpu.dma_semaphore, #tpu.memory_space<semaphore_mem>>
    %dma_wait3A_114 = tpu.memref_squeeze %dma_wait3A_113 : memref<1x!tpu.dma_semaphore, #tpu.memory_space<semaphore_mem>> -> memref<!tpu.dma_semaphore, #tpu.memory_space<semaphore_mem>>
    tpu.wait_indirect_dma semaphore(%dma_wait3A_114 : memref<!tpu.dma_semaphore, #tpu.memory_space<semaphore_mem>>) src(%dma_wait3A_106 : memref<128x16xf32, #tpu.memory_space<vmem>>) dst(%dma_wait3A_112 : memref<10112x16xf32, #tpu.memory_space<vmem_shared>>)
    %barrier3A_115 = arith.constant 0 : index
    tpu.barrier barrier_id(%barrier3A_115)
    %lt3A_116 = arith.constant 15 : i32
    %lt3A_117 = arith.cmpi slt, %arg1, %lt3A_116 : i32
    %convert_element_type3A_118 = arith.extui %lt3A_117 : i1 to i32
    %cond3A_119 = arith.constant 0 : i32
    %cond3A_120 = arith.cmpi ne, %convert_element_type3A_118, %cond3A_119 : i32
    scf.if %cond3A_120 {
      %mul3A_126 = arith.constant 632 : i32
      %mul3A_127 = arith.muli %arg1, %mul3A_126 : i32
      %mul3A_128 = arith.constant 632 : i32
      %mul3A_129 = arith.muli %arg1, %mul3A_128 : i32
      "tpu.region"() ({
        %run_scoped3A = tpu.sem_alloc : memref<!tpu.dma_semaphore, #tpu.memory_space<semaphore_mem>>
        %dma_start3A = arith.constant 0 : i32
        %dma_start3A_130 = arith.constant 0 : i32
        %dma_start3A_131 = tpu.memref_slice %arg5[%arg0, %dma_start3A, %dma_start3A_130] : memref<2x10000x16xf32, #tpu.memory_space<hbm>> -> memref<1x10000x16xf32, #tpu.memory_space<hbm>>
        %dma_start3A_132 = tpu.memref_squeeze %dma_start3A_131 : memref<1x10000x16xf32, #tpu.memory_space<hbm>> -> memref<10000x16xf32, #tpu.memory_space<hbm>>
        %dma_start3A_133 = arith.constant 0 : i32
        %dma_start3A_134 = tpu.memref_slice %dma_start3A_132[%mul3A_129, %dma_start3A_133] : memref<10000x16xf32, #tpu.memory_space<hbm>> -> memref<632x16xf32, #tpu.memory_space<hbm>>
        %dma_start3A_135 = arith.constant 0 : i32
        %dma_start3A_136 = tpu.memref_slice %arg9[%mul3A_127, %dma_start3A_135] : memref<10112x16xf32, #tpu.memory_space<vmem_shared>> -> memref<632x16xf32, #tpu.memory_space<vmem_shared>>
        tpu.enqueue_dma source(%dma_start3A_136 : memref<632x16xf32, #tpu.memory_space<vmem_shared>>) target(%dma_start3A_134 : memref<632x16xf32, #tpu.memory_space<hbm>>) target_semaphore(%run_scoped3A : memref<!tpu.dma_semaphore, #tpu.memory_space<semaphore_mem>>)
        %dma_wait3A_137 = arith.constant 0 : i32
        %dma_wait3A_138 = arith.constant 0 : i32
        %dma_wait3A_139 = tpu.memref_slice %arg5[%arg0, %dma_wait3A_137, %dma_wait3A_138] : memref<2x10000x16xf32, #tpu.memory_space<hbm>> -> memref<1x10000x16xf32, #tpu.memory_space<hbm>>
        %dma_wait3A_140 = tpu.memref_squeeze %dma_wait3A_139 : memref<1x10000x16xf32, #tpu.memory_space<hbm>> -> memref<10000x16xf32, #tpu.memory_space<hbm>>
        %dma_wait3A_141 = arith.constant 0 : i32
        %dma_wait3A_142 = tpu.memref_slice %dma_wait3A_140[%mul3A_129, %dma_wait3A_141] : memref<10000x16xf32, #tpu.memory_space<hbm>> -> memref<632x16xf32, #tpu.memory_space<hbm>>
        %dma_wait3A_143 = arith.constant 0 : i32
        %dma_wait3A_144 = tpu.memref_slice %arg9[%mul3A_127, %dma_wait3A_143] : memref<10112x16xf32, #tpu.memory_space<vmem_shared>> -> memref<632x16xf32, #tpu.memory_space<vmem_shared>>
        tpu.wait_dma2 semaphore(%run_scoped3A : memref<!tpu.dma_semaphore, #tpu.memory_space<semaphore_mem>>) src(%dma_wait3A_144 : memref<632x16xf32, #tpu.memory_space<vmem_shared>>) dst(%dma_wait3A_142 : memref<632x16xf32, #tpu.memory_space<hbm>>)
        tpu.yield
      }) : () -> ()
    } else {
    }
    %eq3A_121 = arith.constant 15 : i32
    %eq3A_122 = arith.cmpi eq, %arg1, %eq3A_121 : i32
    %convert_element_type3A_123 = arith.extui %eq3A_122 : i1 to i32
    %cond3A_124 = arith.constant 0 : i32
    %cond3A_125 = arith.cmpi ne, %convert_element_type3A_123, %cond3A_124 : i32
    scf.if %cond3A_125 {
      "tpu.region"() ({
        %run_scoped3A = tpu.sem_alloc : memref<!tpu.dma_semaphore, #tpu.memory_space<semaphore_mem>>
        %dma_start3A = arith.constant 0 : i32
        %dma_start3A_126 = arith.constant 0 : i32
        %dma_start3A_127 = tpu.memref_slice %arg5[%arg0, %dma_start3A, %dma_start3A_126] : memref<2x10000x16xf32, #tpu.memory_space<hbm>> -> memref<1x10000x16xf32, #tpu.memory_space<hbm>>
        %dma_start3A_128 = tpu.memref_squeeze %dma_start3A_127 : memref<1x10000x16xf32, #tpu.memory_space<hbm>> -> memref<10000x16xf32, #tpu.memory_space<hbm>>
        %dma_start3A_129 = arith.constant 9480 : i32
        %dma_start3A_130 = arith.constant 0 : i32
        %dma_start3A_131 = tpu.memref_slice %dma_start3A_128[%dma_start3A_129, %dma_start3A_130] : memref<10000x16xf32, #tpu.memory_space<hbm>> -> memref<520x16xf32, #tpu.memory_space<hbm>>
        %dma_start3A_132 = arith.constant 9480 : i32
        %dma_start3A_133 = arith.constant 0 : i32
        %dma_start3A_134 = tpu.memref_slice %arg9[%dma_start3A_132, %dma_start3A_133] : memref<10112x16xf32, #tpu.memory_space<vmem_shared>> -> memref<520x16xf32, #tpu.memory_space<vmem_shared>>
        tpu.enqueue_dma source(%dma_start3A_134 : memref<520x16xf32, #tpu.memory_space<vmem_shared>>) target(%dma_start3A_131 : memref<520x16xf32, #tpu.memory_space<hbm>>) target_semaphore(%run_scoped3A : memref<!tpu.dma_semaphore, #tpu.memory_space<semaphore_mem>>)
        %dma_wait3A_135 = arith.constant 0 : i32
        %dma_wait3A_136 = arith.constant 0 : i32
        %dma_wait3A_137 = tpu.memref_slice %arg5[%arg0, %dma_wait3A_135, %dma_wait3A_136] : memref<2x10000x16xf32, #tpu.memory_space<hbm>> -> memref<1x10000x16xf32, #tpu.memory_space<hbm>>
        %dma_wait3A_138 = tpu.memref_squeeze %dma_wait3A_137 : memref<1x10000x16xf32, #tpu.memory_space<hbm>> -> memref<10000x16xf32, #tpu.memory_space<hbm>>
        %dma_wait3A_139 = arith.constant 9480 : i32
        %dma_wait3A_140 = arith.constant 0 : i32
        %dma_wait3A_141 = tpu.memref_slice %dma_wait3A_138[%dma_wait3A_139, %dma_wait3A_140] : memref<10000x16xf32, #tpu.memory_space<hbm>> -> memref<520x16xf32, #tpu.memory_space<hbm>>
        %dma_wait3A_142 = arith.constant 9480 : i32
        %dma_wait3A_143 = arith.constant 0 : i32
        %dma_wait3A_144 = tpu.memref_slice %arg9[%dma_wait3A_142, %dma_wait3A_143] : memref<10112x16xf32, #tpu.memory_space<vmem_shared>> -> memref<520x16xf32, #tpu.memory_space<vmem_shared>>
        tpu.wait_dma2 semaphore(%run_scoped3A : memref<!tpu.dma_semaphore, #tpu.memory_space<semaphore_mem>>) src(%dma_wait3A_144 : memref<520x16xf32, #tpu.memory_space<vmem_shared>>) dst(%dma_wait3A_141 : memref<520x16xf32, #tpu.memory_space<hbm>>)
        tpu.yield
      }) : () -> ()
    } else {
    }
    return
  }
}

#map = affine_map<(d0, d1) -> (0, 0, 0)>
#map1 = affine_map<(d0, d1) -> (0, 0)>
module attributes {stable_mosaic.version = 14 : i64} {
  func.func @edge_kernel(%arg0: i32, %arg1: i32, %arg2: memref<2x2500x128xi32, #tpu.memory_space<hbm>>, %arg3: memref<10000x16xf32, #tpu.memory_space<hbm>>, %arg4: memref<632x16xf32, #tpu.memory_space<hbm>>, %arg5: memref<2x10000x16xf32, #tpu.memory_space<hbm>>, %arg6: memref<88x128xi32, #tpu.memory_space<vmem>>, %arg7: memref<88x128xi32, #tpu.memory_space<vmem>>, %arg8: memref<8x128x16xf32, #tpu.memory_space<vmem>>, %arg9: memref<10112x16xf32, #tpu.memory_space<vmem_shared>>, %arg10: memref<8x!tpu.dma_semaphore, #tpu.memory_space<semaphore_mem>>, %arg11: memref<8x!tpu.dma_semaphore, #tpu.memory_space<semaphore_mem>>) attributes {dimension_semantics = [#tpu.dimension_semantics<core_parallel>, #tpu.dimension_semantics<subcore_parallel>], iteration_bounds = array<i64: 2, 16>, scalar_prefetch = 0 : i64, scratch_operands = 6 : i64, tpu.core_type = #tpu.core_type<sc_vector_subcore>, window_params = [{transform_indices = #map}, {transform_indices = #map1}, {transform_indices = #map1}, {transform_indices = #map}]} {
    %eq3A = arith.constant 0 : i32
    %eq3A_0 = arith.cmpi eq, %arg0, %eq3A : i32
    %lt3A = arith.constant 15 : i32
    %lt3A_1 = arith.cmpi slt, %arg1, %lt3A : i32
    %jit3A = arith.constant 72 : i32
    %jit3A_2 = arith.constant 12 : i32
    %select_n3A = arith.select %lt3A_1, %jit3A, %jit3A_2 : i32
    %jit3A_3 = arith.constant 88 : i32
    %select_n3A_4 = arith.select %eq3A_0, %jit3A_3, %select_n3A : i32
    %eq3A_5 = arith.constant 0 : i32
    %eq3A_6 = arith.cmpi eq, %arg0, %eq3A_5 : i32
    %convert_element_type3A = arith.extui %eq3A_6 : i1 to i32
    %cond3A = arith.constant 0 : i32
    %cond3A_7 = arith.constant 0 : i32
    %cond3A_8 = arith.cmpi ne, %convert_element_type3A, %cond3A_7 : i32
    scf.if %cond3A_8 {
      %mul3A_126 = arith.constant 88 : i32
      %mul3A_127 = arith.muli %arg1, %mul3A_126 : i32
      "tpu.region"() ({
        %run_scoped3A = tpu.sem_alloc : memref<!tpu.dma_semaphore, #tpu.memory_space<semaphore_mem>>
        %dma_start3A = arith.constant 0 : i32
        %dma_start3A_128 = arith.constant 0 : i32
        %dma_start3A_129 = tpu.memref_slice %arg6[%dma_start3A, %dma_start3A_128] : memref<88x128xi32, #tpu.memory_space<vmem>> -> memref<88x128xi32, #tpu.memory_space<vmem>>
        %dma_start3A_130 = arith.constant 0 : i32
        %dma_start3A_131 = arith.constant 0 : i32
        %dma_start3A_132 = tpu.memref_slice %arg2[%cond3A, %dma_start3A_130, %dma_start3A_131] : memref<2x2500x128xi32, #tpu.memory_space<hbm>> -> memref<1x2500x128xi32, #tpu.memory_space<hbm>>
        %dma_start3A_133 = tpu.memref_squeeze %dma_start3A_132 : memref<1x2500x128xi32, #tpu.memory_space<hbm>> -> memref<2500x128xi32, #tpu.memory_space<hbm>>
        %dma_start3A_134 = arith.constant 0 : i32
        %dma_start3A_135 = tpu.memref_slice %dma_start3A_133[%mul3A_127, %dma_start3A_134] : memref<2500x128xi32, #tpu.memory_space<hbm>> -> memref<88x128xi32, #tpu.memory_space<hbm>>
        %dma_start3A_136 = arith.constant 0 : i32
        %dma_start3A_137 = arith.constant 0 : i32
        %dma_start3A_138 = tpu.memref_slice %arg6[%dma_start3A_136, %dma_start3A_137] : memref<88x128xi32, #tpu.memory_space<vmem>> -> memref<88x128xi32, #tpu.memory_space<vmem>>
        %dma_start3A_139 = arith.constant 0 : i32
        %dma_start3A_140 = arith.constant 0 : i32
        %dma_start3A_141 = tpu.memref_slice %arg2[%cond3A, %dma_start3A_139, %dma_start3A_140] : memref<2x2500x128xi32, #tpu.memory_space<hbm>> -> memref<1x2500x128xi32, #tpu.memory_space<hbm>>
        %dma_start3A_142 = tpu.memref_squeeze %dma_start3A_141 : memref<1x2500x128xi32, #tpu.memory_space<hbm>> -> memref<2500x128xi32, #tpu.memory_space<hbm>>
        %dma_start3A_143 = arith.constant 0 : i32
        %dma_start3A_144 = tpu.memref_slice %dma_start3A_142[%mul3A_127, %dma_start3A_143] : memref<2500x128xi32, #tpu.memory_space<hbm>> -> memref<88x128xi32, #tpu.memory_space<hbm>>
        tpu.enqueue_dma source(%dma_start3A_144 : memref<88x128xi32, #tpu.memory_space<hbm>>) target(%dma_start3A_138 : memref<88x128xi32, #tpu.memory_space<vmem>>) target_semaphore(%run_scoped3A : memref<!tpu.dma_semaphore, #tpu.memory_space<semaphore_mem>>)
        %dma_wait3A_145 = arith.constant 0 : i32
        %dma_wait3A_146 = arith.constant 0 : i32
        %dma_wait3A_147 = tpu.memref_slice %arg6[%dma_wait3A_145, %dma_wait3A_146] : memref<88x128xi32, #tpu.memory_space<vmem>> -> memref<88x128xi32, #tpu.memory_space<vmem>>
        %dma_wait3A_148 = arith.constant 0 : i32
        %dma_wait3A_149 = arith.constant 0 : i32
        %dma_wait3A_150 = tpu.memref_slice %arg2[%cond3A, %dma_wait3A_148, %dma_wait3A_149] : memref<2x2500x128xi32, #tpu.memory_space<hbm>> -> memref<1x2500x128xi32, #tpu.memory_space<hbm>>
        %dma_wait3A_151 = tpu.memref_squeeze %dma_wait3A_150 : memref<1x2500x128xi32, #tpu.memory_space<hbm>> -> memref<2500x128xi32, #tpu.memory_space<hbm>>
        %dma_wait3A_152 = arith.constant 0 : i32
        %dma_wait3A_153 = tpu.memref_slice %dma_wait3A_151[%mul3A_127, %dma_wait3A_152] : memref<2500x128xi32, #tpu.memory_space<hbm>> -> memref<88x128xi32, #tpu.memory_space<hbm>>
        %dma_wait3A_154 = arith.constant 0 : i32
        %dma_wait3A_155 = arith.constant 0 : i32
        %dma_wait3A_156 = tpu.memref_slice %arg6[%dma_wait3A_154, %dma_wait3A_155] : memref<88x128xi32, #tpu.memory_space<vmem>> -> memref<88x128xi32, #tpu.memory_space<vmem>>
        %dma_wait3A_157 = arith.constant 0 : i32
        %dma_wait3A_158 = arith.constant 0 : i32
        %dma_wait3A_159 = tpu.memref_slice %arg2[%cond3A, %dma_wait3A_157, %dma_wait3A_158] : memref<2x2500x128xi32, #tpu.memory_space<hbm>> -> memref<1x2500x128xi32, #tpu.memory_space<hbm>>
        %dma_wait3A_160 = tpu.memref_squeeze %dma_wait3A_159 : memref<1x2500x128xi32, #tpu.memory_space<hbm>> -> memref<2500x128xi32, #tpu.memory_space<hbm>>
        %dma_wait3A_161 = arith.constant 0 : i32
        %dma_wait3A_162 = tpu.memref_slice %dma_wait3A_160[%mul3A_127, %dma_wait3A_161] : memref<2500x128xi32, #tpu.memory_space<hbm>> -> memref<88x128xi32, #tpu.memory_space<hbm>>
        tpu.wait_dma2 semaphore(%run_scoped3A : memref<!tpu.dma_semaphore, #tpu.memory_space<semaphore_mem>>) src(%dma_wait3A_162 : memref<88x128xi32, #tpu.memory_space<hbm>>) dst(%dma_wait3A_156 : memref<88x128xi32, #tpu.memory_space<vmem>>)
        tpu.yield
      }) : () -> ()
    } else {
    }
    %eq3A_9 = arith.constant 1 : i32
    %eq3A_10 = arith.cmpi eq, %arg0, %eq3A_9 : i32
    %lt3A_11 = arith.constant 15 : i32
    %lt3A_12 = arith.cmpi slt, %arg1, %lt3A_11 : i32
    %and3A = arith.andi %eq3A_10, %lt3A_12 : i1
    %convert_element_type3A_13 = arith.extui %and3A : i1 to i32
    %cond3A_14 = arith.constant 0 : i32
    %cond3A_15 = arith.constant 0 : i32
    %cond3A_16 = arith.cmpi ne, %convert_element_type3A_13, %cond3A_15 : i32
    scf.if %cond3A_16 {
      %mul3A_126 = arith.constant 72 : i32
      %mul3A_127 = arith.muli %arg1, %mul3A_126 : i32
      %add3A = arith.constant 1408 : i32
      %add3A_128 = arith.addi %add3A, %mul3A_127 : i32
      "tpu.region"() ({
        %run_scoped3A = tpu.sem_alloc : memref<!tpu.dma_semaphore, #tpu.memory_space<semaphore_mem>>
        %dma_start3A = arith.constant 0 : i32
        %dma_start3A_129 = arith.constant 0 : i32
        %dma_start3A_130 = tpu.memref_slice %arg6[%dma_start3A, %dma_start3A_129] : memref<88x128xi32, #tpu.memory_space<vmem>> -> memref<72x128xi32, #tpu.memory_space<vmem>>
        %dma_start3A_131 = arith.constant 0 : i32
        %dma_start3A_132 = arith.constant 0 : i32
        %dma_start3A_133 = tpu.memref_slice %arg2[%cond3A_14, %dma_start3A_131, %dma_start3A_132] : memref<2x2500x128xi32, #tpu.memory_space<hbm>> -> memref<1x2500x128xi32, #tpu.memory_space<hbm>>
        %dma_start3A_134 = tpu.memref_squeeze %dma_start3A_133 : memref<1x2500x128xi32, #tpu.memory_space<hbm>> -> memref<2500x128xi32, #tpu.memory_space<hbm>>
        %dma_start3A_135 = arith.constant 0 : i32
        %dma_start3A_136 = tpu.memref_slice %dma_start3A_134[%add3A_128, %dma_start3A_135] : memref<2500x128xi32, #tpu.memory_space<hbm>> -> memref<72x128xi32, #tpu.memory_space<hbm>>
        %dma_start3A_137 = arith.constant 0 : i32
        %dma_start3A_138 = arith.constant 0 : i32
        %dma_start3A_139 = tpu.memref_slice %arg6[%dma_start3A_137, %dma_start3A_138] : memref<88x128xi32, #tpu.memory_space<vmem>> -> memref<72x128xi32, #tpu.memory_space<vmem>>
        %dma_start3A_140 = arith.constant 0 : i32
        %dma_start3A_141 = arith.constant 0 : i32
        %dma_start3A_142 = tpu.memref_slice %arg2[%cond3A_14, %dma_start3A_140, %dma_start3A_141] : memref<2x2500x128xi32, #tpu.memory_space<hbm>> -> memref<1x2500x128xi32, #tpu.memory_space<hbm>>
        %dma_start3A_143 = tpu.memref_squeeze %dma_start3A_142 : memref<1x2500x128xi32, #tpu.memory_space<hbm>> -> memref<2500x128xi32, #tpu.memory_space<hbm>>
        %dma_start3A_144 = arith.constant 0 : i32
        %dma_start3A_145 = tpu.memref_slice %dma_start3A_143[%add3A_128, %dma_start3A_144] : memref<2500x128xi32, #tpu.memory_space<hbm>> -> memref<72x128xi32, #tpu.memory_space<hbm>>
        tpu.enqueue_dma source(%dma_start3A_145 : memref<72x128xi32, #tpu.memory_space<hbm>>) target(%dma_start3A_139 : memref<72x128xi32, #tpu.memory_space<vmem>>) target_semaphore(%run_scoped3A : memref<!tpu.dma_semaphore, #tpu.memory_space<semaphore_mem>>)
        %dma_wait3A_146 = arith.constant 0 : i32
        %dma_wait3A_147 = arith.constant 0 : i32
        %dma_wait3A_148 = tpu.memref_slice %arg6[%dma_wait3A_146, %dma_wait3A_147] : memref<88x128xi32, #tpu.memory_space<vmem>> -> memref<72x128xi32, #tpu.memory_space<vmem>>
        %dma_wait3A_149 = arith.constant 0 : i32
        %dma_wait3A_150 = arith.constant 0 : i32
        %dma_wait3A_151 = tpu.memref_slice %arg2[%cond3A_14, %dma_wait3A_149, %dma_wait3A_150] : memref<2x2500x128xi32, #tpu.memory_space<hbm>> -> memref<1x2500x128xi32, #tpu.memory_space<hbm>>
        %dma_wait3A_152 = tpu.memref_squeeze %dma_wait3A_151 : memref<1x2500x128xi32, #tpu.memory_space<hbm>> -> memref<2500x128xi32, #tpu.memory_space<hbm>>
        %dma_wait3A_153 = arith.constant 0 : i32
        %dma_wait3A_154 = tpu.memref_slice %dma_wait3A_152[%add3A_128, %dma_wait3A_153] : memref<2500x128xi32, #tpu.memory_space<hbm>> -> memref<72x128xi32, #tpu.memory_space<hbm>>
        %dma_wait3A_155 = arith.constant 0 : i32
        %dma_wait3A_156 = arith.constant 0 : i32
        %dma_wait3A_157 = tpu.memref_slice %arg6[%dma_wait3A_155, %dma_wait3A_156] : memref<88x128xi32, #tpu.memory_space<vmem>> -> memref<72x128xi32, #tpu.memory_space<vmem>>
        %dma_wait3A_158 = arith.constant 0 : i32
        %dma_wait3A_159 = arith.constant 0 : i32
        %dma_wait3A_160 = tpu.memref_slice %arg2[%cond3A_14, %dma_wait3A_158, %dma_wait3A_159] : memref<2x2500x128xi32, #tpu.memory_space<hbm>> -> memref<1x2500x128xi32, #tpu.memory_space<hbm>>
        %dma_wait3A_161 = tpu.memref_squeeze %dma_wait3A_160 : memref<1x2500x128xi32, #tpu.memory_space<hbm>> -> memref<2500x128xi32, #tpu.memory_space<hbm>>
        %dma_wait3A_162 = arith.constant 0 : i32
        %dma_wait3A_163 = tpu.memref_slice %dma_wait3A_161[%add3A_128, %dma_wait3A_162] : memref<2500x128xi32, #tpu.memory_space<hbm>> -> memref<72x128xi32, #tpu.memory_space<hbm>>
        tpu.wait_dma2 semaphore(%run_scoped3A : memref<!tpu.dma_semaphore, #tpu.memory_space<semaphore_mem>>) src(%dma_wait3A_163 : memref<72x128xi32, #tpu.memory_space<hbm>>) dst(%dma_wait3A_157 : memref<72x128xi32, #tpu.memory_space<vmem>>)
        tpu.yield
      }) : () -> ()
    } else {
    }
    %eq3A_17 = arith.constant 1 : i32
    %eq3A_18 = arith.cmpi eq, %arg0, %eq3A_17 : i32
    %eq3A_19 = arith.constant 15 : i32
    %eq3A_20 = arith.cmpi eq, %arg1, %eq3A_19 : i32
    %and3A_21 = arith.andi %eq3A_18, %eq3A_20 : i1
    %convert_element_type3A_22 = arith.extui %and3A_21 : i1 to i32
    %cond3A_23 = arith.constant 0 : i32
    %cond3A_24 = arith.constant 0 : i32
    %cond3A_25 = arith.cmpi ne, %convert_element_type3A_22, %cond3A_24 : i32
    scf.if %cond3A_25 {
      "tpu.region"() ({
        %run_scoped3A = tpu.sem_alloc : memref<!tpu.dma_semaphore, #tpu.memory_space<semaphore_mem>>
        %dma_start3A = arith.constant 0 : i32
        %dma_start3A_126 = arith.constant 0 : i32
        %dma_start3A_127 = tpu.memref_slice %arg6[%dma_start3A, %dma_start3A_126] : memref<88x128xi32, #tpu.memory_space<vmem>> -> memref<12x128xi32, #tpu.memory_space<vmem>>
        %dma_start3A_128 = arith.constant 0 : i32
        %dma_start3A_129 = arith.constant 0 : i32
        %dma_start3A_130 = tpu.memref_slice %arg2[%cond3A_23, %dma_start3A_128, %dma_start3A_129] : memref<2x2500x128xi32, #tpu.memory_space<hbm>> -> memref<1x2500x128xi32, #tpu.memory_space<hbm>>
        %dma_start3A_131 = tpu.memref_squeeze %dma_start3A_130 : memref<1x2500x128xi32, #tpu.memory_space<hbm>> -> memref<2500x128xi32, #tpu.memory_space<hbm>>
        %dma_start3A_132 = arith.constant 2488 : i32
        %dma_start3A_133 = arith.constant 0 : i32
        %dma_start3A_134 = tpu.memref_slice %dma_start3A_131[%dma_start3A_132, %dma_start3A_133] : memref<2500x128xi32, #tpu.memory_space<hbm>> -> memref<12x128xi32, #tpu.memory_space<hbm>>
        %dma_start3A_135 = arith.constant 0 : i32
        %dma_start3A_136 = arith.constant 0 : i32
        %dma_start3A_137 = tpu.memref_slice %arg6[%dma_start3A_135, %dma_start3A_136] : memref<88x128xi32, #tpu.memory_space<vmem>> -> memref<12x128xi32, #tpu.memory_space<vmem>>
        %dma_start3A_138 = arith.constant 0 : i32
        %dma_start3A_139 = arith.constant 0 : i32
        %dma_start3A_140 = tpu.memref_slice %arg2[%cond3A_23, %dma_start3A_138, %dma_start3A_139] : memref<2x2500x128xi32, #tpu.memory_space<hbm>> -> memref<1x2500x128xi32, #tpu.memory_space<hbm>>
        %dma_start3A_141 = tpu.memref_squeeze %dma_start3A_140 : memref<1x2500x128xi32, #tpu.memory_space<hbm>> -> memref<2500x128xi32, #tpu.memory_space<hbm>>
        %dma_start3A_142 = arith.constant 2488 : i32
        %dma_start3A_143 = arith.constant 0 : i32
        %dma_start3A_144 = tpu.memref_slice %dma_start3A_141[%dma_start3A_142, %dma_start3A_143] : memref<2500x128xi32, #tpu.memory_space<hbm>> -> memref<12x128xi32, #tpu.memory_space<hbm>>
        tpu.enqueue_dma source(%dma_start3A_144 : memref<12x128xi32, #tpu.memory_space<hbm>>) target(%dma_start3A_137 : memref<12x128xi32, #tpu.memory_space<vmem>>) target_semaphore(%run_scoped3A : memref<!tpu.dma_semaphore, #tpu.memory_space<semaphore_mem>>)
        %dma_wait3A_145 = arith.constant 0 : i32
        %dma_wait3A_146 = arith.constant 0 : i32
        %dma_wait3A_147 = tpu.memref_slice %arg6[%dma_wait3A_145, %dma_wait3A_146] : memref<88x128xi32, #tpu.memory_space<vmem>> -> memref<12x128xi32, #tpu.memory_space<vmem>>
        %dma_wait3A_148 = arith.constant 0 : i32
        %dma_wait3A_149 = arith.constant 0 : i32
        %dma_wait3A_150 = tpu.memref_slice %arg2[%cond3A_23, %dma_wait3A_148, %dma_wait3A_149] : memref<2x2500x128xi32, #tpu.memory_space<hbm>> -> memref<1x2500x128xi32, #tpu.memory_space<hbm>>
        %dma_wait3A_151 = tpu.memref_squeeze %dma_wait3A_150 : memref<1x2500x128xi32, #tpu.memory_space<hbm>> -> memref<2500x128xi32, #tpu.memory_space<hbm>>
        %dma_wait3A_152 = arith.constant 2488 : i32
        %dma_wait3A_153 = arith.constant 0 : i32
        %dma_wait3A_154 = tpu.memref_slice %dma_wait3A_151[%dma_wait3A_152, %dma_wait3A_153] : memref<2500x128xi32, #tpu.memory_space<hbm>> -> memref<12x128xi32, #tpu.memory_space<hbm>>
        %dma_wait3A_155 = arith.constant 0 : i32
        %dma_wait3A_156 = arith.constant 0 : i32
        %dma_wait3A_157 = tpu.memref_slice %arg6[%dma_wait3A_155, %dma_wait3A_156] : memref<88x128xi32, #tpu.memory_space<vmem>> -> memref<12x128xi32, #tpu.memory_space<vmem>>
        %dma_wait3A_158 = arith.constant 0 : i32
        %dma_wait3A_159 = arith.constant 0 : i32
        %dma_wait3A_160 = tpu.memref_slice %arg2[%cond3A_23, %dma_wait3A_158, %dma_wait3A_159] : memref<2x2500x128xi32, #tpu.memory_space<hbm>> -> memref<1x2500x128xi32, #tpu.memory_space<hbm>>
        %dma_wait3A_161 = tpu.memref_squeeze %dma_wait3A_160 : memref<1x2500x128xi32, #tpu.memory_space<hbm>> -> memref<2500x128xi32, #tpu.memory_space<hbm>>
        %dma_wait3A_162 = arith.constant 2488 : i32
        %dma_wait3A_163 = arith.constant 0 : i32
        %dma_wait3A_164 = tpu.memref_slice %dma_wait3A_161[%dma_wait3A_162, %dma_wait3A_163] : memref<2500x128xi32, #tpu.memory_space<hbm>> -> memref<12x128xi32, #tpu.memory_space<hbm>>
        tpu.wait_dma2 semaphore(%run_scoped3A : memref<!tpu.dma_semaphore, #tpu.memory_space<semaphore_mem>>) src(%dma_wait3A_164 : memref<12x128xi32, #tpu.memory_space<hbm>>) dst(%dma_wait3A_157 : memref<12x128xi32, #tpu.memory_space<vmem>>)
        tpu.yield
      }) : () -> ()
    } else {
    }
    %eq3A_26 = arith.constant 0 : i32
    %eq3A_27 = arith.cmpi eq, %arg0, %eq3A_26 : i32
    %convert_element_type3A_28 = arith.extui %eq3A_27 : i1 to i32
    %cond3A_29 = arith.constant 1 : i32
    %cond3A_30 = arith.constant 0 : i32
    %cond3A_31 = arith.cmpi ne, %convert_element_type3A_28, %cond3A_30 : i32
    scf.if %cond3A_31 {
      %mul3A_126 = arith.constant 88 : i32
      %mul3A_127 = arith.muli %arg1, %mul3A_126 : i32
      "tpu.region"() ({
        %run_scoped3A = tpu.sem_alloc : memref<!tpu.dma_semaphore, #tpu.memory_space<semaphore_mem>>
        %dma_start3A = arith.constant 0 : i32
        %dma_start3A_128 = arith.constant 0 : i32
        %dma_start3A_129 = tpu.memref_slice %arg7[%dma_start3A, %dma_start3A_128] : memref<88x128xi32, #tpu.memory_space<vmem>> -> memref<88x128xi32, #tpu.memory_space<vmem>>
        %dma_start3A_130 = arith.constant 0 : i32
        %dma_start3A_131 = arith.constant 0 : i32
        %dma_start3A_132 = tpu.memref_slice %arg2[%cond3A_29, %dma_start3A_130, %dma_start3A_131] : memref<2x2500x128xi32, #tpu.memory_space<hbm>> -> memref<1x2500x128xi32, #tpu.memory_space<hbm>>
        %dma_start3A_133 = tpu.memref_squeeze %dma_start3A_132 : memref<1x2500x128xi32, #tpu.memory_space<hbm>> -> memref<2500x128xi32, #tpu.memory_space<hbm>>
        %dma_start3A_134 = arith.constant 0 : i32
        %dma_start3A_135 = tpu.memref_slice %dma_start3A_133[%mul3A_127, %dma_start3A_134] : memref<2500x128xi32, #tpu.memory_space<hbm>> -> memref<88x128xi32, #tpu.memory_space<hbm>>
        %dma_start3A_136 = arith.constant 0 : i32
        %dma_start3A_137 = arith.constant 0 : i32
        %dma_start3A_138 = tpu.memref_slice %arg7[%dma_start3A_136, %dma_start3A_137] : memref<88x128xi32, #tpu.memory_space<vmem>> -> memref<88x128xi32, #tpu.memory_space<vmem>>
        %dma_start3A_139 = arith.constant 0 : i32
        %dma_start3A_140 = arith.constant 0 : i32
        %dma_start3A_141 = tpu.memref_slice %arg2[%cond3A_29, %dma_start3A_139, %dma_start3A_140] : memref<2x2500x128xi32, #tpu.memory_space<hbm>> -> memref<1x2500x128xi32, #tpu.memory_space<hbm>>
        %dma_start3A_142 = tpu.memref_squeeze %dma_start3A_141 : memref<1x2500x128xi32, #tpu.memory_space<hbm>> -> memref<2500x128xi32, #tpu.memory_space<hbm>>
        %dma_start3A_143 = arith.constant 0 : i32
        %dma_start3A_144 = tpu.memref_slice %dma_start3A_142[%mul3A_127, %dma_start3A_143] : memref<2500x128xi32, #tpu.memory_space<hbm>> -> memref<88x128xi32, #tpu.memory_space<hbm>>
        tpu.enqueue_dma source(%dma_start3A_144 : memref<88x128xi32, #tpu.memory_space<hbm>>) target(%dma_start3A_138 : memref<88x128xi32, #tpu.memory_space<vmem>>) target_semaphore(%run_scoped3A : memref<!tpu.dma_semaphore, #tpu.memory_space<semaphore_mem>>)
        %dma_wait3A_145 = arith.constant 0 : i32
        %dma_wait3A_146 = arith.constant 0 : i32
        %dma_wait3A_147 = tpu.memref_slice %arg7[%dma_wait3A_145, %dma_wait3A_146] : memref<88x128xi32, #tpu.memory_space<vmem>> -> memref<88x128xi32, #tpu.memory_space<vmem>>
        %dma_wait3A_148 = arith.constant 0 : i32
        %dma_wait3A_149 = arith.constant 0 : i32
        %dma_wait3A_150 = tpu.memref_slice %arg2[%cond3A_29, %dma_wait3A_148, %dma_wait3A_149] : memref<2x2500x128xi32, #tpu.memory_space<hbm>> -> memref<1x2500x128xi32, #tpu.memory_space<hbm>>
        %dma_wait3A_151 = tpu.memref_squeeze %dma_wait3A_150 : memref<1x2500x128xi32, #tpu.memory_space<hbm>> -> memref<2500x128xi32, #tpu.memory_space<hbm>>
        %dma_wait3A_152 = arith.constant 0 : i32
        %dma_wait3A_153 = tpu.memref_slice %dma_wait3A_151[%mul3A_127, %dma_wait3A_152] : memref<2500x128xi32, #tpu.memory_space<hbm>> -> memref<88x128xi32, #tpu.memory_space<hbm>>
        %dma_wait3A_154 = arith.constant 0 : i32
        %dma_wait3A_155 = arith.constant 0 : i32
        %dma_wait3A_156 = tpu.memref_slice %arg7[%dma_wait3A_154, %dma_wait3A_155] : memref<88x128xi32, #tpu.memory_space<vmem>> -> memref<88x128xi32, #tpu.memory_space<vmem>>
        %dma_wait3A_157 = arith.constant 0 : i32
        %dma_wait3A_158 = arith.constant 0 : i32
        %dma_wait3A_159 = tpu.memref_slice %arg2[%cond3A_29, %dma_wait3A_157, %dma_wait3A_158] : memref<2x2500x128xi32, #tpu.memory_space<hbm>> -> memref<1x2500x128xi32, #tpu.memory_space<hbm>>
        %dma_wait3A_160 = tpu.memref_squeeze %dma_wait3A_159 : memref<1x2500x128xi32, #tpu.memory_space<hbm>> -> memref<2500x128xi32, #tpu.memory_space<hbm>>
        %dma_wait3A_161 = arith.constant 0 : i32
        %dma_wait3A_162 = tpu.memref_slice %dma_wait3A_160[%mul3A_127, %dma_wait3A_161] : memref<2500x128xi32, #tpu.memory_space<hbm>> -> memref<88x128xi32, #tpu.memory_space<hbm>>
        tpu.wait_dma2 semaphore(%run_scoped3A : memref<!tpu.dma_semaphore, #tpu.memory_space<semaphore_mem>>) src(%dma_wait3A_162 : memref<88x128xi32, #tpu.memory_space<hbm>>) dst(%dma_wait3A_156 : memref<88x128xi32, #tpu.memory_space<vmem>>)
        tpu.yield
      }) : () -> ()
    } else {
    }
    %eq3A_32 = arith.constant 1 : i32
    %eq3A_33 = arith.cmpi eq, %arg0, %eq3A_32 : i32
    %lt3A_34 = arith.constant 15 : i32
    %lt3A_35 = arith.cmpi slt, %arg1, %lt3A_34 : i32
    %and3A_36 = arith.andi %eq3A_33, %lt3A_35 : i1
    %convert_element_type3A_37 = arith.extui %and3A_36 : i1 to i32
    %cond3A_38 = arith.constant 1 : i32
    %cond3A_39 = arith.constant 0 : i32
    %cond3A_40 = arith.cmpi ne, %convert_element_type3A_37, %cond3A_39 : i32
    scf.if %cond3A_40 {
      %mul3A_126 = arith.constant 72 : i32
      %mul3A_127 = arith.muli %arg1, %mul3A_126 : i32
      %add3A = arith.constant 1408 : i32
      %add3A_128 = arith.addi %add3A, %mul3A_127 : i32
      "tpu.region"() ({
        %run_scoped3A = tpu.sem_alloc : memref<!tpu.dma_semaphore, #tpu.memory_space<semaphore_mem>>
        %dma_start3A = arith.constant 0 : i32
        %dma_start3A_129 = arith.constant 0 : i32
        %dma_start3A_130 = tpu.memref_slice %arg7[%dma_start3A, %dma_start3A_129] : memref<88x128xi32, #tpu.memory_space<vmem>> -> memref<72x128xi32, #tpu.memory_space<vmem>>
        %dma_start3A_131 = arith.constant 0 : i32
        %dma_start3A_132 = arith.constant 0 : i32
        %dma_start3A_133 = tpu.memref_slice %arg2[%cond3A_38, %dma_start3A_131, %dma_start3A_132] : memref<2x2500x128xi32, #tpu.memory_space<hbm>> -> memref<1x2500x128xi32, #tpu.memory_space<hbm>>
        %dma_start3A_134 = tpu.memref_squeeze %dma_start3A_133 : memref<1x2500x128xi32, #tpu.memory_space<hbm>> -> memref<2500x128xi32, #tpu.memory_space<hbm>>
        %dma_start3A_135 = arith.constant 0 : i32
        %dma_start3A_136 = tpu.memref_slice %dma_start3A_134[%add3A_128, %dma_start3A_135] : memref<2500x128xi32, #tpu.memory_space<hbm>> -> memref<72x128xi32, #tpu.memory_space<hbm>>
        %dma_start3A_137 = arith.constant 0 : i32
        %dma_start3A_138 = arith.constant 0 : i32
        %dma_start3A_139 = tpu.memref_slice %arg7[%dma_start3A_137, %dma_start3A_138] : memref<88x128xi32, #tpu.memory_space<vmem>> -> memref<72x128xi32, #tpu.memory_space<vmem>>
        %dma_start3A_140 = arith.constant 0 : i32
        %dma_start3A_141 = arith.constant 0 : i32
        %dma_start3A_142 = tpu.memref_slice %arg2[%cond3A_38, %dma_start3A_140, %dma_start3A_141] : memref<2x2500x128xi32, #tpu.memory_space<hbm>> -> memref<1x2500x128xi32, #tpu.memory_space<hbm>>
        %dma_start3A_143 = tpu.memref_squeeze %dma_start3A_142 : memref<1x2500x128xi32, #tpu.memory_space<hbm>> -> memref<2500x128xi32, #tpu.memory_space<hbm>>
        %dma_start3A_144 = arith.constant 0 : i32
        %dma_start3A_145 = tpu.memref_slice %dma_start3A_143[%add3A_128, %dma_start3A_144] : memref<2500x128xi32, #tpu.memory_space<hbm>> -> memref<72x128xi32, #tpu.memory_space<hbm>>
        tpu.enqueue_dma source(%dma_start3A_145 : memref<72x128xi32, #tpu.memory_space<hbm>>) target(%dma_start3A_139 : memref<72x128xi32, #tpu.memory_space<vmem>>) target_semaphore(%run_scoped3A : memref<!tpu.dma_semaphore, #tpu.memory_space<semaphore_mem>>)
        %dma_wait3A_146 = arith.constant 0 : i32
        %dma_wait3A_147 = arith.constant 0 : i32
        %dma_wait3A_148 = tpu.memref_slice %arg7[%dma_wait3A_146, %dma_wait3A_147] : memref<88x128xi32, #tpu.memory_space<vmem>> -> memref<72x128xi32, #tpu.memory_space<vmem>>
        %dma_wait3A_149 = arith.constant 0 : i32
        %dma_wait3A_150 = arith.constant 0 : i32
        %dma_wait3A_151 = tpu.memref_slice %arg2[%cond3A_38, %dma_wait3A_149, %dma_wait3A_150] : memref<2x2500x128xi32, #tpu.memory_space<hbm>> -> memref<1x2500x128xi32, #tpu.memory_space<hbm>>
        %dma_wait3A_152 = tpu.memref_squeeze %dma_wait3A_151 : memref<1x2500x128xi32, #tpu.memory_space<hbm>> -> memref<2500x128xi32, #tpu.memory_space<hbm>>
        %dma_wait3A_153 = arith.constant 0 : i32
        %dma_wait3A_154 = tpu.memref_slice %dma_wait3A_152[%add3A_128, %dma_wait3A_153] : memref<2500x128xi32, #tpu.memory_space<hbm>> -> memref<72x128xi32, #tpu.memory_space<hbm>>
        %dma_wait3A_155 = arith.constant 0 : i32
        %dma_wait3A_156 = arith.constant 0 : i32
        %dma_wait3A_157 = tpu.memref_slice %arg7[%dma_wait3A_155, %dma_wait3A_156] : memref<88x128xi32, #tpu.memory_space<vmem>> -> memref<72x128xi32, #tpu.memory_space<vmem>>
        %dma_wait3A_158 = arith.constant 0 : i32
        %dma_wait3A_159 = arith.constant 0 : i32
        %dma_wait3A_160 = tpu.memref_slice %arg2[%cond3A_38, %dma_wait3A_158, %dma_wait3A_159] : memref<2x2500x128xi32, #tpu.memory_space<hbm>> -> memref<1x2500x128xi32, #tpu.memory_space<hbm>>
        %dma_wait3A_161 = tpu.memref_squeeze %dma_wait3A_160 : memref<1x2500x128xi32, #tpu.memory_space<hbm>> -> memref<2500x128xi32, #tpu.memory_space<hbm>>
        %dma_wait3A_162 = arith.constant 0 : i32
        %dma_wait3A_163 = tpu.memref_slice %dma_wait3A_161[%add3A_128, %dma_wait3A_162] : memref<2500x128xi32, #tpu.memory_space<hbm>> -> memref<72x128xi32, #tpu.memory_space<hbm>>
        tpu.wait_dma2 semaphore(%run_scoped3A : memref<!tpu.dma_semaphore, #tpu.memory_space<semaphore_mem>>) src(%dma_wait3A_163 : memref<72x128xi32, #tpu.memory_space<hbm>>) dst(%dma_wait3A_157 : memref<72x128xi32, #tpu.memory_space<vmem>>)
        tpu.yield
      }) : () -> ()
    } else {
    }
    %eq3A_41 = arith.constant 1 : i32
    %eq3A_42 = arith.cmpi eq, %arg0, %eq3A_41 : i32
    %eq3A_43 = arith.constant 15 : i32
    %eq3A_44 = arith.cmpi eq, %arg1, %eq3A_43 : i32
    %and3A_45 = arith.andi %eq3A_42, %eq3A_44 : i1
    %convert_element_type3A_46 = arith.extui %and3A_45 : i1 to i32
    %cond3A_47 = arith.constant 1 : i32
    %cond3A_48 = arith.constant 0 : i32
    %cond3A_49 = arith.cmpi ne, %convert_element_type3A_46, %cond3A_48 : i32
    scf.if %cond3A_49 {
      "tpu.region"() ({
        %run_scoped3A = tpu.sem_alloc : memref<!tpu.dma_semaphore, #tpu.memory_space<semaphore_mem>>
        %dma_start3A = arith.constant 0 : i32
        %dma_start3A_126 = arith.constant 0 : i32
        %dma_start3A_127 = tpu.memref_slice %arg7[%dma_start3A, %dma_start3A_126] : memref<88x128xi32, #tpu.memory_space<vmem>> -> memref<12x128xi32, #tpu.memory_space<vmem>>
        %dma_start3A_128 = arith.constant 0 : i32
        %dma_start3A_129 = arith.constant 0 : i32
        %dma_start3A_130 = tpu.memref_slice %arg2[%cond3A_47, %dma_start3A_128, %dma_start3A_129] : memref<2x2500x128xi32, #tpu.memory_space<hbm>> -> memref<1x2500x128xi32, #tpu.memory_space<hbm>>
        %dma_start3A_131 = tpu.memref_squeeze %dma_start3A_130 : memref<1x2500x128xi32, #tpu.memory_space<hbm>> -> memref<2500x128xi32, #tpu.memory_space<hbm>>
        %dma_start3A_132 = arith.constant 2488 : i32
        %dma_start3A_133 = arith.constant 0 : i32
        %dma_start3A_134 = tpu.memref_slice %dma_start3A_131[%dma_start3A_132, %dma_start3A_133] : memref<2500x128xi32, #tpu.memory_space<hbm>> -> memref<12x128xi32, #tpu.memory_space<hbm>>
        %dma_start3A_135 = arith.constant 0 : i32
        %dma_start3A_136 = arith.constant 0 : i32
        %dma_start3A_137 = tpu.memref_slice %arg7[%dma_start3A_135, %dma_start3A_136] : memref<88x128xi32, #tpu.memory_space<vmem>> -> memref<12x128xi32, #tpu.memory_space<vmem>>
        %dma_start3A_138 = arith.constant 0 : i32
        %dma_start3A_139 = arith.constant 0 : i32
        %dma_start3A_140 = tpu.memref_slice %arg2[%cond3A_47, %dma_start3A_138, %dma_start3A_139] : memref<2x2500x128xi32, #tpu.memory_space<hbm>> -> memref<1x2500x128xi32, #tpu.memory_space<hbm>>
        %dma_start3A_141 = tpu.memref_squeeze %dma_start3A_140 : memref<1x2500x128xi32, #tpu.memory_space<hbm>> -> memref<2500x128xi32, #tpu.memory_space<hbm>>
        %dma_start3A_142 = arith.constant 2488 : i32
        %dma_start3A_143 = arith.constant 0 : i32
        %dma_start3A_144 = tpu.memref_slice %dma_start3A_141[%dma_start3A_142, %dma_start3A_143] : memref<2500x128xi32, #tpu.memory_space<hbm>> -> memref<12x128xi32, #tpu.memory_space<hbm>>
        tpu.enqueue_dma source(%dma_start3A_144 : memref<12x128xi32, #tpu.memory_space<hbm>>) target(%dma_start3A_137 : memref<12x128xi32, #tpu.memory_space<vmem>>) target_semaphore(%run_scoped3A : memref<!tpu.dma_semaphore, #tpu.memory_space<semaphore_mem>>)
        %dma_wait3A_145 = arith.constant 0 : i32
        %dma_wait3A_146 = arith.constant 0 : i32
        %dma_wait3A_147 = tpu.memref_slice %arg7[%dma_wait3A_145, %dma_wait3A_146] : memref<88x128xi32, #tpu.memory_space<vmem>> -> memref<12x128xi32, #tpu.memory_space<vmem>>
        %dma_wait3A_148 = arith.constant 0 : i32
        %dma_wait3A_149 = arith.constant 0 : i32
        %dma_wait3A_150 = tpu.memref_slice %arg2[%cond3A_47, %dma_wait3A_148, %dma_wait3A_149] : memref<2x2500x128xi32, #tpu.memory_space<hbm>> -> memref<1x2500x128xi32, #tpu.memory_space<hbm>>
        %dma_wait3A_151 = tpu.memref_squeeze %dma_wait3A_150 : memref<1x2500x128xi32, #tpu.memory_space<hbm>> -> memref<2500x128xi32, #tpu.memory_space<hbm>>
        %dma_wait3A_152 = arith.constant 2488 : i32
        %dma_wait3A_153 = arith.constant 0 : i32
        %dma_wait3A_154 = tpu.memref_slice %dma_wait3A_151[%dma_wait3A_152, %dma_wait3A_153] : memref<2500x128xi32, #tpu.memory_space<hbm>> -> memref<12x128xi32, #tpu.memory_space<hbm>>
        %dma_wait3A_155 = arith.constant 0 : i32
        %dma_wait3A_156 = arith.constant 0 : i32
        %dma_wait3A_157 = tpu.memref_slice %arg7[%dma_wait3A_155, %dma_wait3A_156] : memref<88x128xi32, #tpu.memory_space<vmem>> -> memref<12x128xi32, #tpu.memory_space<vmem>>
        %dma_wait3A_158 = arith.constant 0 : i32
        %dma_wait3A_159 = arith.constant 0 : i32
        %dma_wait3A_160 = tpu.memref_slice %arg2[%cond3A_47, %dma_wait3A_158, %dma_wait3A_159] : memref<2x2500x128xi32, #tpu.memory_space<hbm>> -> memref<1x2500x128xi32, #tpu.memory_space<hbm>>
        %dma_wait3A_161 = tpu.memref_squeeze %dma_wait3A_160 : memref<1x2500x128xi32, #tpu.memory_space<hbm>> -> memref<2500x128xi32, #tpu.memory_space<hbm>>
        %dma_wait3A_162 = arith.constant 2488 : i32
        %dma_wait3A_163 = arith.constant 0 : i32
        %dma_wait3A_164 = tpu.memref_slice %dma_wait3A_161[%dma_wait3A_162, %dma_wait3A_163] : memref<2500x128xi32, #tpu.memory_space<hbm>> -> memref<12x128xi32, #tpu.memory_space<hbm>>
        tpu.wait_dma2 semaphore(%run_scoped3A : memref<!tpu.dma_semaphore, #tpu.memory_space<semaphore_mem>>) src(%dma_wait3A_164 : memref<12x128xi32, #tpu.memory_space<hbm>>) dst(%dma_wait3A_157 : memref<12x128xi32, #tpu.memory_space<vmem>>)
        tpu.yield
      }) : () -> ()
    } else {
    }
    %mul3A = arith.constant 632 : i32
    %mul3A_50 = arith.muli %arg1, %mul3A : i32
    "tpu.region"() ({
      %run_scoped3A = tpu.sem_alloc : memref<!tpu.dma_semaphore, #tpu.memory_space<semaphore_mem>>
      %dma_start3A = arith.constant 0 : i32
      %dma_start3A_126 = tpu.memref_slice %arg9[%mul3A_50, %dma_start3A] : memref<10112x16xf32, #tpu.memory_space<vmem_shared>> -> memref<632x16xf32, #tpu.memory_space<vmem_shared>>
      tpu.enqueue_dma source(%arg4 : memref<632x16xf32, #tpu.memory_space<hbm>>) target(%dma_start3A_126 : memref<632x16xf32, #tpu.memory_space<vmem_shared>>) target_semaphore(%run_scoped3A : memref<!tpu.dma_semaphore, #tpu.memory_space<semaphore_mem>>)
      %dma_wait3A_127 = arith.constant 0 : i32
      %dma_wait3A_128 = tpu.memref_slice %arg9[%mul3A_50, %dma_wait3A_127] : memref<10112x16xf32, #tpu.memory_space<vmem_shared>> -> memref<632x16xf32, #tpu.memory_space<vmem_shared>>
      tpu.wait_dma2 semaphore(%run_scoped3A : memref<!tpu.dma_semaphore, #tpu.memory_space<semaphore_mem>>) src(%arg4 : memref<632x16xf32, #tpu.memory_space<hbm>>) dst(%dma_wait3A_128 : memref<632x16xf32, #tpu.memory_space<vmem_shared>>)
      tpu.yield
    }) : () -> ()
    %barrier3A = arith.constant 0 : index
    tpu.barrier barrier_id(%barrier3A)
    %lt3A_51 = arith.constant 0 : i32
    %lt3A_52 = arith.cmpi slt, %lt3A_51, %select_n3A_4 : i32
    %convert_element_type3A_53 = arith.extui %lt3A_52 : i1 to i32
    %cond3A_54 = arith.constant 0 : i32
    %cond3A_55 = arith.constant 0 : i32
    %cond3A_56 = arith.cmpi ne, %convert_element_type3A_53, %cond3A_55 : i32
    scf.if %cond3A_56 {
      %rem3A_126 = arith.constant 8 : i32
      %rem3A_127 = arith.remsi %cond3A_54, %rem3A_126 : i32
      %dma_start3A = arith.constant 0 : i32
      %dma_start3A_128 = arith.constant 0 : i32
      %dma_start3A_129 = tpu.memref_slice %arg8[%rem3A_127, %dma_start3A, %dma_start3A_128] : memref<8x128x16xf32, #tpu.memory_space<vmem>> -> memref<1x128x16xf32, #tpu.memory_space<vmem>>
      %dma_start3A_130 = tpu.memref_squeeze %dma_start3A_129 : memref<1x128x16xf32, #tpu.memory_space<vmem>> -> memref<128x16xf32, #tpu.memory_space<vmem>>
      %dma_start3A_131 = arith.constant 0 : i32
      %dma_start3A_132 = tpu.memref_slice %arg6[%cond3A_54, %dma_start3A_131] : memref<88x128xi32, #tpu.memory_space<vmem>> -> memref<1x128xi32, #tpu.memory_space<vmem>>
      %dma_start3A_133 = tpu.memref_squeeze %dma_start3A_132 : memref<1x128xi32, #tpu.memory_space<vmem>> -> memref<128xi32, #tpu.memory_space<vmem>>
      %dma_start3A_134 = arith.constant 0 : i32
      %dma_start3A_135 = arith.constant 0 : i32
      %dma_start3A_136 = tpu.memref_slice %arg3[%dma_start3A_134, %dma_start3A_135] : memref<10000x16xf32, #tpu.memory_space<hbm>> -> memref<10000x16xf32, #tpu.memory_space<hbm>>
      %dma_start3A_137 = tpu.memref_slice %arg10[%rem3A_127] : memref<8x!tpu.dma_semaphore, #tpu.memory_space<semaphore_mem>> -> memref<1x!tpu.dma_semaphore, #tpu.memory_space<semaphore_mem>>
      %dma_start3A_138 = tpu.memref_squeeze %dma_start3A_137 : memref<1x!tpu.dma_semaphore, #tpu.memory_space<semaphore_mem>> -> memref<!tpu.dma_semaphore, #tpu.memory_space<semaphore_mem>>
      tpu.enqueue_indirect_dma source(%dma_start3A_136 : memref<10000x16xf32, #tpu.memory_space<hbm>>) target(%dma_start3A_130 : memref<128x16xf32, #tpu.memory_space<vmem>>) offsets(%dma_start3A_133 : memref<128xi32, #tpu.memory_space<vmem>>) semaphore(%dma_start3A_138 : memref<!tpu.dma_semaphore, #tpu.memory_space<semaphore_mem>>)
    } else {
    }
    %lt3A_57 = arith.constant 1 : i32
    %lt3A_58 = arith.cmpi slt, %lt3A_57, %select_n3A_4 : i32
    %convert_element_type3A_59 = arith.extui %lt3A_58 : i1 to i32
    %cond3A_60 = arith.constant 1 : i32
    %cond3A_61 = arith.constant 0 : i32
    %cond3A_62 = arith.cmpi ne, %convert_element_type3A_59, %cond3A_61 : i32
    scf.if %cond3A_62 {
      %rem3A_126 = arith.constant 8 : i32
      %rem3A_127 = arith.remsi %cond3A_60, %rem3A_126 : i32
      %dma_start3A = arith.constant 0 : i32
      %dma_start3A_128 = arith.constant 0 : i32
      %dma_start3A_129 = tpu.memref_slice %arg8[%rem3A_127, %dma_start3A, %dma_start3A_128] : memref<8x128x16xf32, #tpu.memory_space<vmem>> -> memref<1x128x16xf32, #tpu.memory_space<vmem>>
      %dma_start3A_130 = tpu.memref_squeeze %dma_start3A_129 : memref<1x128x16xf32, #tpu.memory_space<vmem>> -> memref<128x16xf32, #tpu.memory_space<vmem>>
      %dma_start3A_131 = arith.constant 0 : i32
      %dma_start3A_132 = tpu.memref_slice %arg6[%cond3A_60, %dma_start3A_131] : memref<88x128xi32, #tpu.memory_space<vmem>> -> memref<1x128xi32, #tpu.memory_space<vmem>>
      %dma_start3A_133 = tpu.memref_squeeze %dma_start3A_132 : memref<1x128xi32, #tpu.memory_space<vmem>> -> memref<128xi32, #tpu.memory_space<vmem>>
      %dma_start3A_134 = arith.constant 0 : i32
      %dma_start3A_135 = arith.constant 0 : i32
      %dma_start3A_136 = tpu.memref_slice %arg3[%dma_start3A_134, %dma_start3A_135] : memref<10000x16xf32, #tpu.memory_space<hbm>> -> memref<10000x16xf32, #tpu.memory_space<hbm>>
      %dma_start3A_137 = tpu.memref_slice %arg10[%rem3A_127] : memref<8x!tpu.dma_semaphore, #tpu.memory_space<semaphore_mem>> -> memref<1x!tpu.dma_semaphore, #tpu.memory_space<semaphore_mem>>
      %dma_start3A_138 = tpu.memref_squeeze %dma_start3A_137 : memref<1x!tpu.dma_semaphore, #tpu.memory_space<semaphore_mem>> -> memref<!tpu.dma_semaphore, #tpu.memory_space<semaphore_mem>>
      tpu.enqueue_indirect_dma source(%dma_start3A_136 : memref<10000x16xf32, #tpu.memory_space<hbm>>) target(%dma_start3A_130 : memref<128x16xf32, #tpu.memory_space<vmem>>) offsets(%dma_start3A_133 : memref<128xi32, #tpu.memory_space<vmem>>) semaphore(%dma_start3A_138 : memref<!tpu.dma_semaphore, #tpu.memory_space<semaphore_mem>>)
    } else {
    }
    %lt3A_63 = arith.constant 2 : i32
    %lt3A_64 = arith.cmpi slt, %lt3A_63, %select_n3A_4 : i32
    %convert_element_type3A_65 = arith.extui %lt3A_64 : i1 to i32
    %cond3A_66 = arith.constant 2 : i32
    %cond3A_67 = arith.constant 0 : i32
    %cond3A_68 = arith.cmpi ne, %convert_element_type3A_65, %cond3A_67 : i32
    scf.if %cond3A_68 {
      %rem3A_126 = arith.constant 8 : i32
      %rem3A_127 = arith.remsi %cond3A_66, %rem3A_126 : i32
      %dma_start3A = arith.constant 0 : i32
      %dma_start3A_128 = arith.constant 0 : i32
      %dma_start3A_129 = tpu.memref_slice %arg8[%rem3A_127, %dma_start3A, %dma_start3A_128] : memref<8x128x16xf32, #tpu.memory_space<vmem>> -> memref<1x128x16xf32, #tpu.memory_space<vmem>>
      %dma_start3A_130 = tpu.memref_squeeze %dma_start3A_129 : memref<1x128x16xf32, #tpu.memory_space<vmem>> -> memref<128x16xf32, #tpu.memory_space<vmem>>
      %dma_start3A_131 = arith.constant 0 : i32
      %dma_start3A_132 = tpu.memref_slice %arg6[%cond3A_66, %dma_start3A_131] : memref<88x128xi32, #tpu.memory_space<vmem>> -> memref<1x128xi32, #tpu.memory_space<vmem>>
      %dma_start3A_133 = tpu.memref_squeeze %dma_start3A_132 : memref<1x128xi32, #tpu.memory_space<vmem>> -> memref<128xi32, #tpu.memory_space<vmem>>
      %dma_start3A_134 = arith.constant 0 : i32
      %dma_start3A_135 = arith.constant 0 : i32
      %dma_start3A_136 = tpu.memref_slice %arg3[%dma_start3A_134, %dma_start3A_135] : memref<10000x16xf32, #tpu.memory_space<hbm>> -> memref<10000x16xf32, #tpu.memory_space<hbm>>
      %dma_start3A_137 = tpu.memref_slice %arg10[%rem3A_127] : memref<8x!tpu.dma_semaphore, #tpu.memory_space<semaphore_mem>> -> memref<1x!tpu.dma_semaphore, #tpu.memory_space<semaphore_mem>>
      %dma_start3A_138 = tpu.memref_squeeze %dma_start3A_137 : memref<1x!tpu.dma_semaphore, #tpu.memory_space<semaphore_mem>> -> memref<!tpu.dma_semaphore, #tpu.memory_space<semaphore_mem>>
      tpu.enqueue_indirect_dma source(%dma_start3A_136 : memref<10000x16xf32, #tpu.memory_space<hbm>>) target(%dma_start3A_130 : memref<128x16xf32, #tpu.memory_space<vmem>>) offsets(%dma_start3A_133 : memref<128xi32, #tpu.memory_space<vmem>>) semaphore(%dma_start3A_138 : memref<!tpu.dma_semaphore, #tpu.memory_space<semaphore_mem>>)
    } else {
    }
    %lt3A_69 = arith.constant 3 : i32
    %lt3A_70 = arith.cmpi slt, %lt3A_69, %select_n3A_4 : i32
    %convert_element_type3A_71 = arith.extui %lt3A_70 : i1 to i32
    %cond3A_72 = arith.constant 3 : i32
    %cond3A_73 = arith.constant 0 : i32
    %cond3A_74 = arith.cmpi ne, %convert_element_type3A_71, %cond3A_73 : i32
    scf.if %cond3A_74 {
      %rem3A_126 = arith.constant 8 : i32
      %rem3A_127 = arith.remsi %cond3A_72, %rem3A_126 : i32
      %dma_start3A = arith.constant 0 : i32
      %dma_start3A_128 = arith.constant 0 : i32
      %dma_start3A_129 = tpu.memref_slice %arg8[%rem3A_127, %dma_start3A, %dma_start3A_128] : memref<8x128x16xf32, #tpu.memory_space<vmem>> -> memref<1x128x16xf32, #tpu.memory_space<vmem>>
      %dma_start3A_130 = tpu.memref_squeeze %dma_start3A_129 : memref<1x128x16xf32, #tpu.memory_space<vmem>> -> memref<128x16xf32, #tpu.memory_space<vmem>>
      %dma_start3A_131 = arith.constant 0 : i32
      %dma_start3A_132 = tpu.memref_slice %arg6[%cond3A_72, %dma_start3A_131] : memref<88x128xi32, #tpu.memory_space<vmem>> -> memref<1x128xi32, #tpu.memory_space<vmem>>
      %dma_start3A_133 = tpu.memref_squeeze %dma_start3A_132 : memref<1x128xi32, #tpu.memory_space<vmem>> -> memref<128xi32, #tpu.memory_space<vmem>>
      %dma_start3A_134 = arith.constant 0 : i32
      %dma_start3A_135 = arith.constant 0 : i32
      %dma_start3A_136 = tpu.memref_slice %arg3[%dma_start3A_134, %dma_start3A_135] : memref<10000x16xf32, #tpu.memory_space<hbm>> -> memref<10000x16xf32, #tpu.memory_space<hbm>>
      %dma_start3A_137 = tpu.memref_slice %arg10[%rem3A_127] : memref<8x!tpu.dma_semaphore, #tpu.memory_space<semaphore_mem>> -> memref<1x!tpu.dma_semaphore, #tpu.memory_space<semaphore_mem>>
      %dma_start3A_138 = tpu.memref_squeeze %dma_start3A_137 : memref<1x!tpu.dma_semaphore, #tpu.memory_space<semaphore_mem>> -> memref<!tpu.dma_semaphore, #tpu.memory_space<semaphore_mem>>
      tpu.enqueue_indirect_dma source(%dma_start3A_136 : memref<10000x16xf32, #tpu.memory_space<hbm>>) target(%dma_start3A_130 : memref<128x16xf32, #tpu.memory_space<vmem>>) offsets(%dma_start3A_133 : memref<128xi32, #tpu.memory_space<vmem>>) semaphore(%dma_start3A_138 : memref<!tpu.dma_semaphore, #tpu.memory_space<semaphore_mem>>)
    } else {
    }
    %lt3A_75 = arith.constant 4 : i32
    %lt3A_76 = arith.cmpi slt, %lt3A_75, %select_n3A_4 : i32
    %convert_element_type3A_77 = arith.extui %lt3A_76 : i1 to i32
    %cond3A_78 = arith.constant 4 : i32
    %cond3A_79 = arith.constant 0 : i32
    %cond3A_80 = arith.cmpi ne, %convert_element_type3A_77, %cond3A_79 : i32
    scf.if %cond3A_80 {
      %rem3A_126 = arith.constant 8 : i32
      %rem3A_127 = arith.remsi %cond3A_78, %rem3A_126 : i32
      %dma_start3A = arith.constant 0 : i32
      %dma_start3A_128 = arith.constant 0 : i32
      %dma_start3A_129 = tpu.memref_slice %arg8[%rem3A_127, %dma_start3A, %dma_start3A_128] : memref<8x128x16xf32, #tpu.memory_space<vmem>> -> memref<1x128x16xf32, #tpu.memory_space<vmem>>
      %dma_start3A_130 = tpu.memref_squeeze %dma_start3A_129 : memref<1x128x16xf32, #tpu.memory_space<vmem>> -> memref<128x16xf32, #tpu.memory_space<vmem>>
      %dma_start3A_131 = arith.constant 0 : i32
      %dma_start3A_132 = tpu.memref_slice %arg6[%cond3A_78, %dma_start3A_131] : memref<88x128xi32, #tpu.memory_space<vmem>> -> memref<1x128xi32, #tpu.memory_space<vmem>>
      %dma_start3A_133 = tpu.memref_squeeze %dma_start3A_132 : memref<1x128xi32, #tpu.memory_space<vmem>> -> memref<128xi32, #tpu.memory_space<vmem>>
      %dma_start3A_134 = arith.constant 0 : i32
      %dma_start3A_135 = arith.constant 0 : i32
      %dma_start3A_136 = tpu.memref_slice %arg3[%dma_start3A_134, %dma_start3A_135] : memref<10000x16xf32, #tpu.memory_space<hbm>> -> memref<10000x16xf32, #tpu.memory_space<hbm>>
      %dma_start3A_137 = tpu.memref_slice %arg10[%rem3A_127] : memref<8x!tpu.dma_semaphore, #tpu.memory_space<semaphore_mem>> -> memref<1x!tpu.dma_semaphore, #tpu.memory_space<semaphore_mem>>
      %dma_start3A_138 = tpu.memref_squeeze %dma_start3A_137 : memref<1x!tpu.dma_semaphore, #tpu.memory_space<semaphore_mem>> -> memref<!tpu.dma_semaphore, #tpu.memory_space<semaphore_mem>>
      tpu.enqueue_indirect_dma source(%dma_start3A_136 : memref<10000x16xf32, #tpu.memory_space<hbm>>) target(%dma_start3A_130 : memref<128x16xf32, #tpu.memory_space<vmem>>) offsets(%dma_start3A_133 : memref<128xi32, #tpu.memory_space<vmem>>) semaphore(%dma_start3A_138 : memref<!tpu.dma_semaphore, #tpu.memory_space<semaphore_mem>>)
    } else {
    }
    %lt3A_81 = arith.constant 5 : i32
    %lt3A_82 = arith.cmpi slt, %lt3A_81, %select_n3A_4 : i32
    %convert_element_type3A_83 = arith.extui %lt3A_82 : i1 to i32
    %cond3A_84 = arith.constant 5 : i32
    %cond3A_85 = arith.constant 0 : i32
    %cond3A_86 = arith.cmpi ne, %convert_element_type3A_83, %cond3A_85 : i32
    scf.if %cond3A_86 {
      %rem3A_126 = arith.constant 8 : i32
      %rem3A_127 = arith.remsi %cond3A_84, %rem3A_126 : i32
      %dma_start3A = arith.constant 0 : i32
      %dma_start3A_128 = arith.constant 0 : i32
      %dma_start3A_129 = tpu.memref_slice %arg8[%rem3A_127, %dma_start3A, %dma_start3A_128] : memref<8x128x16xf32, #tpu.memory_space<vmem>> -> memref<1x128x16xf32, #tpu.memory_space<vmem>>
      %dma_start3A_130 = tpu.memref_squeeze %dma_start3A_129 : memref<1x128x16xf32, #tpu.memory_space<vmem>> -> memref<128x16xf32, #tpu.memory_space<vmem>>
      %dma_start3A_131 = arith.constant 0 : i32
      %dma_start3A_132 = tpu.memref_slice %arg6[%cond3A_84, %dma_start3A_131] : memref<88x128xi32, #tpu.memory_space<vmem>> -> memref<1x128xi32, #tpu.memory_space<vmem>>
      %dma_start3A_133 = tpu.memref_squeeze %dma_start3A_132 : memref<1x128xi32, #tpu.memory_space<vmem>> -> memref<128xi32, #tpu.memory_space<vmem>>
      %dma_start3A_134 = arith.constant 0 : i32
      %dma_start3A_135 = arith.constant 0 : i32
      %dma_start3A_136 = tpu.memref_slice %arg3[%dma_start3A_134, %dma_start3A_135] : memref<10000x16xf32, #tpu.memory_space<hbm>> -> memref<10000x16xf32, #tpu.memory_space<hbm>>
      %dma_start3A_137 = tpu.memref_slice %arg10[%rem3A_127] : memref<8x!tpu.dma_semaphore, #tpu.memory_space<semaphore_mem>> -> memref<1x!tpu.dma_semaphore, #tpu.memory_space<semaphore_mem>>
      %dma_start3A_138 = tpu.memref_squeeze %dma_start3A_137 : memref<1x!tpu.dma_semaphore, #tpu.memory_space<semaphore_mem>> -> memref<!tpu.dma_semaphore, #tpu.memory_space<semaphore_mem>>
      tpu.enqueue_indirect_dma source(%dma_start3A_136 : memref<10000x16xf32, #tpu.memory_space<hbm>>) target(%dma_start3A_130 : memref<128x16xf32, #tpu.memory_space<vmem>>) offsets(%dma_start3A_133 : memref<128xi32, #tpu.memory_space<vmem>>) semaphore(%dma_start3A_138 : memref<!tpu.dma_semaphore, #tpu.memory_space<semaphore_mem>>)
    } else {
    }
    %lt3A_87 = arith.constant 6 : i32
    %lt3A_88 = arith.cmpi slt, %lt3A_87, %select_n3A_4 : i32
    %convert_element_type3A_89 = arith.extui %lt3A_88 : i1 to i32
    %cond3A_90 = arith.constant 6 : i32
    %cond3A_91 = arith.constant 0 : i32
    %cond3A_92 = arith.cmpi ne, %convert_element_type3A_89, %cond3A_91 : i32
    scf.if %cond3A_92 {
      %rem3A_126 = arith.constant 8 : i32
      %rem3A_127 = arith.remsi %cond3A_90, %rem3A_126 : i32
      %dma_start3A = arith.constant 0 : i32
      %dma_start3A_128 = arith.constant 0 : i32
      %dma_start3A_129 = tpu.memref_slice %arg8[%rem3A_127, %dma_start3A, %dma_start3A_128] : memref<8x128x16xf32, #tpu.memory_space<vmem>> -> memref<1x128x16xf32, #tpu.memory_space<vmem>>
      %dma_start3A_130 = tpu.memref_squeeze %dma_start3A_129 : memref<1x128x16xf32, #tpu.memory_space<vmem>> -> memref<128x16xf32, #tpu.memory_space<vmem>>
      %dma_start3A_131 = arith.constant 0 : i32
      %dma_start3A_132 = tpu.memref_slice %arg6[%cond3A_90, %dma_start3A_131] : memref<88x128xi32, #tpu.memory_space<vmem>> -> memref<1x128xi32, #tpu.memory_space<vmem>>
      %dma_start3A_133 = tpu.memref_squeeze %dma_start3A_132 : memref<1x128xi32, #tpu.memory_space<vmem>> -> memref<128xi32, #tpu.memory_space<vmem>>
      %dma_start3A_134 = arith.constant 0 : i32
      %dma_start3A_135 = arith.constant 0 : i32
      %dma_start3A_136 = tpu.memref_slice %arg3[%dma_start3A_134, %dma_start3A_135] : memref<10000x16xf32, #tpu.memory_space<hbm>> -> memref<10000x16xf32, #tpu.memory_space<hbm>>
      %dma_start3A_137 = tpu.memref_slice %arg10[%rem3A_127] : memref<8x!tpu.dma_semaphore, #tpu.memory_space<semaphore_mem>> -> memref<1x!tpu.dma_semaphore, #tpu.memory_space<semaphore_mem>>
      %dma_start3A_138 = tpu.memref_squeeze %dma_start3A_137 : memref<1x!tpu.dma_semaphore, #tpu.memory_space<semaphore_mem>> -> memref<!tpu.dma_semaphore, #tpu.memory_space<semaphore_mem>>
      tpu.enqueue_indirect_dma source(%dma_start3A_136 : memref<10000x16xf32, #tpu.memory_space<hbm>>) target(%dma_start3A_130 : memref<128x16xf32, #tpu.memory_space<vmem>>) offsets(%dma_start3A_133 : memref<128xi32, #tpu.memory_space<vmem>>) semaphore(%dma_start3A_138 : memref<!tpu.dma_semaphore, #tpu.memory_space<semaphore_mem>>)
    } else {
    }
    %while3A = arith.constant 0 : i32
    %while3A_93 = arith.constant 0 : i32
    %while3A_94 = arith.subi %select_n3A_4, %while3A_93 : i32
    %while3A_95 = arith.addi %while3A_93, %while3A_94 : i32
    %while3A_96 = arith.constant 1 : i32
    %while3A_97 = arith.divsi %while3A_94, %while3A_96 : i32
    %while3A_98 = arith.muli %while3A_97, %while3A_96 : i32
    %while3A_99 = arith.addi %while3A_93, %while3A_98 : i32
    %while3A_100 = arith.constant 1 : i32
    scf.for %while3A_126 = %while3A_93 to %while3A_99 step %while3A_100  : i32 {
      %rem3A_127 = arith.constant 8 : i32
      %rem3A_128 = arith.remsi %while3A_126, %rem3A_127 : i32
      %dma_wait3A_129 = arith.constant 0 : i32
      %dma_wait3A_130 = arith.constant 0 : i32
      %dma_wait3A_131 = tpu.memref_slice %arg8[%rem3A_128, %dma_wait3A_129, %dma_wait3A_130] : memref<8x128x16xf32, #tpu.memory_space<vmem>> -> memref<1x128x16xf32, #tpu.memory_space<vmem>>
      %dma_wait3A_132 = tpu.memref_squeeze %dma_wait3A_131 : memref<1x128x16xf32, #tpu.memory_space<vmem>> -> memref<128x16xf32, #tpu.memory_space<vmem>>
      %dma_wait3A_133 = arith.constant 0 : i32
      %dma_wait3A_134 = tpu.memref_slice %arg6[%while3A_126, %dma_wait3A_133] : memref<88x128xi32, #tpu.memory_space<vmem>> -> memref<1x128xi32, #tpu.memory_space<vmem>>
      %dma_wait3A_135 = tpu.memref_squeeze %dma_wait3A_134 : memref<1x128xi32, #tpu.memory_space<vmem>> -> memref<128xi32, #tpu.memory_space<vmem>>
      %dma_wait3A_136 = arith.constant 0 : i32
      %dma_wait3A_137 = arith.constant 0 : i32
      %dma_wait3A_138 = tpu.memref_slice %arg3[%dma_wait3A_136, %dma_wait3A_137] : memref<10000x16xf32, #tpu.memory_space<hbm>> -> memref<10000x16xf32, #tpu.memory_space<hbm>>
      %dma_wait3A_139 = tpu.memref_slice %arg10[%rem3A_128] : memref<8x!tpu.dma_semaphore, #tpu.memory_space<semaphore_mem>> -> memref<1x!tpu.dma_semaphore, #tpu.memory_space<semaphore_mem>>
      %dma_wait3A_140 = tpu.memref_squeeze %dma_wait3A_139 : memref<1x!tpu.dma_semaphore, #tpu.memory_space<semaphore_mem>> -> memref<!tpu.dma_semaphore, #tpu.memory_space<semaphore_mem>>
      tpu.wait_indirect_dma semaphore(%dma_wait3A_140 : memref<!tpu.dma_semaphore, #tpu.memory_space<semaphore_mem>>) src(%dma_wait3A_138 : memref<10000x16xf32, #tpu.memory_space<hbm>>) dst(%dma_wait3A_132 : memref<128x16xf32, #tpu.memory_space<vmem>>)
      %rem3A_141 = arith.constant 8 : i32
      %rem3A_142 = arith.remsi %while3A_126, %rem3A_141 : i32
      %dma_start3A = arith.constant 0 : i32
      %dma_start3A_143 = arith.constant 0 : i32
      %dma_start3A_144 = tpu.memref_slice %arg8[%rem3A_142, %dma_start3A, %dma_start3A_143] : memref<8x128x16xf32, #tpu.memory_space<vmem>> -> memref<1x128x16xf32, #tpu.memory_space<vmem>>
      %dma_start3A_145 = tpu.memref_squeeze %dma_start3A_144 : memref<1x128x16xf32, #tpu.memory_space<vmem>> -> memref<128x16xf32, #tpu.memory_space<vmem>>
      %dma_start3A_146 = arith.constant 0 : i32
      %dma_start3A_147 = tpu.memref_slice %arg7[%while3A_126, %dma_start3A_146] : memref<88x128xi32, #tpu.memory_space<vmem>> -> memref<1x128xi32, #tpu.memory_space<vmem>>
      %dma_start3A_148 = tpu.memref_squeeze %dma_start3A_147 : memref<1x128xi32, #tpu.memory_space<vmem>> -> memref<128xi32, #tpu.memory_space<vmem>>
      %dma_start3A_149 = arith.constant 0 : i32
      %dma_start3A_150 = arith.constant 0 : i32
      %dma_start3A_151 = tpu.memref_slice %arg9[%dma_start3A_149, %dma_start3A_150] : memref<10112x16xf32, #tpu.memory_space<vmem_shared>> -> memref<10112x16xf32, #tpu.memory_space<vmem_shared>>
      %dma_start3A_152 = tpu.memref_slice %arg11[%rem3A_142] : memref<8x!tpu.dma_semaphore, #tpu.memory_space<semaphore_mem>> -> memref<1x!tpu.dma_semaphore, #tpu.memory_space<semaphore_mem>>
      %dma_start3A_153 = tpu.memref_squeeze %dma_start3A_152 : memref<1x!tpu.dma_semaphore, #tpu.memory_space<semaphore_mem>> -> memref<!tpu.dma_semaphore, #tpu.memory_space<semaphore_mem>>
      tpu.enqueue_indirect_dma source(%dma_start3A_145 : memref<128x16xf32, #tpu.memory_space<vmem>>) target(%dma_start3A_151 : memref<10112x16xf32, #tpu.memory_space<vmem_shared>>) offsets(%dma_start3A_148 : memref<128xi32, #tpu.memory_space<vmem>>) semaphore(%dma_start3A_153 : memref<!tpu.dma_semaphore, #tpu.memory_space<semaphore_mem>>) {add = true}
      %ge3A = arith.constant 1 : i32
      %ge3A_154 = arith.cmpi sge, %while3A_126, %ge3A : i32
      %convert_element_type3A_155 = arith.extui %ge3A_154 : i1 to i32
      %cond3A_156 = arith.constant 0 : i32
      %cond3A_157 = arith.cmpi ne, %convert_element_type3A_155, %cond3A_156 : i32
      scf.if %cond3A_157 {
        %sub3A_165 = arith.constant 1 : i32
        %sub3A_166 = arith.subi %while3A_126, %sub3A_165 : i32
        %rem3A_167 = arith.constant 8 : i32
        %rem3A_168 = arith.remsi %sub3A_166, %rem3A_167 : i32
        %dma_wait3A_169 = arith.constant 0 : i32
        %dma_wait3A_170 = arith.constant 0 : i32
        %dma_wait3A_171 = tpu.memref_slice %arg8[%rem3A_168, %dma_wait3A_169, %dma_wait3A_170] : memref<8x128x16xf32, #tpu.memory_space<vmem>> -> memref<1x128x16xf32, #tpu.memory_space<vmem>>
        %dma_wait3A_172 = tpu.memref_squeeze %dma_wait3A_171 : memref<1x128x16xf32, #tpu.memory_space<vmem>> -> memref<128x16xf32, #tpu.memory_space<vmem>>
        %dma_wait3A_173 = arith.constant 0 : i32
        %dma_wait3A_174 = tpu.memref_slice %arg7[%sub3A_166, %dma_wait3A_173] : memref<88x128xi32, #tpu.memory_space<vmem>> -> memref<1x128xi32, #tpu.memory_space<vmem>>
        %dma_wait3A_175 = tpu.memref_squeeze %dma_wait3A_174 : memref<1x128xi32, #tpu.memory_space<vmem>> -> memref<128xi32, #tpu.memory_space<vmem>>
        %dma_wait3A_176 = arith.constant 0 : i32
        %dma_wait3A_177 = arith.constant 0 : i32
        %dma_wait3A_178 = tpu.memref_slice %arg9[%dma_wait3A_176, %dma_wait3A_177] : memref<10112x16xf32, #tpu.memory_space<vmem_shared>> -> memref<10112x16xf32, #tpu.memory_space<vmem_shared>>
        %dma_wait3A_179 = tpu.memref_slice %arg11[%rem3A_168] : memref<8x!tpu.dma_semaphore, #tpu.memory_space<semaphore_mem>> -> memref<1x!tpu.dma_semaphore, #tpu.memory_space<semaphore_mem>>
        %dma_wait3A_180 = tpu.memref_squeeze %dma_wait3A_179 : memref<1x!tpu.dma_semaphore, #tpu.memory_space<semaphore_mem>> -> memref<!tpu.dma_semaphore, #tpu.memory_space<semaphore_mem>>
        tpu.wait_indirect_dma semaphore(%dma_wait3A_180 : memref<!tpu.dma_semaphore, #tpu.memory_space<semaphore_mem>>) src(%dma_wait3A_172 : memref<128x16xf32, #tpu.memory_space<vmem>>) dst(%dma_wait3A_178 : memref<10112x16xf32, #tpu.memory_space<vmem_shared>>)
      } else {
      }
      %add3A = arith.constant 8 : i32
      %add3A_158 = arith.addi %while3A_126, %add3A : i32
      %sub3A_159 = arith.constant 1 : i32
      %sub3A_160 = arith.subi %add3A_158, %sub3A_159 : i32
      %lt3A_161 = arith.cmpi slt, %sub3A_160, %select_n3A_4 : i32
      %convert_element_type3A_162 = arith.extui %lt3A_161 : i1 to i32
      %cond3A_163 = arith.constant 0 : i32
      %cond3A_164 = arith.cmpi ne, %convert_element_type3A_162, %cond3A_163 : i32
      scf.if %cond3A_164 {
        %add3A_165 = arith.constant 8 : i32
        %add3A_166 = arith.addi %while3A_126, %add3A_165 : i32
        %sub3A_167 = arith.constant 1 : i32
        %sub3A_168 = arith.subi %add3A_166, %sub3A_167 : i32
        %rem3A_169 = arith.constant 8 : i32
        %rem3A_170 = arith.remsi %sub3A_168, %rem3A_169 : i32
        %dma_start3A_171 = arith.constant 0 : i32
        %dma_start3A_172 = arith.constant 0 : i32
        %dma_start3A_173 = tpu.memref_slice %arg8[%rem3A_170, %dma_start3A_171, %dma_start3A_172] : memref<8x128x16xf32, #tpu.memory_space<vmem>> -> memref<1x128x16xf32, #tpu.memory_space<vmem>>
        %dma_start3A_174 = tpu.memref_squeeze %dma_start3A_173 : memref<1x128x16xf32, #tpu.memory_space<vmem>> -> memref<128x16xf32, #tpu.memory_space<vmem>>
        %dma_start3A_175 = arith.constant 0 : i32
        %dma_start3A_176 = tpu.memref_slice %arg6[%sub3A_168, %dma_start3A_175] : memref<88x128xi32, #tpu.memory_space<vmem>> -> memref<1x128xi32, #tpu.memory_space<vmem>>
        %dma_start3A_177 = tpu.memref_squeeze %dma_start3A_176 : memref<1x128xi32, #tpu.memory_space<vmem>> -> memref<128xi32, #tpu.memory_space<vmem>>
        %dma_start3A_178 = arith.constant 0 : i32
        %dma_start3A_179 = arith.constant 0 : i32
        %dma_start3A_180 = tpu.memref_slice %arg3[%dma_start3A_178, %dma_start3A_179] : memref<10000x16xf32, #tpu.memory_space<hbm>> -> memref<10000x16xf32, #tpu.memory_space<hbm>>
        %dma_start3A_181 = tpu.memref_slice %arg10[%rem3A_170] : memref<8x!tpu.dma_semaphore, #tpu.memory_space<semaphore_mem>> -> memref<1x!tpu.dma_semaphore, #tpu.memory_space<semaphore_mem>>
        %dma_start3A_182 = tpu.memref_squeeze %dma_start3A_181 : memref<1x!tpu.dma_semaphore, #tpu.memory_space<semaphore_mem>> -> memref<!tpu.dma_semaphore, #tpu.memory_space<semaphore_mem>>
        tpu.enqueue_indirect_dma source(%dma_start3A_180 : memref<10000x16xf32, #tpu.memory_space<hbm>>) target(%dma_start3A_174 : memref<128x16xf32, #tpu.memory_space<vmem>>) offsets(%dma_start3A_177 : memref<128xi32, #tpu.memory_space<vmem>>) semaphore(%dma_start3A_182 : memref<!tpu.dma_semaphore, #tpu.memory_space<semaphore_mem>>)
      } else {
      }
    }
    %while3A_101 = arith.constant 1 : i32
    scf.for %while3A_126 = %while3A_99 to %while3A_95 step %while3A_101  : i32 {
      %rem3A_127 = arith.constant 8 : i32
      %rem3A_128 = arith.remsi %while3A_126, %rem3A_127 : i32
      %dma_wait3A_129 = arith.constant 0 : i32
      %dma_wait3A_130 = arith.constant 0 : i32
      %dma_wait3A_131 = tpu.memref_slice %arg8[%rem3A_128, %dma_wait3A_129, %dma_wait3A_130] : memref<8x128x16xf32, #tpu.memory_space<vmem>> -> memref<1x128x16xf32, #tpu.memory_space<vmem>>
      %dma_wait3A_132 = tpu.memref_squeeze %dma_wait3A_131 : memref<1x128x16xf32, #tpu.memory_space<vmem>> -> memref<128x16xf32, #tpu.memory_space<vmem>>
      %dma_wait3A_133 = arith.constant 0 : i32
      %dma_wait3A_134 = tpu.memref_slice %arg6[%while3A_126, %dma_wait3A_133] : memref<88x128xi32, #tpu.memory_space<vmem>> -> memref<1x128xi32, #tpu.memory_space<vmem>>
      %dma_wait3A_135 = tpu.memref_squeeze %dma_wait3A_134 : memref<1x128xi32, #tpu.memory_space<vmem>> -> memref<128xi32, #tpu.memory_space<vmem>>
      %dma_wait3A_136 = arith.constant 0 : i32
      %dma_wait3A_137 = arith.constant 0 : i32
      %dma_wait3A_138 = tpu.memref_slice %arg3[%dma_wait3A_136, %dma_wait3A_137] : memref<10000x16xf32, #tpu.memory_space<hbm>> -> memref<10000x16xf32, #tpu.memory_space<hbm>>
      %dma_wait3A_139 = tpu.memref_slice %arg10[%rem3A_128] : memref<8x!tpu.dma_semaphore, #tpu.memory_space<semaphore_mem>> -> memref<1x!tpu.dma_semaphore, #tpu.memory_space<semaphore_mem>>
      %dma_wait3A_140 = tpu.memref_squeeze %dma_wait3A_139 : memref<1x!tpu.dma_semaphore, #tpu.memory_space<semaphore_mem>> -> memref<!tpu.dma_semaphore, #tpu.memory_space<semaphore_mem>>
      tpu.wait_indirect_dma semaphore(%dma_wait3A_140 : memref<!tpu.dma_semaphore, #tpu.memory_space<semaphore_mem>>) src(%dma_wait3A_138 : memref<10000x16xf32, #tpu.memory_space<hbm>>) dst(%dma_wait3A_132 : memref<128x16xf32, #tpu.memory_space<vmem>>)
      %rem3A_141 = arith.constant 8 : i32
      %rem3A_142 = arith.remsi %while3A_126, %rem3A_141 : i32
      %dma_start3A = arith.constant 0 : i32
      %dma_start3A_143 = arith.constant 0 : i32
      %dma_start3A_144 = tpu.memref_slice %arg8[%rem3A_142, %dma_start3A, %dma_start3A_143] : memref<8x128x16xf32, #tpu.memory_space<vmem>> -> memref<1x128x16xf32, #tpu.memory_space<vmem>>
      %dma_start3A_145 = tpu.memref_squeeze %dma_start3A_144 : memref<1x128x16xf32, #tpu.memory_space<vmem>> -> memref<128x16xf32, #tpu.memory_space<vmem>>
      %dma_start3A_146 = arith.constant 0 : i32
      %dma_start3A_147 = tpu.memref_slice %arg7[%while3A_126, %dma_start3A_146] : memref<88x128xi32, #tpu.memory_space<vmem>> -> memref<1x128xi32, #tpu.memory_space<vmem>>
      %dma_start3A_148 = tpu.memref_squeeze %dma_start3A_147 : memref<1x128xi32, #tpu.memory_space<vmem>> -> memref<128xi32, #tpu.memory_space<vmem>>
      %dma_start3A_149 = arith.constant 0 : i32
      %dma_start3A_150 = arith.constant 0 : i32
      %dma_start3A_151 = tpu.memref_slice %arg9[%dma_start3A_149, %dma_start3A_150] : memref<10112x16xf32, #tpu.memory_space<vmem_shared>> -> memref<10112x16xf32, #tpu.memory_space<vmem_shared>>
      %dma_start3A_152 = tpu.memref_slice %arg11[%rem3A_142] : memref<8x!tpu.dma_semaphore, #tpu.memory_space<semaphore_mem>> -> memref<1x!tpu.dma_semaphore, #tpu.memory_space<semaphore_mem>>
      %dma_start3A_153 = tpu.memref_squeeze %dma_start3A_152 : memref<1x!tpu.dma_semaphore, #tpu.memory_space<semaphore_mem>> -> memref<!tpu.dma_semaphore, #tpu.memory_space<semaphore_mem>>
      tpu.enqueue_indirect_dma source(%dma_start3A_145 : memref<128x16xf32, #tpu.memory_space<vmem>>) target(%dma_start3A_151 : memref<10112x16xf32, #tpu.memory_space<vmem_shared>>) offsets(%dma_start3A_148 : memref<128xi32, #tpu.memory_space<vmem>>) semaphore(%dma_start3A_153 : memref<!tpu.dma_semaphore, #tpu.memory_space<semaphore_mem>>) {add = true}
      %ge3A = arith.constant 1 : i32
      %ge3A_154 = arith.cmpi sge, %while3A_126, %ge3A : i32
      %convert_element_type3A_155 = arith.extui %ge3A_154 : i1 to i32
      %cond3A_156 = arith.constant 0 : i32
      %cond3A_157 = arith.cmpi ne, %convert_element_type3A_155, %cond3A_156 : i32
      scf.if %cond3A_157 {
        %sub3A_165 = arith.constant 1 : i32
        %sub3A_166 = arith.subi %while3A_126, %sub3A_165 : i32
        %rem3A_167 = arith.constant 8 : i32
        %rem3A_168 = arith.remsi %sub3A_166, %rem3A_167 : i32
        %dma_wait3A_169 = arith.constant 0 : i32
        %dma_wait3A_170 = arith.constant 0 : i32
        %dma_wait3A_171 = tpu.memref_slice %arg8[%rem3A_168, %dma_wait3A_169, %dma_wait3A_170] : memref<8x128x16xf32, #tpu.memory_space<vmem>> -> memref<1x128x16xf32, #tpu.memory_space<vmem>>
        %dma_wait3A_172 = tpu.memref_squeeze %dma_wait3A_171 : memref<1x128x16xf32, #tpu.memory_space<vmem>> -> memref<128x16xf32, #tpu.memory_space<vmem>>
        %dma_wait3A_173 = arith.constant 0 : i32
        %dma_wait3A_174 = tpu.memref_slice %arg7[%sub3A_166, %dma_wait3A_173] : memref<88x128xi32, #tpu.memory_space<vmem>> -> memref<1x128xi32, #tpu.memory_space<vmem>>
        %dma_wait3A_175 = tpu.memref_squeeze %dma_wait3A_174 : memref<1x128xi32, #tpu.memory_space<vmem>> -> memref<128xi32, #tpu.memory_space<vmem>>
        %dma_wait3A_176 = arith.constant 0 : i32
        %dma_wait3A_177 = arith.constant 0 : i32
        %dma_wait3A_178 = tpu.memref_slice %arg9[%dma_wait3A_176, %dma_wait3A_177] : memref<10112x16xf32, #tpu.memory_space<vmem_shared>> -> memref<10112x16xf32, #tpu.memory_space<vmem_shared>>
        %dma_wait3A_179 = tpu.memref_slice %arg11[%rem3A_168] : memref<8x!tpu.dma_semaphore, #tpu.memory_space<semaphore_mem>> -> memref<1x!tpu.dma_semaphore, #tpu.memory_space<semaphore_mem>>
        %dma_wait3A_180 = tpu.memref_squeeze %dma_wait3A_179 : memref<1x!tpu.dma_semaphore, #tpu.memory_space<semaphore_mem>> -> memref<!tpu.dma_semaphore, #tpu.memory_space<semaphore_mem>>
        tpu.wait_indirect_dma semaphore(%dma_wait3A_180 : memref<!tpu.dma_semaphore, #tpu.memory_space<semaphore_mem>>) src(%dma_wait3A_172 : memref<128x16xf32, #tpu.memory_space<vmem>>) dst(%dma_wait3A_178 : memref<10112x16xf32, #tpu.memory_space<vmem_shared>>)
      } else {
      }
      %add3A = arith.constant 8 : i32
      %add3A_158 = arith.addi %while3A_126, %add3A : i32
      %sub3A_159 = arith.constant 1 : i32
      %sub3A_160 = arith.subi %add3A_158, %sub3A_159 : i32
      %lt3A_161 = arith.cmpi slt, %sub3A_160, %select_n3A_4 : i32
      %convert_element_type3A_162 = arith.extui %lt3A_161 : i1 to i32
      %cond3A_163 = arith.constant 0 : i32
      %cond3A_164 = arith.cmpi ne, %convert_element_type3A_162, %cond3A_163 : i32
      scf.if %cond3A_164 {
        %add3A_165 = arith.constant 8 : i32
        %add3A_166 = arith.addi %while3A_126, %add3A_165 : i32
        %sub3A_167 = arith.constant 1 : i32
        %sub3A_168 = arith.subi %add3A_166, %sub3A_167 : i32
        %rem3A_169 = arith.constant 8 : i32
        %rem3A_170 = arith.remsi %sub3A_168, %rem3A_169 : i32
        %dma_start3A_171 = arith.constant 0 : i32
        %dma_start3A_172 = arith.constant 0 : i32
        %dma_start3A_173 = tpu.memref_slice %arg8[%rem3A_170, %dma_start3A_171, %dma_start3A_172] : memref<8x128x16xf32, #tpu.memory_space<vmem>> -> memref<1x128x16xf32, #tpu.memory_space<vmem>>
        %dma_start3A_174 = tpu.memref_squeeze %dma_start3A_173 : memref<1x128x16xf32, #tpu.memory_space<vmem>> -> memref<128x16xf32, #tpu.memory_space<vmem>>
        %dma_start3A_175 = arith.constant 0 : i32
        %dma_start3A_176 = tpu.memref_slice %arg6[%sub3A_168, %dma_start3A_175] : memref<88x128xi32, #tpu.memory_space<vmem>> -> memref<1x128xi32, #tpu.memory_space<vmem>>
        %dma_start3A_177 = tpu.memref_squeeze %dma_start3A_176 : memref<1x128xi32, #tpu.memory_space<vmem>> -> memref<128xi32, #tpu.memory_space<vmem>>
        %dma_start3A_178 = arith.constant 0 : i32
        %dma_start3A_179 = arith.constant 0 : i32
        %dma_start3A_180 = tpu.memref_slice %arg3[%dma_start3A_178, %dma_start3A_179] : memref<10000x16xf32, #tpu.memory_space<hbm>> -> memref<10000x16xf32, #tpu.memory_space<hbm>>
        %dma_start3A_181 = tpu.memref_slice %arg10[%rem3A_170] : memref<8x!tpu.dma_semaphore, #tpu.memory_space<semaphore_mem>> -> memref<1x!tpu.dma_semaphore, #tpu.memory_space<semaphore_mem>>
        %dma_start3A_182 = tpu.memref_squeeze %dma_start3A_181 : memref<1x!tpu.dma_semaphore, #tpu.memory_space<semaphore_mem>> -> memref<!tpu.dma_semaphore, #tpu.memory_space<semaphore_mem>>
        tpu.enqueue_indirect_dma source(%dma_start3A_180 : memref<10000x16xf32, #tpu.memory_space<hbm>>) target(%dma_start3A_174 : memref<128x16xf32, #tpu.memory_space<vmem>>) offsets(%dma_start3A_177 : memref<128xi32, #tpu.memory_space<vmem>>) semaphore(%dma_start3A_182 : memref<!tpu.dma_semaphore, #tpu.memory_space<semaphore_mem>>)
      } else {
      }
    }
    %sub3A = arith.constant 1 : i32
    %sub3A_102 = arith.subi %select_n3A_4, %sub3A : i32
    %rem3A = arith.constant 8 : i32
    %rem3A_103 = arith.remsi %sub3A_102, %rem3A : i32
    %dma_wait3A = arith.constant 0 : i32
    %dma_wait3A_104 = arith.constant 0 : i32
    %dma_wait3A_105 = tpu.memref_slice %arg8[%rem3A_103, %dma_wait3A, %dma_wait3A_104] : memref<8x128x16xf32, #tpu.memory_space<vmem>> -> memref<1x128x16xf32, #tpu.memory_space<vmem>>
    %dma_wait3A_106 = tpu.memref_squeeze %dma_wait3A_105 : memref<1x128x16xf32, #tpu.memory_space<vmem>> -> memref<128x16xf32, #tpu.memory_space<vmem>>
    %dma_wait3A_107 = arith.constant 0 : i32
    %dma_wait3A_108 = tpu.memref_slice %arg7[%sub3A_102, %dma_wait3A_107] : memref<88x128xi32, #tpu.memory_space<vmem>> -> memref<1x128xi32, #tpu.memory_space<vmem>>
    %dma_wait3A_109 = tpu.memref_squeeze %dma_wait3A_108 : memref<1x128xi32, #tpu.memory_space<vmem>> -> memref<128xi32, #tpu.memory_space<vmem>>
    %dma_wait3A_110 = arith.constant 0 : i32
    %dma_wait3A_111 = arith.constant 0 : i32
    %dma_wait3A_112 = tpu.memref_slice %arg9[%dma_wait3A_110, %dma_wait3A_111] : memref<10112x16xf32, #tpu.memory_space<vmem_shared>> -> memref<10112x16xf32, #tpu.memory_space<vmem_shared>>
    %dma_wait3A_113 = tpu.memref_slice %arg11[%rem3A_103] : memref<8x!tpu.dma_semaphore, #tpu.memory_space<semaphore_mem>> -> memref<1x!tpu.dma_semaphore, #tpu.memory_space<semaphore_mem>>
    %dma_wait3A_114 = tpu.memref_squeeze %dma_wait3A_113 : memref<1x!tpu.dma_semaphore, #tpu.memory_space<semaphore_mem>> -> memref<!tpu.dma_semaphore, #tpu.memory_space<semaphore_mem>>
    tpu.wait_indirect_dma semaphore(%dma_wait3A_114 : memref<!tpu.dma_semaphore, #tpu.memory_space<semaphore_mem>>) src(%dma_wait3A_106 : memref<128x16xf32, #tpu.memory_space<vmem>>) dst(%dma_wait3A_112 : memref<10112x16xf32, #tpu.memory_space<vmem_shared>>)
    %barrier3A_115 = arith.constant 0 : index
    tpu.barrier barrier_id(%barrier3A_115)
    %lt3A_116 = arith.constant 15 : i32
    %lt3A_117 = arith.cmpi slt, %arg1, %lt3A_116 : i32
    %convert_element_type3A_118 = arith.extui %lt3A_117 : i1 to i32
    %cond3A_119 = arith.constant 0 : i32
    %cond3A_120 = arith.cmpi ne, %convert_element_type3A_118, %cond3A_119 : i32
    scf.if %cond3A_120 {
      %mul3A_126 = arith.constant 632 : i32
      %mul3A_127 = arith.muli %arg1, %mul3A_126 : i32
      %mul3A_128 = arith.constant 632 : i32
      %mul3A_129 = arith.muli %arg1, %mul3A_128 : i32
      "tpu.region"() ({
        %run_scoped3A = tpu.sem_alloc : memref<!tpu.dma_semaphore, #tpu.memory_space<semaphore_mem>>
        %dma_start3A = arith.constant 0 : i32
        %dma_start3A_130 = arith.constant 0 : i32
        %dma_start3A_131 = tpu.memref_slice %arg5[%arg0, %dma_start3A, %dma_start3A_130] : memref<2x10000x16xf32, #tpu.memory_space<hbm>> -> memref<1x10000x16xf32, #tpu.memory_space<hbm>>
        %dma_start3A_132 = tpu.memref_squeeze %dma_start3A_131 : memref<1x10000x16xf32, #tpu.memory_space<hbm>> -> memref<10000x16xf32, #tpu.memory_space<hbm>>
        %dma_start3A_133 = arith.constant 0 : i32
        %dma_start3A_134 = tpu.memref_slice %dma_start3A_132[%mul3A_129, %dma_start3A_133] : memref<10000x16xf32, #tpu.memory_space<hbm>> -> memref<632x16xf32, #tpu.memory_space<hbm>>
        %dma_start3A_135 = arith.constant 0 : i32
        %dma_start3A_136 = tpu.memref_slice %arg9[%mul3A_127, %dma_start3A_135] : memref<10112x16xf32, #tpu.memory_space<vmem_shared>> -> memref<632x16xf32, #tpu.memory_space<vmem_shared>>
        tpu.enqueue_dma source(%dma_start3A_136 : memref<632x16xf32, #tpu.memory_space<vmem_shared>>) target(%dma_start3A_134 : memref<632x16xf32, #tpu.memory_space<hbm>>) target_semaphore(%run_scoped3A : memref<!tpu.dma_semaphore, #tpu.memory_space<semaphore_mem>>)
        %dma_wait3A_137 = arith.constant 0 : i32
        %dma_wait3A_138 = arith.constant 0 : i32
        %dma_wait3A_139 = tpu.memref_slice %arg5[%arg0, %dma_wait3A_137, %dma_wait3A_138] : memref<2x10000x16xf32, #tpu.memory_space<hbm>> -> memref<1x10000x16xf32, #tpu.memory_space<hbm>>
        %dma_wait3A_140 = tpu.memref_squeeze %dma_wait3A_139 : memref<1x10000x16xf32, #tpu.memory_space<hbm>> -> memref<10000x16xf32, #tpu.memory_space<hbm>>
        %dma_wait3A_141 = arith.constant 0 : i32
        %dma_wait3A_142 = tpu.memref_slice %dma_wait3A_140[%mul3A_129, %dma_wait3A_141] : memref<10000x16xf32, #tpu.memory_space<hbm>> -> memref<632x16xf32, #tpu.memory_space<hbm>>
        %dma_wait3A_143 = arith.constant 0 : i32
        %dma_wait3A_144 = tpu.memref_slice %arg9[%mul3A_127, %dma_wait3A_143] : memref<10112x16xf32, #tpu.memory_space<vmem_shared>> -> memref<632x16xf32, #tpu.memory_space<vmem_shared>>
        tpu.wait_dma2 semaphore(%run_scoped3A : memref<!tpu.dma_semaphore, #tpu.memory_space<semaphore_mem>>) src(%dma_wait3A_144 : memref<632x16xf32, #tpu.memory_space<vmem_shared>>) dst(%dma_wait3A_142 : memref<632x16xf32, #tpu.memory_space<hbm>>)
        tpu.yield
      }) : () -> ()
    } else {
    }
    %eq3A_121 = arith.constant 15 : i32
    %eq3A_122 = arith.cmpi eq, %arg1, %eq3A_121 : i32
    %convert_element_type3A_123 = arith.extui %eq3A_122 : i1 to i32
    %cond3A_124 = arith.constant 0 : i32
    %cond3A_125 = arith.cmpi ne, %convert_element_type3A_123, %cond3A_124 : i32
    scf.if %cond3A_125 {
      "tpu.region"() ({
        %run_scoped3A = tpu.sem_alloc : memref<!tpu.dma_semaphore, #tpu.memory_space<semaphore_mem>>
        %dma_start3A = arith.constant 0 : i32
        %dma_start3A_126 = arith.constant 0 : i32
        %dma_start3A_127 = tpu.memref_slice %arg5[%arg0, %dma_start3A, %dma_start3A_126] : memref<2x10000x16xf32, #tpu.memory_space<hbm>> -> memref<1x10000x16xf32, #tpu.memory_space<hbm>>
        %dma_start3A_128 = tpu.memref_squeeze %dma_start3A_127 : memref<1x10000x16xf32, #tpu.memory_space<hbm>> -> memref<10000x16xf32, #tpu.memory_space<hbm>>
        %dma_start3A_129 = arith.constant 9480 : i32
        %dma_start3A_130 = arith.constant 0 : i32
        %dma_start3A_131 = tpu.memref_slice %dma_start3A_128[%dma_start3A_129, %dma_start3A_130] : memref<10000x16xf32, #tpu.memory_space<hbm>> -> memref<520x16xf32, #tpu.memory_space<hbm>>
        %dma_start3A_132 = arith.constant 9480 : i32
        %dma_start3A_133 = arith.constant 0 : i32
        %dma_start3A_134 = tpu.memref_slice %arg9[%dma_start3A_132, %dma_start3A_133] : memref<10112x16xf32, #tpu.memory_space<vmem_shared>> -> memref<520x16xf32, #tpu.memory_space<vmem_shared>>
        tpu.enqueue_dma source(%dma_start3A_134 : memref<520x16xf32, #tpu.memory_space<vmem_shared>>) target(%dma_start3A_131 : memref<520x16xf32, #tpu.memory_space<hbm>>) target_semaphore(%run_scoped3A : memref<!tpu.dma_semaphore, #tpu.memory_space<semaphore_mem>>)
        %dma_wait3A_135 = arith.constant 0 : i32
        %dma_wait3A_136 = arith.constant 0 : i32
        %dma_wait3A_137 = tpu.memref_slice %arg5[%arg0, %dma_wait3A_135, %dma_wait3A_136] : memref<2x10000x16xf32, #tpu.memory_space<hbm>> -> memref<1x10000x16xf32, #tpu.memory_space<hbm>>
        %dma_wait3A_138 = tpu.memref_squeeze %dma_wait3A_137 : memref<1x10000x16xf32, #tpu.memory_space<hbm>> -> memref<10000x16xf32, #tpu.memory_space<hbm>>
        %dma_wait3A_139 = arith.constant 9480 : i32
        %dma_wait3A_140 = arith.constant 0 : i32
        %dma_wait3A_141 = tpu.memref_slice %dma_wait3A_138[%dma_wait3A_139, %dma_wait3A_140] : memref<10000x16xf32, #tpu.memory_space<hbm>> -> memref<520x16xf32, #tpu.memory_space<hbm>>
        %dma_wait3A_142 = arith.constant 9480 : i32
        %dma_wait3A_143 = arith.constant 0 : i32
        %dma_wait3A_144 = tpu.memref_slice %arg9[%dma_wait3A_142, %dma_wait3A_143] : memref<10112x16xf32, #tpu.memory_space<vmem_shared>> -> memref<520x16xf32, #tpu.memory_space<vmem_shared>>
        tpu.wait_dma2 semaphore(%run_scoped3A : memref<!tpu.dma_semaphore, #tpu.memory_space<semaphore_mem>>) src(%dma_wait3A_144 : memref<520x16xf32, #tpu.memory_space<vmem_shared>>) dst(%dma_wait3A_141 : memref<520x16xf32, #tpu.memory_space<hbm>>)
        tpu.yield
      }) : () -> ()
    } else {
    }
    return
  }
}

module attributes {stable_mosaic.version = 14 : i64} {
  func.func @_pdense1a_body(%arg0: memref<1250x1024xf32, #tpu.memory_space<vmem>>, %arg1: memref<1024x128xf32, #tpu.memory_space<vmem>>, %arg2: memref<1250x128xf32, #tpu.memory_space<vmem>>) attributes {dimension_semantics = [], scalar_prefetch = 0 : i64, scratch_operands = 0 : i64, tpu.core_type = #tpu.core_type<tc>} {
    %get3A = arith.constant 0 : index
    %get3A_0 = arith.constant 0 : index
    %get3A_1 = vector.load %arg0[%get3A, %get3A_0] : memref<1250x1024xf32, #tpu.memory_space<vmem>>, vector<1250x1024xf32>
    %get3A_2 = arith.constant 0 : index
    %get3A_3 = arith.constant 0 : index
    %get3A_4 = vector.load %arg1[%get3A_2, %get3A_3] : memref<1024x128xf32, #tpu.memory_space<vmem>>, vector<1024x128xf32>
    %dot_general3A = arith.constant dense<0.000000e+00> : vector<1250x128xf32>
    %dot_general3A_5 = tpu.matmul %get3A_1, %get3A_4, %dot_general3A {dimension_numbers = #tpu.dot_dimension_numbers<[1], [0], [0], [1], [0, 0, 1, 1], [], []>, transpose_lhs_hint = false} : vector<1250x1024xf32>, vector<1024x128xf32>, vector<1250x128xf32> -> vector<1250x128xf32>
    %swap3A = arith.constant 0 : index
    %swap3A_6 = arith.constant 0 : index
    %swap3A_7 = vector.load %arg2[%swap3A, %swap3A_6] : memref<1250x128xf32, #tpu.memory_space<vmem>>, vector<1250x128xf32>
    tpu.vector_store %arg2[%swap3A, %swap3A_6], %dot_general3A_5 {strides = array<i32>} : memref<1250x128xf32, #tpu.memory_space<vmem>>, vector<1250x128xf32>,
    return
  }
}

module attributes {stable_mosaic.version = 14 : i64} {
  func.func @_pdense1b_body(%arg0: memref<1250x128xf32, #tpu.memory_space<vmem>>, %arg1: memref<2x1250x128xf32, #tpu.memory_space<vmem>>, %arg2: memref<1250x128xf32, #tpu.memory_space<vmem>>, %arg3: memref<1250x128xf32, #tpu.memory_space<vmem>>) attributes {dimension_semantics = [], scalar_prefetch = 0 : i64, scratch_operands = 0 : i64, tpu.core_type = #tpu.core_type<tc>} {
    %get3A = arith.constant 0 : index
    %get3A_0 = arith.constant 0 : index
    %get3A_1 = arith.constant 0 : index
    %get3A_2 = vector.load %arg1[%get3A, %get3A_0, %get3A_1] : memref<2x1250x128xf32, #tpu.memory_space<vmem>>, vector<1x1250x128xf32>
    %get3A_3 = vector.shape_cast %get3A_2 : vector<1x1250x128xf32> to vector<1250x128xf32>
    %add3A = arith.constant 1.000000e+00 : f32
    %add3A_4 = vector.broadcast %add3A : f32 to vector<1250x128xf32>
    %add3A_5 = arith.addf %add3A_4, %get3A_3 : vector<1250x128xf32>
    %get3A_6 = arith.constant 1 : index
    %get3A_7 = arith.constant 0 : index
    %get3A_8 = arith.constant 0 : index
    %get3A_9 = vector.load %arg1[%get3A_6, %get3A_7, %get3A_8] : memref<2x1250x128xf32, #tpu.memory_space<vmem>>, vector<1x1250x128xf32>
    %get3A_10 = vector.shape_cast %get3A_9 : vector<1x1250x128xf32> to vector<1250x128xf32>
    %add3A_11 = arith.addf %add3A_5, %get3A_10 : vector<1250x128xf32>
    %rsqrt3A = math.rsqrt %add3A_11 : vector<1250x128xf32>
    %swap3A = arith.constant 0 : index
    %swap3A_12 = arith.constant 0 : index
    %swap3A_13 = vector.load %arg3[%swap3A, %swap3A_12] : memref<1250x128xf32, #tpu.memory_space<vmem>>, vector<1250x128xf32>
    tpu.vector_store %arg3[%swap3A, %swap3A_12], %rsqrt3A {strides = array<i32>} : memref<1250x128xf32, #tpu.memory_space<vmem>>, vector<1250x128xf32>,
    %get3A_14 = arith.constant 0 : index
    %get3A_15 = arith.constant 0 : index
    %get3A_16 = vector.load %arg0[%get3A_14, %get3A_15] : memref<1250x128xf32, #tpu.memory_space<vmem>>, vector<1250x128xf32>
    %mul3A = arith.mulf %get3A_16, %rsqrt3A : vector<1250x128xf32>
    %swap3A_17 = arith.constant 0 : index
    %swap3A_18 = arith.constant 0 : index
    %swap3A_19 = vector.load %arg2[%swap3A_17, %swap3A_18] : memref<1250x128xf32, #tpu.memory_space<vmem>>, vector<1250x128xf32>
    tpu.vector_store %arg2[%swap3A_17, %swap3A_18], %mul3A {strides = array<i32>} : memref<1250x128xf32, #tpu.memory_space<vmem>>, vector<1250x128xf32>,
    return
  }
}

module attributes {stable_mosaic.version = 14 : i64} {
  func.func @_pdense2_body(%arg0: memref<1250x128xf32, #tpu.memory_space<vmem>>, %arg1: memref<2x1250x128xf32, #tpu.memory_space<vmem>>, %arg2: memref<1250x128xf32, #tpu.memory_space<vmem>>, %arg3: memref<1x128xf32, #tpu.memory_space<vmem>>, %arg4: memref<128x128xf32, #tpu.memory_space<vmem>>, %arg5: memref<1250x128xf32, #tpu.memory_space<vmem>>) attributes {dimension_semantics = [], scalar_prefetch = 0 : i64, scratch_operands = 0 : i64, tpu.core_type = #tpu.core_type<tc>} {
    %get3A = arith.constant 0 : index
    %get3A_0 = arith.constant 0 : index
    %get3A_1 = vector.load %arg2[%get3A, %get3A_0] : memref<1250x128xf32, #tpu.memory_space<vmem>>, vector<1250x128xf32>
    %get3A_2 = arith.constant 0 : index
    %get3A_3 = arith.constant 0 : index
    %get3A_4 = arith.constant 0 : index
    %get3A_5 = vector.load %arg1[%get3A_2, %get3A_3, %get3A_4] : memref<2x1250x128xf32, #tpu.memory_space<vmem>>, vector<1x1250x128xf32>
    %get3A_6 = vector.shape_cast %get3A_5 : vector<1x1250x128xf32> to vector<1250x128xf32>
    %get3A_7 = arith.constant 1 : index
    %get3A_8 = arith.constant 0 : index
    %get3A_9 = arith.constant 0 : index
    %get3A_10 = vector.load %arg1[%get3A_7, %get3A_8, %get3A_9] : memref<2x1250x128xf32, #tpu.memory_space<vmem>>, vector<1x1250x128xf32>
    %get3A_11 = vector.shape_cast %get3A_10 : vector<1x1250x128xf32> to vector<1250x128xf32>
    %add3A = arith.addf %get3A_6, %get3A_11 : vector<1250x128xf32>
    %get3A_12 = arith.constant 0 : index
    %get3A_13 = arith.constant 0 : index
    %get3A_14 = vector.load %arg0[%get3A_12, %get3A_13] : memref<1250x128xf32, #tpu.memory_space<vmem>>, vector<1250x128xf32>
    %add3A_15 = arith.addf %add3A, %get3A_14 : vector<1250x128xf32>
    %mul3A = arith.mulf %get3A_1, %add3A_15 : vector<1250x128xf32>
    %get3A_16 = arith.constant 0 : index
    %get3A_17 = arith.constant 0 : index
    %get3A_18 = vector.load %arg3[%get3A_16, %get3A_17] : memref<1x128xf32, #tpu.memory_space<vmem>>, vector<1x128xf32>
    %add3A_19 = vector.broadcast %get3A_18 : vector<1x128xf32> to vector<1250x128xf32>
    %add3A_20 = arith.addf %mul3A, %add3A_19 : vector<1250x128xf32>
    %max3A = arith.constant 0.000000e+00 : f32
    %max3A_21 = vector.broadcast %max3A : f32 to vector<1250x128xf32>
    %max3A_22 = arith.maximumf %add3A_20, %max3A_21 : vector<1250x128xf32>
    %get3A_23 = arith.constant 0 : index
    %get3A_24 = arith.constant 0 : index
    %get3A_25 = vector.load %arg4[%get3A_23, %get3A_24] : memref<128x128xf32, #tpu.memory_space<vmem>>, vector<128x128xf32>
    %dot_general3A = arith.constant dense<0.000000e+00> : vector<1250x128xf32>
    %dot_general3A_26 = tpu.matmul %max3A_22, %get3A_25, %dot_general3A {dimension_numbers = #tpu.dot_dimension_numbers<[1], [0], [0], [1], [0, 0, 1, 1], [], []>, transpose_lhs_hint = false} : vector<1250x128xf32>, vector<128x128xf32>, vector<1250x128xf32> -> vector<1250x128xf32>
    %mul3A_27 = arith.mulf %dot_general3A_26, %get3A_1 : vector<1250x128xf32>
    %swap3A = arith.constant 0 : index
    %swap3A_28 = arith.constant 0 : index
    %swap3A_29 = vector.load %arg5[%swap3A, %swap3A_28] : memref<1250x128xf32, #tpu.memory_space<vmem>>, vector<1250x128xf32>
    tpu.vector_store %arg5[%swap3A, %swap3A_28], %mul3A_27 {strides = array<i32>} : memref<1250x128xf32, #tpu.memory_space<vmem>>, vector<1250x128xf32>,
    return
  }
}

module attributes {stable_mosaic.version = 14 : i64} {
  func.func @_pdense3_body(%arg0: memref<1250x128xf32, #tpu.memory_space<vmem>>, %arg1: memref<2x1250x128xf32, #tpu.memory_space<vmem>>, %arg2: memref<1250x128xf32, #tpu.memory_space<vmem>>, %arg3: memref<1x128xf32, #tpu.memory_space<vmem>>, %arg4: memref<1250x128xf32, #tpu.memory_space<vmem>>) attributes {dimension_semantics = [], scalar_prefetch = 0 : i64, scratch_operands = 0 : i64, tpu.core_type = #tpu.core_type<tc>} {
    %get3A = arith.constant 0 : index
    %get3A_0 = arith.constant 0 : index
    %get3A_1 = vector.load %arg2[%get3A, %get3A_0] : memref<1250x128xf32, #tpu.memory_space<vmem>>, vector<1250x128xf32>
    %get3A_2 = arith.constant 0 : index
    %get3A_3 = arith.constant 0 : index
    %get3A_4 = arith.constant 0 : index
    %get3A_5 = vector.load %arg1[%get3A_2, %get3A_3, %get3A_4] : memref<2x1250x128xf32, #tpu.memory_space<vmem>>, vector<1x1250x128xf32>
    %get3A_6 = vector.shape_cast %get3A_5 : vector<1x1250x128xf32> to vector<1250x128xf32>
    %get3A_7 = arith.constant 1 : index
    %get3A_8 = arith.constant 0 : index
    %get3A_9 = arith.constant 0 : index
    %get3A_10 = vector.load %arg1[%get3A_7, %get3A_8, %get3A_9] : memref<2x1250x128xf32, #tpu.memory_space<vmem>>, vector<1x1250x128xf32>
    %get3A_11 = vector.shape_cast %get3A_10 : vector<1x1250x128xf32> to vector<1250x128xf32>
    %add3A = arith.addf %get3A_6, %get3A_11 : vector<1250x128xf32>
    %get3A_12 = arith.constant 0 : index
    %get3A_13 = arith.constant 0 : index
    %get3A_14 = vector.load %arg0[%get3A_12, %get3A_13] : memref<1250x128xf32, #tpu.memory_space<vmem>>, vector<1250x128xf32>
    %add3A_15 = arith.addf %add3A, %get3A_14 : vector<1250x128xf32>
    %mul3A = arith.mulf %get3A_1, %add3A_15 : vector<1250x128xf32>
    %get3A_16 = arith.constant 0 : index
    %get3A_17 = arith.constant 0 : index
    %get3A_18 = vector.load %arg3[%get3A_16, %get3A_17] : memref<1x128xf32, #tpu.memory_space<vmem>>, vector<1x128xf32>
    %add3A_19 = vector.broadcast %get3A_18 : vector<1x128xf32> to vector<1250x128xf32>
    %add3A_20 = arith.addf %mul3A, %add3A_19 : vector<1250x128xf32>
    %swap3A = arith.constant 0 : index
    %swap3A_21 = arith.constant 0 : index
    %swap3A_22 = vector.load %arg4[%swap3A, %swap3A_21] : memref<1250x128xf32, #tpu.memory_space<vmem>>, vector<1250x128xf32>
    tpu.vector_store %arg4[%swap3A, %swap3A_21], %add3A_20 {strides = array<i32>} : memref<1250x128xf32, #tpu.memory_space<vmem>>, vector<1250x128xf32>,
    return
  }
}

</mosaic_0001>

<sc_bundles>
// kernel: kernel.12.cloned.1.call-start
scs
__scs_entry_jumppad:
0x0: {  	(pc) =	sbr.rel $0x88, $3  }
0x1: {  	(tag) =	ssettag $0x0;
	lr =	simm.s32 $0x1  }
0x2: {  	[smem:$0x3F9B] =	sst lr;
	_ =	strace $0xD0000000  }
0x3: {  	_ = 	snop  }
0x4: {  	_ = 	snop  }
0x5: {  	_ = 	snop  }
0x6: {  	_ = 	snop  }
0x7: {  	_ = 	snop  }
__scs_overlays_trampoline_lowered:
0x8: {  	[smem:$0x3FAA] =	sst s0  }
0x9: {  	[smem:$0x3FAB] =	sst s1  }
0xa: {  	[smem:$0x3FAC] =	sst s2  }
0xb: {  	[smem:$0x3FAD] =	sst s3  }
0xc: {  	[smem:$0x3FAE] =	sst s4  }
0xd: {  	[smem:$0x3FAF] =	sst s5  }
0xe: {  	[smem:$0x3FB0] =	sst s6  }
0xf: {  	[smem:$0x3FB1] =	sst s7  }
0x10: {  	[smem:$0x3FB2] =	sst s8  }
0x11: {  	[smem:$0x3FB3] =	sst s9;
	s0 =	simm.s32 @!p0 $0x0  }
0x12: {  	s1 =	sld [smem:$0x3F99];
	s0 =	simm.s32 @p0 $0x1  }
0x13: {  	[smem:$0x3FB4] =	sst s0;
	s0 =	simm.s32 @!p1 $0x0  }
0x14: {  	s2 =	sld [smem:$0x3F98];
	s0 =	simm.s32 @p1 $0x1  }
0x15: {  	[smem:$0x3FB5] =	sst s0;
	s0 =	simm.s32 @!p2 $0x0  }
0x16: {  	s3 =	sld [smem:$0x3FDB];
	s0 =	simm.s32 @p2 $0x1  }
0x17: {  	s4 =	simm.s32 $0x1BF5;
	[smem:$0x3FB7] =	sst s0  }
0x18: {  	s0 =	sld [smem:$0x3F9A];
	_ =	swait.ge [sflag:s4], $0x0  }
0x19: {  	s7 =	sld [smem:$0x3F9B]  }
0x1a: {  	s8 =	sadd.s32 $0xFFFFE003, lr  }
0x1b: {  	s9 =	sadd.s32 $0xFFFFFEF7, lr;
	s5 =	simm.s32 $0xFFFFFFFF;
	p2 =	slt.u32 s8, $0xFFFFF086  }
0x1c: {  	p1 =	slt.u32 s9, $0xF7A;
	s5 =	simm.s32 @!p2 $0x0  }
0x1d: {  	s5 =	simm.s32 @p1 $0x1;
	p0 =	seq.s32 s7, s2  }
0x1e: {  	s7 =	smul.u32 @!p0 $0xF7A, s2;
	p2 =	seq.s32 @!p0 s5, $0x0  }
0x1f: {  	s9 =	smul.u32 $0xF7A, s1;
	s8 =	simm.s32 @!p0 $0x1BF5;
	p2 =	por !p2, p0  }
0x20: {  	[sflag:s8] =	ssyncset.s32 @!p0 $0xFFFFF086;
	s6 =	sadd.s32 @!p0 s3, s7;
	s7 =	simm.s32 @!p0 $0x108  }
0x21: {  	s3 =	sadd.s32 s3, s9;
	s6 =	sadd.s32 @!p0 $0x88, s6;
	s7 =	simm.s32 @p2 $0x1082  }
0x22: {  	[simem:s7], [sflag:s8] =	dma.local @!p0 [hbm:s6], $0xF7A  }
0x23: {  	s9 =	sor.u32 $0xD0000000, s2;
	s6 =	simm.s32 $0x108;
	_ =	swait.ge @!p0 [sflag:s8], $0x0  }
0x24: {  	s3 =	sadd.s32 $0x88, s3;
	s6 =	simm.s32 @!p1 $0x1082;
	[sflag:s4] =	ssyncset.s32 $0xFFFFF086  }
0x25: {  	[simem:s6], [sflag:s4] =	dma.local [hbm:s3], $0xF7A  }
0x26: {  	[smem:$0x3F9B] =	sst s1;
	(tag) =	ssettag s2;
	_ =	strace s9  }
0x27: {  	s1 =	sld [smem:$0x3FAB]  }
0x28: {  	s2 =	sld [smem:$0x3FAC]  }
0x29: {  	s4 =	sld [smem:$0x3FAE]  }
0x2a: {  	p0 =	seq.s32 s5, $0x0;
	s5 =	sld [smem:$0x3FAF]  }
0x2b: {  	s6 =	sld [smem:$0x3FB0]  }
0x2c: {  	s7 =	sld [smem:$0x3FB1]  }
0x2d: {  	s3 =	simm.s32 $0x108;
	s8 =	sld [smem:$0x3FB2]  }
0x2e: {  	s3 =	simm.s32 @!p0 $0x1082;
	s9 =	sld [smem:$0x3FB3]  }
0x2f: {  	lr =	sadd.s32 s0, s3;
	s0 =	sld [smem:$0x3FAA]  }
0x30: {  	s3 =	sld [smem:$0x3FAD]  }
0x31: {  	[smem:$0x3FB6] =	sst s10  }
0x32: {  	s10 =	sld [smem:$0x3FB4];
	_ =	sdelay $0x3  }
0x33: {  	p0 =	seq.s32 s10, $0x1;
	s10 =	sld [smem:$0x3FB6];
	_ =	sdelay $0x3  }
0x34: {  	[smem:$0x3FB6] =	sst s10  }
0x35: {  	s10 =	sld [smem:$0x3FB5];
	_ =	sdelay $0x3  }
0x36: {  	p1 =	seq.s32 s10, $0x1;
	s10 =	sld [smem:$0x3FB6];
	_ =	sdelay $0x3  }
0x37: {  	[smem:$0x3FB6] =	sst s10  }
0x38: {  	s10 =	sld [smem:$0x3FB7]  }
0x39: {  	_ = 	snop;
	(pc) =	sbr.ind lr, $3  }
0x3a: {  	_ = 	snop  }
0x3b: {  	_ = 	snop  }
0x3c: {  	p2 =	seq.s32 s10, $0x1;
	s10 =	sld [smem:$0x3FB6]  }
0x3d: {  	_ =	shalt  }
0x3e: {  	_ =	shalt  }
0x3f: {  	_ =	shalt  }
0x40: {  	_ =	shalt  }
0x41: {  	_ =	shalt  }
0x42: {  	_ =	shalt  }
0x43: {  	_ =	shalt  }
0x44: {  	_ =	shalt  }
0x45: {  	_ =	shalt  }
0x46: {  	_ =	shalt  }
0x47: {  	_ =	shalt  }
0x48: {  	_ =	shalt  }
0x49: {  	_ =	shalt  }
0x4a: {  	_ =	shalt  }
0x4b: {  	_ =	shalt  }
0x4c: {  	_ =	shalt  }
0x4d: {  	_ =	shalt  }
0x4e: {  	_ =	shalt  }
0x4f: {  	_ =	shalt  }
0x50: {  	_ =	shalt  }
0x51: {  	_ =	shalt  }
0x52: {  	_ =	shalt  }
0x53: {  	_ =	shalt  }
0x54: {  	_ =	shalt  }
0x55: {  	_ =	shalt  }
0x56: {  	_ =	shalt  }
0x57: {  	_ =	shalt  }
0x58: {  	_ =	shalt  }
0x59: {  	_ =	shalt  }
0x5a: {  	_ =	shalt  }
0x5b: {  	_ =	shalt  }
0x5c: {  	_ =	shalt  }
0x5d: {  	_ =	shalt  }
0x5e: {  	_ =	shalt  }
0x5f: {  	_ =	shalt  }
0x60: {  	_ =	shalt  }
0x61: {  	_ =	shalt  }
0x62: {  	_ =	shalt  }
0x63: {  	_ =	shalt  }
0x64: {  	_ =	shalt  }
0x65: {  	_ =	shalt  }
0x66: {  	_ =	shalt  }
0x67: {  	_ =	shalt  }
0x68: {  	_ =	shalt  }
0x69: {  	_ =	shalt  }
0x6a: {  	_ =	shalt  }
0x6b: {  	_ =	shalt  }
0x6c: {  	_ =	shalt  }
0x6d: {  	_ =	shalt  }
0x6e: {  	_ =	shalt  }
0x6f: {  	_ =	shalt  }
0x70: {  	_ =	shalt  }
0x71: {  	_ =	shalt  }
0x72: {  	_ =	shalt  }
0x73: {  	_ =	shalt  }
0x74: {  	_ =	shalt  }
0x75: {  	_ =	shalt  }
0x76: {  	_ =	shalt  }
0x77: {  	_ =	shalt  }
0x78: {  	_ =	shalt  }
0x79: {  	_ =	shalt  }
0x7a: {  	_ =	shalt  }
0x7b: {  	_ =	shalt  }
0x7c: {  	_ =	shalt  }
0x7d: {  	_ =	shalt  }
0x7e: {  	_ =	shalt  }
0x7f: {  	_ =	shalt  }
0x80: {  	_ =	shalt  }
0x81: {  	_ =	shalt  }
0x82: {  	_ =	shalt  }
0x83: {  	_ =	shalt  }
0x84: {  	_ =	shalt  }
0x85: {  	_ =	shalt  }
0x86: {  	_ =	shalt  }
0x87: {  	_ =	shalt  }
.Lfunc_end0:
.L_simem_size_0:
called_computation.1_lowered:
.L_overlay_start_0:
0x88: {  	s2 =	sld [smem:$0x3FD9]  }
0x89: {  	s3 =	sld [smem:$0x3FFE];
	_ =	sdelay $0x1  }
0x8a: {  	s1 =	srdreg.scid  }
0x8b: {  	s0 =	sand.u32 $0x1, s1  }
0x8c: {  	s17 =	sshll.u32 s0, $0xA;
	s2 =	sadd.s32 s3, s2  }
0x8d: {  	s2 =	sadd.s32 s2, s17  }
0x8e: {  	[smem:$0x3FC2] =	sst s2  }
0x8f: {  	_ = 	snop  }
0x90: {  	s2 =	sld [smem:$0x3FD0];
	(tm) =	ssettm $0x1  }
0x91: {  	s18 =	sld [smem:$0x3FFB];
	_ =	sdelay $0x3  }
0x92: {  	_ =	strace s18  }
0x93: {  	s3 =	sld [smem:$0x3FFC];
	_ =	sdelay $0x3  }
0x94: {  	_ =	strace s3  }
0x95: {  	s3 =	sld [smem:$0x3FFD];
	_ =	sdelay $0x3  }
0x96: {  	_ =	strace s3  }
0x97: {  	_ =	strace $0x8FFFFFFF  }
0x98: {  	s19 =	sld [smem:$0x3FDB];
	_ =	sdelay $0x1  }
0x99: {  	s4 =	simm.s32 $_scs_section_size  }
0x9a: {  	s5 =	simm.s32 $_size__tile_overlayer_lowered;
	s6 =	simm.s32 $_tile_overlayer_lowered  }
0x9b: {  	s22 =	simm.s32 $0x1BFF;
	s21 =	sshll.u32 s6, $0x1;
	s3 =	sadd.s32 s4, s19  }
0x9c: {  	s7 =	simm.s32 $0x0;
	s20 =	sshll.u32 s5, $0x1;
	s5 =	sadd.s32 s21, s3  }
0x9d: {  	[timem:s7], [sflag:s22] =	dma.local [hbm:s5], s20  }
0x9e: {  	_ =	swait.ge [sflag:s22], s20  }
0x9f: {  	s4 =	ssub.s32 $0x0, s20;
	[sflag:s22] =	ssyncset.done $0x0  }
0xa0: {  	[sflag:s22] =	ssyncadd.s32 s4;
	_ =	sdelay $0x1  }
0xa1: {  	s23 =	simm.s32 $0x1B8B  }
0xa2: {  	_ =	swait.ge [sflag:s23], $0x1  }
0xa3: {  	[sflag:s23] =	ssyncset.done $0x0  }
0xa4: {  	s25 =	simm.s32 $0x1B8E;
	s24 =	sld [smem:$0x3FFE];
	[sflag:s23] =	ssyncadd.s32 $0xFFFFFFFF  }
0xa5: {  	s26 =	simm.s32 $execute0_lowered;
	[smem:$0x3FD2] =	sst s25  }
0xa6: {  	s5 =	sshll.u32 s26, $0x1;
	_ =	strace $0x80000049;
	[dreg:$0x1] =	wrdreg $0xFFFFFFFF  }
0xa7: {  	s28 =	simm.s32 $_size_execute0_lowered;
	s3 =	sadd.s32 s3, s5;
	[dreg:$0x0] =	wrdreg $0x0  }
0xa8: {  	s5 =	sshll.u32 s28, $0x1;
	[dreg:$0x2] =	wrdreg s3  }
0xa9: {  	[dreg:$0x3] =	wrdreg s5  }
0xaa: {  	[dreg:$0x4] =	wrdreg $0xC0  }
0xab: {  	_ =	task [dreg:s7], $0x5FFFF  }
0xac: {  	[dreg:$0x1] =	wrdreg $0xFFFFFFFF  }
0xad: {  	[dreg:$0x0] =	wrdreg $0x60  }
0xae: {  	[dreg:$0x2] =	wrdreg s24  }
0xaf: {  	[dreg:$0x3] =	wrdreg s2  }
0xb0: {  	[dreg:$0x4] =	wrdreg $0x98000  }
0xb1: {  	[dreg:$0x5] =	wrdreg $0x9  }
0xb2: {  	_ =	task.clear_ibuf [dreg:s7], $0x6FFFF;
	_ =	strace $0x90000049  }
0xb3: {  	s29 =	simm.s32 $0x9;
	_ =	strace $0x8000004B  }
0xb4: {  	_ =	swait.ge [sflag:s29], $0x1  }
0xb5: {  	[sflag:s29] =	ssyncadd.s32 $0xFFFFFFFF  }
0xb6: {  	_ =	strace $0x9000004B  }
0xb7: {  	_ =	sfence  }
0xb8: {  	s30 =	sld [smem:$0x0];
	_ =	sdelay $0x2  }
0xb9: {  	s31 =	sshll.u32 s1, $0xD;
	s1 =	sshrl.u32 s1, $0x2  }
0xba: {  	s3 =	sand.u32 $0x4000, s31;
	s1 =	sadd.s32 s1, s30  }
0xbb: {  	s0 =	sor.u32 s3, s0;
	s1 =	sshll.u32 s1, $0x11  }
0xbc: {  	s0 =	sor.u32 s1, s0  }
0xbd: {  	s0 =	sadd.s32 $0x8F2B, s0  }
0xbe: {  	[sflag:s0] =	ssyncadd.remote.s32 $0x1  }
0xbf: {  	_ =	sfence.sel $0xFFFF  }
0xc0: {  	[dreg:$0x0] =	wrdreg $0xFFFFFFFF;
	(pc) =	sbr.abs _section_cstart, $3  }
0xc1: {  	[dreg:$0x1] =	wrdreg $0xFFFFFFFF  }
0xc2: {  	_ =	task.clear_ibuf [dreg:s7], $0x2FFFF;
	_ =	strace $0x9FFFFFFF  }
0xc3: {  	(tm) =	ssettm $0x7FFFFFFF  }
tec
execute0_lowered:
.L_overlay_start_1:
0x0: {  	(tag) =	ssettag $0x1  }
0x1: {  	s0 =	rddreg [dreg:$0x0]  }
0x2: {  	s1 =	rddreg [dreg:$0x1]  }
0x3: {  	s2 =	rddreg [dreg:$0x2];
	s3 =	srdreg.scid;
	s4 =	simm.s32 $0x0  }
0x4: {  	s26 =	stileid.u32;
	s6 =	simm.s32 $0x48;
	s21 =	simm.s32 $0x11  }
0x5: {  	s22 =	simm.s32 $0x80;
	s23 =	simm.s32 $0x5800;
	s28 =	simm.s32 $0x1  }
0x6: {  	s3 =	sand.u32 $0x1, s3;
	[smem:$0x7FF] =	sst s4;
	s17 =	smul.u32 $0x580, s26  }
0x7: {  	s10 =	sadd.s32 $0x2600, s0;
	s5 =	sadd.s32 $0x16000, s0;
	s9 =	smul.u32 $0x2400, s26  }
0x8: {  	p0 =	sne.s32 s26, $0xF;
	s15 =	smul.u32 $0x2780, s26;
	s11 =	sadd.s32 $0xC240, s0  }
0x9: {  	s31 =	sshll.u32 s26, $0x6;
	s25 =	smul.u32 $0x4E20, s3;
	_ =	strace $0x8000004A  }
0xa: {  	[dreg:$0x4] =	wrdreg s5;
	s7 =	ssub.s32 $0x2, s3;
	p1 =	seq.s32 s3, $0x0  }
0xb: {  	s6 =	simm.s32 @!p0 $0xC;
	p2 =	seq.s32 s3, $0x1;
	s19 =	sor.u32 $0x1C11, s31  }
0xc: {  	s8 =	sshrl.u32 s7, $0x1;
	s6 =	simm.s32 @p1 $0x58;
	p6 =	por !p0, !p2  }
0xd: {  	p0 =	seq.s32 s26, $0xF;
	s29 =	sadd.s32 s10, s17;
	s9 =	sshrl.u32 s9, $0x3  }
0xe: {  	s12 =	sadd.s32 s15, s2;
	s4 =	sadd.s32 s25, s0;
	s16 =	ssub.s32 s7, s8  }
0xf: {  	[dreg:$0x5] =	wrdreg s29;
	p1 =	por !p6, !p6;
	p2 =	por !p0, !p2  }
0x10: {  	s8 =	sadd.s32 $0xC180, s0;
	s18 =	sadd.s32 $0x5800, s9;
	s9 =	sadd.s32 $0xFFFFFFFF, s6  }
0x11: {  	s0 =	sshrl.u32 s15, $0x3;
	s15 =	sadd.s32 $0x25080, s2;
	s20 =	sshrl.u32 s12, $0x3  }
0x12: {  	p3 =	por !p2, !p2;
	s10 =	sadd.s32 s10, s18;
	s30 =	sand.u32 $0x7, s9  }
0x13: {  	s14 =	sadd.s32 $0x16600, s4;
	s16 =	smax.u32 s16, $0x1;
	p2 =	sne.s32 s3, $0x0  }
0x14: {  	s18 =	sadd.s32 @p1 s18, s11;
	s13 =	sadd.s32 $0x9, s30;
	p3 =	por !p3, p1  }
0x15: {  	s17 =	sadd.s32 @!p2 s17, s11;
	s25 =	sadd.s32 @!p0 s0, s14;
	s0 =	simm.s32 $0x0  }
.LBB2_1:
0x16: {  	s3 =	simm.s32 @!p2 $0x0;
	s4 =	rddreg [dreg:$0x5]  }
0x17: {  	[tilespmem:s3], [sflag:$0x11] =	stream.linear.gather @!p2 [hbm4b:s4+s3], $0x2C00, $0x38;
	[tilespmem:$0xBF80] =	vst v63  }
0x18: {  	s4 =	simm.s32 @!p2 $0x11  }
0x19: {  	_ =	swait.ge @!p2 [sflag:s4], $0x2C00  }
0x1a: {  	[sflag:s4] =	ssyncset.done @!p2 $0x0  }
0x1b: {  	s24 =	simm.s32 @!p3 $0x0;
	[sflag:s4] =	ssyncadd.s32 @!p2 $0xFFFFD400  }
0x1c: {  	[tilespmem:s24], [sflag:$0x11] =	stream.linear.gather @!p3 [hbm4b:s8+s24], $0x600, $0x38;
	[tilespmem:$0xBF80] =	vst v63  }
0x1d: {  	s24 =	simm.s32 @!p3 $0x11  }
0x1e: {  	_ =	swait.ge @!p3 [sflag:s24], $0x600  }
0x1f: {  	[sflag:s24] =	ssyncset.done @!p3 $0x0  }
0x20: {  	s26 =	simm.s32 @p1 $0x11;
	[sflag:s24] =	ssyncadd.s32 @!p3 $0xFFFFFA00;
	s24 =	simm.s32 @p1 $0x0  }
0x21: {  	[tilespmem:s24], [sflag:$0x11] =	stream.linear.gather @p1 [hbm4b:s10+s24], $0x2400, $0x38;
	[tilespmem:$0xBF80] =	vst v63  }
0x22: {  	_ =	swait.ge @p1 [sflag:s26], $0x2400  }
0x23: {  	[sflag:s26] =	ssyncset.done @p1 $0x0  }
0x24: {  	s29 =	simm.s32 @!p2 $0x2C00;
	[sflag:s26] =	ssyncadd.s32 @p1 $0xFFFFDC00  }
0x25: {  	[tilespmem:s29], [sflag:$0x11] =	stream.linear.gather @!p2 [hbm4b:s17+s3], $0x2C00, $0x38;
	[tilespmem:$0xBF80] =	vst v63  }
0x26: {  	p5 =	por @!p1 $0x0, $0x0;
	_ =	swait.ge @!p2 [sflag:s4], $0x2C00  }
0x27: {  	p4 =	por @!p3 $0x1, $0x1;
	p6 =	por @p1 $0x0, $0x0;
	[sflag:s4] =	ssyncset.done @!p2 $0x0  }
0x28: {  	p5 =	por @!p3 p4, p4;
	s3 =	simm.s32 @p1 $0x2C00;
	[sflag:s4] =	ssyncadd.s32 @!p2 $0xFFFFD400  }
0x29: {  	[tilespmem:s3], [sflag:$0x11] =	stream.linear.gather @p1 [hbm4b:s18+s24], $0x2400, $0x38;
	[tilespmem:$0xBF80] =	vst v63  }
0x2a: {  	p6 =	por @!p1 p5, p5;
	_ =	swait.ge @p1 [sflag:s26], $0x2400  }
0x2b: {  	s4 =	simm.s32 @p6 $0x0;
	[sflag:s26] =	ssyncset.done @p1 $0x0  }
0x2c: {  	s3 =	sadd.s32 @p6 $0x9B80, s11;
	s24 =	simm.s32 @p6 $0x2C00;
	[sflag:s26] =	ssyncadd.s32 @p1 $0xFFFFDC00  }
0x2d: {  	[tilespmem:s24], [sflag:$0x11] =	stream.linear.gather @p6 [hbm4b:s3+s4], $0x600, $0x38;
	[tilespmem:$0xBF80] =	vst v63  }
0x2e: {  	s3 =	simm.s32 @p6 $0x11  }
0x2f: {  	_ =	swait.ge @p6 [sflag:s3], $0x600  }
0x30: {  	[sflag:s3] =	ssyncset.done @p6 $0x0  }
0x31: {  	s24 =	rddreg [dreg:$0x4];
	[sflag:s3] =	ssyncadd.s32 @p6 $0xFFFFFA00  }
0x32: {  	[spmem:s20], [sflag:s19] =	dma.local [hbm:s24], $0x4F0  }
0x33: {  	_ =	swait.ge [sflag:s21], $0x4F0  }
0x34: {  	[sflag:s21] =	ssyncset.done $0x0  }
0x35: {  	[sflag:s21] =	ssyncadd.s32 $0xFFFFFB10  }
0x36: {  	s26 =	simm.s32 $0x0;
	[bflag:$0x0] =	sbarrier.arrive $0xFFFF  }
0x37: {  	[tilespmem:s23], [sflag:$0x1] =	stream.indirect.gather [hbm4b:s1+s22], $0x10, s26, s22, $0xb8;
	[tilespmem:$0xBF80] =	vst v63  }
0x38: {  	s4 =	simm.s32 $0x6000  }
0x39: {  	[tilespmem:s4], [sflag:$0x2] =	stream.indirect.gather [hbm4b:s1+s22], $0x10, s22, s22, $0xb8;
	[tilespmem:$0xBF80] =	vst v63  }
0x3a: {  	s5 =	simm.s32 $0x100;
	s7 =	simm.s32 $0x6800  }
0x3b: {  	[tilespmem:s7], [sflag:$0x3] =	stream.indirect.gather [hbm4b:s1+s22], $0x10, s5, s22, $0xb8;
	[tilespmem:$0xBF80] =	vst v63  }
0x3c: {  	s24 =	simm.s32 $0x180;
	s26 =	simm.s32 $0x7000  }
0x3d: {  	[tilespmem:s26], [sflag:$0x4] =	stream.indirect.gather [hbm4b:s1+s22], $0x10, s24, s22, $0xb8;
	[tilespmem:$0xBF80] =	vst v63  }
0x3e: {  	s5 =	simm.s32 $0x200;
	s7 =	simm.s32 $0x7800  }
0x3f: {  	[tilespmem:s7], [sflag:$0x5] =	stream.indirect.gather [hbm4b:s1+s22], $0x10, s5, s22, $0xb8;
	[tilespmem:$0xBF80] =	vst v63  }
0x40: {  	s24 =	simm.s32 $0x280;
	s26 =	simm.s32 $0x8000  }
0x41: {  	[tilespmem:s26], [sflag:$0x6] =	stream.indirect.gather [hbm4b:s1+s22], $0x10, s24, s22, $0xb8;
	[tilespmem:$0xBF80] =	vst v63  }
0x42: {  	p5 =	por p0, p0;
	s4 =	simm.s32 $0x300;
	s5 =	simm.s32 $0x8800  }
0x43: {  	[tilespmem:s5], [sflag:$0x7] =	stream.indirect.gather [hbm4b:s1+s22], $0x10, s4, s22, $0xb8;
	[tilespmem:$0xBF80] =	vst v63  }
0x44: {  	s31 =	simm.s32 $0x8;
	p5 =	por @!p3 p4, p4;
	_ =	swait.ge [sflag:s28], $0x800  }
0x45: {  	p4 =	por @p1 $0x0, $0x0;
	s4 =	simm.s32 $0x1;
	[sflag:s28] =	ssyncset.done $0x0  }
0x46: {  	s7 =	simm.s32 $0x2C00;
	s5 =	sand.u32 $0x7, s4;
	[sflag:s28] =	ssyncadd.s32 $0xFFFFF800  }
0x47: {  	[spmem:s2] =	stream.indirect.scatter.add.f32 [tilespmem:s23], [sflag:$0x9], $0x10, s7, s22, $0xb8;
	[tilespmem:$0xBF80] =	vst v63  }
0x48: {  	s24 =	simm.s32 $0x380;
	s26 =	simm.s32 $0x9000;
	s29 =	sadd.s32 $0x1, s5  }
0x49: {  	[tilespmem:s26], [sflag:$0x8] =	stream.indirect.gather [hbm4b:s1+s22], $0x10, s24, s22, $0xb8;
	[tilespmem:$0xBF80] =	vst v63  }
0x4a: {  	p4 =	por @!p1 p5, p5;
	s30 =	sshll.u32 s5, $0xB;
	_ =	swait.ge [sflag:s29], $0x800  }
0x4b: {  	p5 =	sne.s32 s9, $0x1;
	s30 =	sadd.s32 $0x5800, s30;
	[sflag:s29] =	ssyncset.done $0x0  }
0x4c: {  	s7 =	simm.s32 $0x2C80;
	s24 =	sadd.s32 $0x9, s5;
	[sflag:s29] =	ssyncadd.s32 $0xFFFFF800  }
0x4d: {  	[spmem:s2] =	stream.indirect.scatter.add.f32 [tilespmem:s30], [sflag:s24], $0x10, s7, s22, $0xb8;
	[tilespmem:$0xBF80] =	vst v63  }
.Ltmp0:
0x4e: {  	s31 =	sand.u32 $0x7, s31;
	(pc) =	sbr.rel @!p5 .LBB2_3-.Ltmp0, $4  }
0x4f: {  	s3 =	simm.s32 $0x400;
	p6 =	sle.u32 s6, $0x8;
	s30 =	sadd.s32 $0x9, s31  }
0x50: {  	s26 =	simm.s32 $0x2D00;
	s5 =	sshll.u32 @!p6 s31, $0xB;
	_ =	swait.ge [sflag:s30], $0x800  }
0x51: {  	s29 =	sadd.s32 @!p6 $0x1, s31;
	s24 =	simm.s32 $0x480;
	[sflag:s30] =	ssyncset.done $0x0  }
0x52: {  	s31 =	simm.s32 @!p6 $0x80;
	[sflag:s30] =	ssyncadd.s32 $0xFFFFF800;
	s30 =	sadd.s32 @!p6 $0x5800, s5  }
.LBB2_2:
0x53: {  	[tilespmem:s30], [sflag:s29] =	stream.indirect.gather @!p6 [hbm4b:s1+s31], $0x10, s3, s31, $0xb8;
	[tilespmem:$0xBF80] =	vst v63  }
0x54: {  	s5 =	smov.u32 s4;
	s4 =	sadd.s32 $0x1, s4;
	s3 =	smov.u32 s24  }
0x55: {  	s29 =	sand.u32 $0x7, s4;
	p5 =	sne.s32 s9, s4  }
0x56: {  	s24 =	sadd.s32 $0x80, s24;
	s30 =	sshll.u32 s29, $0xB;
	s31 =	sadd.s32 $0x1, s29  }
0x57: {  	s5 =	sadd.s32 $0x8, s5;
	s29 =	sadd.s32 $0x9, s29;
	_ =	swait.ge [sflag:s31], $0x800  }
0x58: {  	s7 =	sand.u32 $0x7, s5;
	s30 =	sadd.s32 $0x5800, s30;
	[sflag:s31] =	ssyncset.done $0x0  }
.Ltmp1:
0x59: {  	[sflag:s31] =	ssyncadd.s32 $0xFFFFF800;
	s31 =	sadd.s32 $0x9, s7;
	(pc) =	sbr.rel @p5 .LBB2_2-.Ltmp1, $4  }
0x5a: {  	[spmem:s2] =	stream.indirect.scatter.add.f32 [tilespmem:s30], [sflag:s29], $0x10, s26, s22, $0xb8;
	[tilespmem:$0xBF80] =	vst v63  }
0x5b: {  	p6 =	sge.u32 s5, s6;
	s26 =	sadd.s32 $0x80, s26;
	_ =	swait.ge [sflag:s31], $0x800  }
0x5c: {  	s5 =	sshll.u32 @!p6 s7, $0xB;
	s29 =	sadd.s32 @!p6 $0x1, s7;
	[sflag:s31] =	ssyncset.done $0x0  }
0x5d: {  	s30 =	sadd.s32 @!p6 $0x5800, s5;
	[sflag:s31] =	ssyncadd.s32 $0xFFFFF800;
	s31 =	simm.s32 @!p6 $0x80  }
.LBB2_3:
0x5e: {  	[tilespmem:s30], [sflag:s29] =	stream.indirect.gather @!p6 [hbm4b:s1+s31], $0x10, s3, s31, $0xb8;
	[tilespmem:$0xBF80] =	vst v63  }
0x5f: {  	_ =	swait.ge [sflag:s13], $0x800  }
0x60: {  	[sflag:s13] =	ssyncset.done $0x0  }
0x61: {  	[sflag:s13] =	ssyncadd.s32 $0xFFFFF800  }
0x62: {  	s3 =	sshrl.u32 @!p0 s12, $0x3;
	[bflag:$0x0] =	sbarrier.arrive $0xFFFF  }
0x63: {  	[hbm:s25], [sflag:s19] =	dma.local @!p0 [spmem:s3], $0x4F0  }
0x64: {  	s3 =	simm.s32 @!p0 $0x11  }
0x65: {  	_ =	swait.ge @!p0 [sflag:s3], $0x4F0  }
0x66: {  	s4 =	sshrl.u32 @p4 s15, $0x3;
	s0 =	sadd.s32 $0x1, s0;
	[sflag:s3] =	ssyncset.done @!p0 $0x0  }
0x67: {  	p5 =	sne.s32 s0, s16;
	[sflag:s3] =	ssyncadd.s32 @!p0 $0xFFFFFB10;
	s3 =	sadd.s32 @p4 $0x4A10, s14  }
0x68: {  	[hbm:s3], [sflag:s19] =	dma.local @p4 [spmem:s4], $0x410  }
.Ltmp2:
0x69: {  	_ = 	snop;
	(pc) =	sbr.rel @p5 .LBB2_1-.Ltmp2, $4  }
0x6a: {  	s3 =	simm.s32 @p4 $0x11  }
0x6b: {  	_ =	swait.ge @p4 [sflag:s3], $0x410  }
0x6c: {  	[sflag:s3] =	ssyncset.done @p4 $0x0  }
0x6d: {  	[sflag:s3] =	ssyncadd.s32 @p4 $0xFFFFFBF0  }
0x6e: {  	_ =	sfence.sel $0x180000  }
0x6f: {  	[bflag:$0x0] =	sbarrier.arrive $0xFFFF  }
0x70: {  	_ =	strace $0x9000004A  }
0x71: {  	s0 =	stileid.u32;
	[bflag:$0x2] =	sbarrier.arrive $0xFFFF  }
0x72: {  	p0 =	sne.s32 s0, $0x0;
	s0 =	rddreg [dreg:$0x3]  }
0x73: {  	s0 =	sadd.s32 @!p0 $0x100000, s0  }
0x74: {  	[sflag:s0] =	ssyncadd.tile.s32 @!p0 $0x1;
	_ =	shalt  }
.Lfunc_end2:
_tile_overlayer_lowered:
.L_overlay_start_2:
0x75: {  	(tag) =	ssettag $0x2  }
0x76: {  	s0 =	rddreg [dreg:$0x0];
	s2 =	stileid.u32  }
0x77: {  	s1 =	rddreg [dreg:$0x1];
	p0 =	sne.s32 s2, $0x0  }
0x78: {  	s3 =	rddreg [dreg:$0x2];
	[bflag:$0x3] =	sbarrier.arrive $0xFFFF;
	s2 =	simm.s32 @!p0 $0x1C11  }
0x79: {  	[timem:s3], [sflag:s2] =	dma.local @!p0 [hbm:s0], s1  }
0x7a: {  	s0 =	simm.s32 @!p0 $0x11  }
0x7b: {  	_ =	swait.ge @!p0 [sflag:s0], s1  }
0x7c: {  	s1 =	ssub.s32 @!p0 $0x0, s1;
	[sflag:s0] =	ssyncset.done @!p0 $0x0  }
0x7d: {  	[sflag:s0] =	ssyncadd.s32 @!p0 s1  }
0x7e: {  	[bflag:$0x3] =	sbarrier.arrive $0xFFFF  }
0x7f: {  	_ =	shalt  }

// kernel: kernel.15.cloned.1.call-start
scs
__scs_entry_jumppad:
0x0: {  	(pc) =	sbr.rel $0x88, $3  }
0x1: {  	(tag) =	ssettag $0x0;
	lr =	simm.s32 $0x1  }
0x2: {  	[smem:$0x3F9B] =	sst lr;
	_ =	strace $0xD0000000  }
0x3: {  	_ = 	snop  }
0x4: {  	_ = 	snop  }
0x5: {  	_ = 	snop  }
0x6: {  	_ = 	snop  }
0x7: {  	_ = 	snop  }
__scs_overlays_trampoline_lowered:
0x8: {  	[smem:$0x3FAA] =	sst s0  }
0x9: {  	[smem:$0x3FAB] =	sst s1  }
0xa: {  	[smem:$0x3FAC] =	sst s2  }
0xb: {  	[smem:$0x3FAD] =	sst s3  }
0xc: {  	[smem:$0x3FAE] =	sst s4  }
0xd: {  	[smem:$0x3FAF] =	sst s5  }
0xe: {  	[smem:$0x3FB0] =	sst s6  }
0xf: {  	[smem:$0x3FB1] =	sst s7  }
0x10: {  	[smem:$0x3FB2] =	sst s8  }
0x11: {  	[smem:$0x3FB3] =	sst s9;
	s0 =	simm.s32 @!p0 $0x0  }
0x12: {  	s1 =	sld [smem:$0x3F99];
	s0 =	simm.s32 @p0 $0x1  }
0x13: {  	[smem:$0x3FB4] =	sst s0;
	s0 =	simm.s32 @!p1 $0x0  }
0x14: {  	s2 =	sld [smem:$0x3F98];
	s0 =	simm.s32 @p1 $0x1  }
0x15: {  	[smem:$0x3FB5] =	sst s0;
	s0 =	simm.s32 @!p2 $0x0  }
0x16: {  	s3 =	sld [smem:$0x3FDB];
	s0 =	simm.s32 @p2 $0x1  }
0x17: {  	s4 =	simm.s32 $0x1BF5;
	[smem:$0x3FB7] =	sst s0  }
0x18: {  	s0 =	sld [smem:$0x3F9A];
	_ =	swait.ge [sflag:s4], $0x0  }
0x19: {  	s7 =	sld [smem:$0x3F9B]  }
0x1a: {  	s8 =	sadd.s32 $0xFFFFE003, lr  }
0x1b: {  	s9 =	sadd.s32 $0xFFFFFEF7, lr;
	s5 =	simm.s32 $0xFFFFFFFF;
	p2 =	slt.u32 s8, $0xFFFFF086  }
0x1c: {  	p1 =	slt.u32 s9, $0xF7A;
	s5 =	simm.s32 @!p2 $0x0  }
0x1d: {  	s5 =	simm.s32 @p1 $0x1;
	p0 =	seq.s32 s7, s2  }
0x1e: {  	s7 =	smul.u32 @!p0 $0xF7A, s2;
	p2 =	seq.s32 @!p0 s5, $0x0  }
0x1f: {  	s9 =	smul.u32 $0xF7A, s1;
	s8 =	simm.s32 @!p0 $0x1BF5;
	p2 =	por !p2, p0  }
0x20: {  	[sflag:s8] =	ssyncset.s32 @!p0 $0xFFFFF086;
	s6 =	sadd.s32 @!p0 s3, s7;
	s7 =	simm.s32 @!p0 $0x108  }
0x21: {  	s3 =	sadd.s32 s3, s9;
	s6 =	sadd.s32 @!p0 $0x88, s6;
	s7 =	simm.s32 @p2 $0x1082  }
0x22: {  	[simem:s7], [sflag:s8] =	dma.local @!p0 [hbm:s6], $0xF7A  }
0x23: {  	s9 =	sor.u32 $0xD0000000, s2;
	s6 =	simm.s32 $0x108;
	_ =	swait.ge @!p0 [sflag:s8], $0x0  }
0x24: {  	s3 =	sadd.s32 $0x88, s3;
	s6 =	simm.s32 @!p1 $0x1082;
	[sflag:s4] =	ssyncset.s32 $0xFFFFF086  }
0x25: {  	[simem:s6], [sflag:s4] =	dma.local [hbm:s3], $0xF7A  }
0x26: {  	[smem:$0x3F9B] =	sst s1;
	(tag) =	ssettag s2;
	_ =	strace s9  }
0x27: {  	s1 =	sld [smem:$0x3FAB]  }
0x28: {  	s2 =	sld [smem:$0x3FAC]  }
0x29: {  	s4 =	sld [smem:$0x3FAE]  }
0x2a: {  	p0 =	seq.s32 s5, $0x0;
	s5 =	sld [smem:$0x3FAF]  }
0x2b: {  	s6 =	sld [smem:$0x3FB0]  }
0x2c: {  	s7 =	sld [smem:$0x3FB1]  }
0x2d: {  	s3 =	simm.s32 $0x108;
	s8 =	sld [smem:$0x3FB2]  }
0x2e: {  	s3 =	simm.s32 @!p0 $0x1082;
	s9 =	sld [smem:$0x3FB3]  }
0x2f: {  	lr =	sadd.s32 s0, s3;
	s0 =	sld [smem:$0x3FAA]  }
0x30: {  	s3 =	sld [smem:$0x3FAD]  }
0x31: {  	[smem:$0x3FB6] =	sst s10  }
0x32: {  	s10 =	sld [smem:$0x3FB4];
	_ =	sdelay $0x3  }
0x33: {  	p0 =	seq.s32 s10, $0x1;
	s10 =	sld [smem:$0x3FB6];
	_ =	sdelay $0x3  }
0x34: {  	[smem:$0x3FB6] =	sst s10  }
0x35: {  	s10 =	sld [smem:$0x3FB5];
	_ =	sdelay $0x3  }
0x36: {  	p1 =	seq.s32 s10, $0x1;
	s10 =	sld [smem:$0x3FB6];
	_ =	sdelay $0x3  }
0x37: {  	[smem:$0x3FB6] =	sst s10  }
0x38: {  	s10 =	sld [smem:$0x3FB7]  }
0x39: {  	_ = 	snop;
	(pc) =	sbr.ind lr, $3  }
0x3a: {  	_ = 	snop  }
0x3b: {  	_ = 	snop  }
0x3c: {  	p2 =	seq.s32 s10, $0x1;
	s10 =	sld [smem:$0x3FB6]  }
0x3d: {  	_ =	shalt  }
0x3e: {  	_ =	shalt  }
0x3f: {  	_ =	shalt  }
0x40: {  	_ =	shalt  }
0x41: {  	_ =	shalt  }
0x42: {  	_ =	shalt  }
0x43: {  	_ =	shalt  }
0x44: {  	_ =	shalt  }
0x45: {  	_ =	shalt  }
0x46: {  	_ =	shalt  }
0x47: {  	_ =	shalt  }
0x48: {  	_ =	shalt  }
0x49: {  	_ =	shalt  }
0x4a: {  	_ =	shalt  }
0x4b: {  	_ =	shalt  }
0x4c: {  	_ =	shalt  }
0x4d: {  	_ =	shalt  }
0x4e: {  	_ =	shalt  }
0x4f: {  	_ =	shalt  }
0x50: {  	_ =	shalt  }
0x51: {  	_ =	shalt  }
0x52: {  	_ =	shalt  }
0x53: {  	_ =	shalt  }
0x54: {  	_ =	shalt  }
0x55: {  	_ =	shalt  }
0x56: {  	_ =	shalt  }
0x57: {  	_ =	shalt  }
0x58: {  	_ =	shalt  }
0x59: {  	_ =	shalt  }
0x5a: {  	_ =	shalt  }
0x5b: {  	_ =	shalt  }
0x5c: {  	_ =	shalt  }
0x5d: {  	_ =	shalt  }
0x5e: {  	_ =	shalt  }
0x5f: {  	_ =	shalt  }
0x60: {  	_ =	shalt  }
0x61: {  	_ =	shalt  }
0x62: {  	_ =	shalt  }
0x63: {  	_ =	shalt  }
0x64: {  	_ =	shalt  }
0x65: {  	_ =	shalt  }
0x66: {  	_ =	shalt  }
0x67: {  	_ =	shalt  }
0x68: {  	_ =	shalt  }
0x69: {  	_ =	shalt  }
0x6a: {  	_ =	shalt  }
0x6b: {  	_ =	shalt  }
0x6c: {  	_ =	shalt  }
0x6d: {  	_ =	shalt  }
0x6e: {  	_ =	shalt  }
0x6f: {  	_ =	shalt  }
0x70: {  	_ =	shalt  }
0x71: {  	_ =	shalt  }
0x72: {  	_ =	shalt  }
0x73: {  	_ =	shalt  }
0x74: {  	_ =	shalt  }
0x75: {  	_ =	shalt  }
0x76: {  	_ =	shalt  }
0x77: {  	_ =	shalt  }
0x78: {  	_ =	shalt  }
0x79: {  	_ =	shalt  }
0x7a: {  	_ =	shalt  }
0x7b: {  	_ =	shalt  }
0x7c: {  	_ =	shalt  }
0x7d: {  	_ =	shalt  }
0x7e: {  	_ =	shalt  }
0x7f: {  	_ =	shalt  }
0x80: {  	_ =	shalt  }
0x81: {  	_ =	shalt  }
0x82: {  	_ =	shalt  }
0x83: {  	_ =	shalt  }
0x84: {  	_ =	shalt  }
0x85: {  	_ =	shalt  }
0x86: {  	_ =	shalt  }
0x87: {  	_ =	shalt  }
.Lfunc_end0:
.L_simem_size_0:
called_computation.2_lowered:
.L_overlay_start_0:
0x88: {  	s2 =	sld [smem:$0x3FD9]  }
0x89: {  	s3 =	sld [smem:$0x3FFE];
	_ =	sdelay $0x1  }
0x8a: {  	s1 =	srdreg.scid  }
0x8b: {  	s0 =	sand.u32 $0x1, s1  }
0x8c: {  	s17 =	sshll.u32 s0, $0xA;
	s2 =	sadd.s32 s3, s2  }
0x8d: {  	s2 =	sadd.s32 s2, s17  }
0x8e: {  	[smem:$0x3FC2] =	sst s2  }
0x8f: {  	_ = 	snop  }
0x90: {  	s2 =	sld [smem:$0x3FD0];
	(tm) =	ssettm $0x1  }
0x91: {  	s18 =	sld [smem:$0x3FFB];
	_ =	sdelay $0x3  }
0x92: {  	_ =	strace s18  }
0x93: {  	s3 =	sld [smem:$0x3FFC];
	_ =	sdelay $0x3  }
0x94: {  	_ =	strace s3  }
0x95: {  	s3 =	sld [smem:$0x3FFD];
	_ =	sdelay $0x3  }
0x96: {  	_ =	strace s3  }
0x97: {  	_ =	strace $0x8FFFFFFF  }
0x98: {  	s19 =	sld [smem:$0x3FDB];
	_ =	sdelay $0x1  }
0x99: {  	s4 =	simm.s32 $_scs_section_size  }
0x9a: {  	s5 =	simm.s32 $_size__tile_overlayer_lowered;
	s6 =	simm.s32 $_tile_overlayer_lowered  }
0x9b: {  	s22 =	simm.s32 $0x1BFF;
	s21 =	sshll.u32 s6, $0x1;
	s3 =	sadd.s32 s4, s19  }
0x9c: {  	s7 =	simm.s32 $0x0;
	s20 =	sshll.u32 s5, $0x1;
	s5 =	sadd.s32 s21, s3  }
0x9d: {  	[timem:s7], [sflag:s22] =	dma.local [hbm:s5], s20  }
0x9e: {  	_ =	swait.ge [sflag:s22], s20  }
0x9f: {  	s4 =	ssub.s32 $0x0, s20;
	[sflag:s22] =	ssyncset.done $0x0  }
0xa0: {  	[sflag:s22] =	ssyncadd.s32 s4;
	_ =	sdelay $0x1  }
0xa1: {  	s23 =	simm.s32 $0x1B8B  }
0xa2: {  	_ =	swait.ge [sflag:s23], $0x1  }
0xa3: {  	[sflag:s23] =	ssyncset.done $0x0  }
0xa4: {  	s25 =	simm.s32 $0x1B8E;
	s24 =	sld [smem:$0x3FFE];
	[sflag:s23] =	ssyncadd.s32 $0xFFFFFFFF  }
0xa5: {  	s26 =	simm.s32 $execute0_lowered;
	[smem:$0x3FD2] =	sst s25  }
0xa6: {  	s5 =	sshll.u32 s26, $0x1;
	_ =	strace $0x8000004C;
	[dreg:$0x1] =	wrdreg $0xFFFFFFFF  }
0xa7: {  	s28 =	simm.s32 $_size_execute0_lowered;
	s3 =	sadd.s32 s3, s5;
	[dreg:$0x0] =	wrdreg $0x0  }
0xa8: {  	s5 =	sshll.u32 s28, $0x1;
	[dreg:$0x2] =	wrdreg s3  }
0xa9: {  	[dreg:$0x3] =	wrdreg s5  }
0xaa: {  	[dreg:$0x4] =	wrdreg $0xC0  }
0xab: {  	_ =	task [dreg:s7], $0x5FFFF  }
0xac: {  	[dreg:$0x1] =	wrdreg $0xFFFFFFFF  }
0xad: {  	[dreg:$0x0] =	wrdreg $0x60  }
0xae: {  	[dreg:$0x2] =	wrdreg s24  }
0xaf: {  	[dreg:$0x3] =	wrdreg s2  }
0xb0: {  	[dreg:$0x4] =	wrdreg $0x98000  }
0xb1: {  	[dreg:$0x5] =	wrdreg $0x9  }
0xb2: {  	_ =	task.clear_ibuf [dreg:s7], $0x6FFFF;
	_ =	strace $0x9000004C  }
0xb3: {  	s29 =	simm.s32 $0x9;
	_ =	strace $0x8000004E  }
0xb4: {  	_ =	swait.ge [sflag:s29], $0x1  }
0xb5: {  	[sflag:s29] =	ssyncadd.s32 $0xFFFFFFFF  }
0xb6: {  	_ =	strace $0x9000004E  }
0xb7: {  	_ =	sfence  }
0xb8: {  	s30 =	sld [smem:$0x0];
	_ =	sdelay $0x2  }
0xb9: {  	s31 =	sshll.u32 s1, $0xD;
	s1 =	sshrl.u32 s1, $0x2  }
0xba: {  	s3 =	sand.u32 $0x4000, s31;
	s1 =	sadd.s32 s1, s30  }
0xbb: {  	s0 =	sor.u32 s3, s0;
	s1 =	sshll.u32 s1, $0x11  }
0xbc: {  	s0 =	sor.u32 s1, s0  }
0xbd: {  	s0 =	sadd.s32 $0x8F2B, s0  }
0xbe: {  	[sflag:s0] =	ssyncadd.remote.s32 $0x1  }
0xbf: {  	_ =	sfence.sel $0xFFFF  }
0xc0: {  	[dreg:$0x0] =	wrdreg $0xFFFFFFFF;
	(pc) =	sbr.abs _section_cstart, $3  }
0xc1: {  	[dreg:$0x1] =	wrdreg $0xFFFFFFFF  }
0xc2: {  	_ =	task.clear_ibuf [dreg:s7], $0x2FFFF;
	_ =	strace $0x9FFFFFFF  }
0xc3: {  	(tm) =	ssettm $0x7FFFFFFF  }
tec
execute0_lowered:
.L_overlay_start_1:
0x0: {  	(tag) =	ssettag $0x1  }
0x1: {  	s0 =	rddreg [dreg:$0x0]  }
0x2: {  	s1 =	rddreg [dreg:$0x1]  }
0x3: {  	s2 =	rddreg [dreg:$0x2];
	s3 =	srdreg.scid;
	s4 =	simm.s32 $0x0  }
0x4: {  	s26 =	stileid.u32;
	s6 =	simm.s32 $0x48;
	s21 =	simm.s32 $0x11  }
0x5: {  	s22 =	simm.s32 $0x80;
	s23 =	simm.s32 $0x5800;
	s28 =	simm.s32 $0x1  }
0x6: {  	s3 =	sand.u32 $0x1, s3;
	[smem:$0x7FF] =	sst s4;
	s17 =	smul.u32 $0x580, s26  }
0x7: {  	s10 =	sadd.s32 $0x2600, s0;
	s5 =	sadd.s32 $0x16000, s0;
	s9 =	smul.u32 $0x2400, s26  }
0x8: {  	p0 =	sne.s32 s26, $0xF;
	s15 =	smul.u32 $0x2780, s26;
	s11 =	sadd.s32 $0xC240, s0  }
0x9: {  	s31 =	sshll.u32 s26, $0x6;
	s25 =	smul.u32 $0x4E20, s3;
	_ =	strace $0x8000004D  }
0xa: {  	[dreg:$0x4] =	wrdreg s5;
	s7 =	ssub.s32 $0x2, s3;
	p1 =	seq.s32 s3, $0x0  }
0xb: {  	s6 =	simm.s32 @!p0 $0xC;
	p2 =	seq.s32 s3, $0x1;
	s19 =	sor.u32 $0x1C11, s31  }
0xc: {  	s8 =	sshrl.u32 s7, $0x1;
	s6 =	simm.s32 @p1 $0x58;
	p6 =	por !p0, !p2  }
0xd: {  	p0 =	seq.s32 s26, $0xF;
	s29 =	sadd.s32 s10, s17;
	s9 =	sshrl.u32 s9, $0x3  }
0xe: {  	s12 =	sadd.s32 s15, s2;
	s4 =	sadd.s32 s25, s0;
	s16 =	ssub.s32 s7, s8  }
0xf: {  	[dreg:$0x5] =	wrdreg s29;
	p1 =	por !p6, !p6;
	p2 =	por !p0, !p2  }
0x10: {  	s8 =	sadd.s32 $0xC180, s0;
	s18 =	sadd.s32 $0x5800, s9;
	s9 =	sadd.s32 $0xFFFFFFFF, s6  }
0x11: {  	s0 =	sshrl.u32 s15, $0x3;
	s15 =	sadd.s32 $0x25080, s2;
	s20 =	sshrl.u32 s12, $0x3  }
0x12: {  	p3 =	por !p2, !p2;
	s10 =	sadd.s32 s10, s18;
	s30 =	sand.u32 $0x7, s9  }
0x13: {  	s14 =	sadd.s32 $0x16600, s4;
	s16 =	smax.u32 s16, $0x1;
	p2 =	sne.s32 s3, $0x0  }
0x14: {  	s18 =	sadd.s32 @p1 s18, s11;
	s13 =	sadd.s32 $0x9, s30;
	p3 =	por !p3, p1  }
0x15: {  	s17 =	sadd.s32 @!p2 s17, s11;
	s25 =	sadd.s32 @!p0 s0, s14;
	s0 =	simm.s32 $0x0  }
.LBB2_1:
0x16: {  	s3 =	simm.s32 @!p2 $0x0;
	s4 =	rddreg [dreg:$0x5]  }
0x17: {  	[tilespmem:s3], [sflag:$0x11] =	stream.linear.gather @!p2 [hbm4b:s4+s3], $0x2C00, $0x38;
	[tilespmem:$0xBF80] =	vst v63  }
0x18: {  	s4 =	simm.s32 @!p2 $0x11  }
0x19: {  	_ =	swait.ge @!p2 [sflag:s4], $0x2C00  }
0x1a: {  	[sflag:s4] =	ssyncset.done @!p2 $0x0  }
0x1b: {  	s24 =	simm.s32 @!p3 $0x0;
	[sflag:s4] =	ssyncadd.s32 @!p2 $0xFFFFD400  }
0x1c: {  	[tilespmem:s24], [sflag:$0x11] =	stream.linear.gather @!p3 [hbm4b:s8+s24], $0x600, $0x38;
	[tilespmem:$0xBF80] =	vst v63  }
0x1d: {  	s24 =	simm.s32 @!p3 $0x11  }
0x1e: {  	_ =	swait.ge @!p3 [sflag:s24], $0x600  }
0x1f: {  	[sflag:s24] =	ssyncset.done @!p3 $0x0  }
0x20: {  	s26 =	simm.s32 @p1 $0x11;
	[sflag:s24] =	ssyncadd.s32 @!p3 $0xFFFFFA00;
	s24 =	simm.s32 @p1 $0x0  }
0x21: {  	[tilespmem:s24], [sflag:$0x11] =	stream.linear.gather @p1 [hbm4b:s10+s24], $0x2400, $0x38;
	[tilespmem:$0xBF80] =	vst v63  }
0x22: {  	_ =	swait.ge @p1 [sflag:s26], $0x2400  }
0x23: {  	[sflag:s26] =	ssyncset.done @p1 $0x0  }
0x24: {  	s29 =	simm.s32 @!p2 $0x2C00;
	[sflag:s26] =	ssyncadd.s32 @p1 $0xFFFFDC00  }
0x25: {  	[tilespmem:s29], [sflag:$0x11] =	stream.linear.gather @!p2 [hbm4b:s17+s3], $0x2C00, $0x38;
	[tilespmem:$0xBF80] =	vst v63  }
0x26: {  	p5 =	por @!p1 $0x0, $0x0;
	_ =	swait.ge @!p2 [sflag:s4], $0x2C00  }
0x27: {  	p4 =	por @!p3 $0x1, $0x1;
	p6 =	por @p1 $0x0, $0x0;
	[sflag:s4] =	ssyncset.done @!p2 $0x0  }
0x28: {  	p5 =	por @!p3 p4, p4;
	s3 =	simm.s32 @p1 $0x2C00;
	[sflag:s4] =	ssyncadd.s32 @!p2 $0xFFFFD400  }
0x29: {  	[tilespmem:s3], [sflag:$0x11] =	stream.linear.gather @p1 [hbm4b:s18+s24], $0x2400, $0x38;
	[tilespmem:$0xBF80] =	vst v63  }
0x2a: {  	p6 =	por @!p1 p5, p5;
	_ =	swait.ge @p1 [sflag:s26], $0x2400  }
0x2b: {  	s4 =	simm.s32 @p6 $0x0;
	[sflag:s26] =	ssyncset.done @p1 $0x0  }
0x2c: {  	s3 =	sadd.s32 @p6 $0x9B80, s11;
	s24 =	simm.s32 @p6 $0x2C00;
	[sflag:s26] =	ssyncadd.s32 @p1 $0xFFFFDC00  }
0x2d: {  	[tilespmem:s24], [sflag:$0x11] =	stream.linear.gather @p6 [hbm4b:s3+s4], $0x600, $0x38;
	[tilespmem:$0xBF80] =	vst v63  }
0x2e: {  	s3 =	simm.s32 @p6 $0x11  }
0x2f: {  	_ =	swait.ge @p6 [sflag:s3], $0x600  }
0x30: {  	[sflag:s3] =	ssyncset.done @p6 $0x0  }
0x31: {  	s24 =	rddreg [dreg:$0x4];
	[sflag:s3] =	ssyncadd.s32 @p6 $0xFFFFFA00  }
0x32: {  	[spmem:s20], [sflag:s19] =	dma.local [hbm:s24], $0x4F0  }
0x33: {  	_ =	swait.ge [sflag:s21], $0x4F0  }
0x34: {  	[sflag:s21] =	ssyncset.done $0x0  }
0x35: {  	[sflag:s21] =	ssyncadd.s32 $0xFFFFFB10  }
0x36: {  	s26 =	simm.s32 $0x0;
	[bflag:$0x0] =	sbarrier.arrive $0xFFFF  }
0x37: {  	[tilespmem:s23], [sflag:$0x1] =	stream.indirect.gather [hbm4b:s1+s22], $0x10, s26, s22, $0xb8;
	[tilespmem:$0xBF80] =	vst v63  }
0x38: {  	s4 =	simm.s32 $0x6000  }
0x39: {  	[tilespmem:s4], [sflag:$0x2] =	stream.indirect.gather [hbm4b:s1+s22], $0x10, s22, s22, $0xb8;
	[tilespmem:$0xBF80] =	vst v63  }
0x3a: {  	s5 =	simm.s32 $0x100;
	s7 =	simm.s32 $0x6800  }
0x3b: {  	[tilespmem:s7], [sflag:$0x3] =	stream.indirect.gather [hbm4b:s1+s22], $0x10, s5, s22, $0xb8;
	[tilespmem:$0xBF80] =	vst v63  }
0x3c: {  	s24 =	simm.s32 $0x180;
	s26 =	simm.s32 $0x7000  }
0x3d: {  	[tilespmem:s26], [sflag:$0x4] =	stream.indirect.gather [hbm4b:s1+s22], $0x10, s24, s22, $0xb8;
	[tilespmem:$0xBF80] =	vst v63  }
0x3e: {  	s5 =	simm.s32 $0x200;
	s7 =	simm.s32 $0x7800  }
0x3f: {  	[tilespmem:s7], [sflag:$0x5] =	stream.indirect.gather [hbm4b:s1+s22], $0x10, s5, s22, $0xb8;
	[tilespmem:$0xBF80] =	vst v63  }
0x40: {  	s24 =	simm.s32 $0x280;
	s26 =	simm.s32 $0x8000  }
0x41: {  	[tilespmem:s26], [sflag:$0x6] =	stream.indirect.gather [hbm4b:s1+s22], $0x10, s24, s22, $0xb8;
	[tilespmem:$0xBF80] =	vst v63  }
0x42: {  	p5 =	por p0, p0;
	s4 =	simm.s32 $0x300;
	s5 =	simm.s32 $0x8800  }
0x43: {  	[tilespmem:s5], [sflag:$0x7] =	stream.indirect.gather [hbm4b:s1+s22], $0x10, s4, s22, $0xb8;
	[tilespmem:$0xBF80] =	vst v63  }
0x44: {  	s31 =	simm.s32 $0x8;
	p5 =	por @!p3 p4, p4;
	_ =	swait.ge [sflag:s28], $0x800  }
0x45: {  	p4 =	por @p1 $0x0, $0x0;
	s4 =	simm.s32 $0x1;
	[sflag:s28] =	ssyncset.done $0x0  }
0x46: {  	s7 =	simm.s32 $0x2C00;
	s5 =	sand.u32 $0x7, s4;
	[sflag:s28] =	ssyncadd.s32 $0xFFFFF800  }
0x47: {  	[spmem:s2] =	stream.indirect.scatter.add.f32 [tilespmem:s23], [sflag:$0x9], $0x10, s7, s22, $0xb8;
	[tilespmem:$0xBF80] =	vst v63  }
0x48: {  	s24 =	simm.s32 $0x380;
	s26 =	simm.s32 $0x9000;
	s29 =	sadd.s32 $0x1, s5  }
0x49: {  	[tilespmem:s26], [sflag:$0x8] =	stream.indirect.gather [hbm4b:s1+s22], $0x10, s24, s22, $0xb8;
	[tilespmem:$0xBF80] =	vst v63  }
0x4a: {  	p4 =	por @!p1 p5, p5;
	s30 =	sshll.u32 s5, $0xB;
	_ =	swait.ge [sflag:s29], $0x800  }
0x4b: {  	p5 =	sne.s32 s9, $0x1;
	s30 =	sadd.s32 $0x5800, s30;
	[sflag:s29] =	ssyncset.done $0x0  }
0x4c: {  	s7 =	simm.s32 $0x2C80;
	s24 =	sadd.s32 $0x9, s5;
	[sflag:s29] =	ssyncadd.s32 $0xFFFFF800  }
0x4d: {  	[spmem:s2] =	stream.indirect.scatter.add.f32 [tilespmem:s30], [sflag:s24], $0x10, s7, s22, $0xb8;
	[tilespmem:$0xBF80] =	vst v63  }
.Ltmp0:
0x4e: {  	s31 =	sand.u32 $0x7, s31;
	(pc) =	sbr.rel @!p5 .LBB2_3-.Ltmp0, $4  }
0x4f: {  	s3 =	simm.s32 $0x400;
	p6 =	sle.u32 s6, $0x8;
	s30 =	sadd.s32 $0x9, s31  }
0x50: {  	s26 =	simm.s32 $0x2D00;
	s5 =	sshll.u32 @!p6 s31, $0xB;
	_ =	swait.ge [sflag:s30], $0x800  }
0x51: {  	s29 =	sadd.s32 @!p6 $0x1, s31;
	s24 =	simm.s32 $0x480;
	[sflag:s30] =	ssyncset.done $0x0  }
0x52: {  	s31 =	simm.s32 @!p6 $0x80;
	[sflag:s30] =	ssyncadd.s32 $0xFFFFF800;
	s30 =	sadd.s32 @!p6 $0x5800, s5  }
.LBB2_2:
0x53: {  	[tilespmem:s30], [sflag:s29] =	stream.indirect.gather @!p6 [hbm4b:s1+s31], $0x10, s3, s31, $0xb8;
	[tilespmem:$0xBF80] =	vst v63  }
0x54: {  	s5 =	smov.u32 s4;
	s4 =	sadd.s32 $0x1, s4;
	s3 =	smov.u32 s24  }
0x55: {  	s29 =	sand.u32 $0x7, s4;
	p5 =	sne.s32 s9, s4  }
0x56: {  	s24 =	sadd.s32 $0x80, s24;
	s30 =	sshll.u32 s29, $0xB;
	s31 =	sadd.s32 $0x1, s29  }
0x57: {  	s5 =	sadd.s32 $0x8, s5;
	s29 =	sadd.s32 $0x9, s29;
	_ =	swait.ge [sflag:s31], $0x800  }
0x58: {  	s7 =	sand.u32 $0x7, s5;
	s30 =	sadd.s32 $0x5800, s30;
	[sflag:s31] =	ssyncset.done $0x0  }
.Ltmp1:
0x59: {  	[sflag:s31] =	ssyncadd.s32 $0xFFFFF800;
	s31 =	sadd.s32 $0x9, s7;
	(pc) =	sbr.rel @p5 .LBB2_2-.Ltmp1, $4  }
0x5a: {  	[spmem:s2] =	stream.indirect.scatter.add.f32 [tilespmem:s30], [sflag:s29], $0x10, s26, s22, $0xb8;
	[tilespmem:$0xBF80] =	vst v63  }
0x5b: {  	p6 =	sge.u32 s5, s6;
	s26 =	sadd.s32 $0x80, s26;
	_ =	swait.ge [sflag:s31], $0x800  }
0x5c: {  	s5 =	sshll.u32 @!p6 s7, $0xB;
	s29 =	sadd.s32 @!p6 $0x1, s7;
	[sflag:s31] =	ssyncset.done $0x0  }
0x5d: {  	s30 =	sadd.s32 @!p6 $0x5800, s5;
	[sflag:s31] =	ssyncadd.s32 $0xFFFFF800;
	s31 =	simm.s32 @!p6 $0x80  }
.LBB2_3:
0x5e: {  	[tilespmem:s30], [sflag:s29] =	stream.indirect.gather @!p6 [hbm4b:s1+s31], $0x10, s3, s31, $0xb8;
	[tilespmem:$0xBF80] =	vst v63  }
0x5f: {  	_ =	swait.ge [sflag:s13], $0x800  }
0x60: {  	[sflag:s13] =	ssyncset.done $0x0  }
0x61: {  	[sflag:s13] =	ssyncadd.s32 $0xFFFFF800  }
0x62: {  	s3 =	sshrl.u32 @!p0 s12, $0x3;
	[bflag:$0x0] =	sbarrier.arrive $0xFFFF  }
0x63: {  	[hbm:s25], [sflag:s19] =	dma.local @!p0 [spmem:s3], $0x4F0  }
0x64: {  	s3 =	simm.s32 @!p0 $0x11  }
0x65: {  	_ =	swait.ge @!p0 [sflag:s3], $0x4F0  }
0x66: {  	s4 =	sshrl.u32 @p4 s15, $0x3;
	s0 =	sadd.s32 $0x1, s0;
	[sflag:s3] =	ssyncset.done @!p0 $0x0  }
0x67: {  	p5 =	sne.s32 s0, s16;
	[sflag:s3] =	ssyncadd.s32 @!p0 $0xFFFFFB10;
	s3 =	sadd.s32 @p4 $0x4A10, s14  }
0x68: {  	[hbm:s3], [sflag:s19] =	dma.local @p4 [spmem:s4], $0x410  }
.Ltmp2:
0x69: {  	_ = 	snop;
	(pc) =	sbr.rel @p5 .LBB2_1-.Ltmp2, $4  }
0x6a: {  	s3 =	simm.s32 @p4 $0x11  }
0x6b: {  	_ =	swait.ge @p4 [sflag:s3], $0x410  }
0x6c: {  	[sflag:s3] =	ssyncset.done @p4 $0x0  }
0x6d: {  	[sflag:s3] =	ssyncadd.s32 @p4 $0xFFFFFBF0  }
0x6e: {  	_ =	sfence.sel $0x180000  }
0x6f: {  	[bflag:$0x0] =	sbarrier.arrive $0xFFFF  }
0x70: {  	_ =	strace $0x9000004D  }
0x71: {  	s0 =	stileid.u32;
	[bflag:$0x2] =	sbarrier.arrive $0xFFFF  }
0x72: {  	p0 =	sne.s32 s0, $0x0;
	s0 =	rddreg [dreg:$0x3]  }
0x73: {  	s0 =	sadd.s32 @!p0 $0x100000, s0  }
0x74: {  	[sflag:s0] =	ssyncadd.tile.s32 @!p0 $0x1;
	_ =	shalt  }
.Lfunc_end2:
_tile_overlayer_lowered:
.L_overlay_start_2:
0x75: {  	(tag) =	ssettag $0x2  }
0x76: {  	s0 =	rddreg [dreg:$0x0];
	s2 =	stileid.u32  }
0x77: {  	s1 =	rddreg [dreg:$0x1];
	p0 =	sne.s32 s2, $0x0  }
0x78: {  	s3 =	rddreg [dreg:$0x2];
	[bflag:$0x3] =	sbarrier.arrive $0xFFFF;
	s2 =	simm.s32 @!p0 $0x1C11  }
0x79: {  	[timem:s3], [sflag:s2] =	dma.local @!p0 [hbm:s0], s1  }
0x7a: {  	s0 =	simm.s32 @!p0 $0x11  }
0x7b: {  	_ =	swait.ge @!p0 [sflag:s0], s1  }
0x7c: {  	s1 =	ssub.s32 @!p0 $0x0, s1;
	[sflag:s0] =	ssyncset.done @!p0 $0x0  }
0x7d: {  	[sflag:s0] =	ssyncadd.s32 @!p0 s1  }
0x7e: {  	[bflag:$0x3] =	sbarrier.arrive $0xFFFF  }
0x7f: {  	_ =	shalt  }

// kernel: kernel.9.cloned.1.call-start
scs
__scs_entry_jumppad:
0x0: {  	(pc) =	sbr.rel $0x88, $3  }
0x1: {  	(tag) =	ssettag $0x0;
	lr =	simm.s32 $0x1  }
0x2: {  	[smem:$0x3F9B] =	sst lr;
	_ =	strace $0xD0000000  }
0x3: {  	_ = 	snop  }
0x4: {  	_ = 	snop  }
0x5: {  	_ = 	snop  }
0x6: {  	_ = 	snop  }
0x7: {  	_ = 	snop  }
__scs_overlays_trampoline_lowered:
0x8: {  	[smem:$0x3FAA] =	sst s0  }
0x9: {  	[smem:$0x3FAB] =	sst s1  }
0xa: {  	[smem:$0x3FAC] =	sst s2  }
0xb: {  	[smem:$0x3FAD] =	sst s3  }
0xc: {  	[smem:$0x3FAE] =	sst s4  }
0xd: {  	[smem:$0x3FAF] =	sst s5  }
0xe: {  	[smem:$0x3FB0] =	sst s6  }
0xf: {  	[smem:$0x3FB1] =	sst s7  }
0x10: {  	[smem:$0x3FB2] =	sst s8  }
0x11: {  	[smem:$0x3FB3] =	sst s9;
	s0 =	simm.s32 @!p0 $0x0  }
0x12: {  	s1 =	sld [smem:$0x3F99];
	s0 =	simm.s32 @p0 $0x1  }
0x13: {  	[smem:$0x3FB4] =	sst s0;
	s0 =	simm.s32 @!p1 $0x0  }
0x14: {  	s2 =	sld [smem:$0x3F98];
	s0 =	simm.s32 @p1 $0x1  }
0x15: {  	[smem:$0x3FB5] =	sst s0;
	s0 =	simm.s32 @!p2 $0x0  }
0x16: {  	s3 =	sld [smem:$0x3FDB];
	s0 =	simm.s32 @p2 $0x1  }
0x17: {  	s4 =	simm.s32 $0x1BF5;
	[smem:$0x3FB7] =	sst s0  }
0x18: {  	s0 =	sld [smem:$0x3F9A];
	_ =	swait.ge [sflag:s4], $0x0  }
0x19: {  	s7 =	sld [smem:$0x3F9B]  }
0x1a: {  	s8 =	sadd.s32 $0xFFFFE003, lr  }
0x1b: {  	s9 =	sadd.s32 $0xFFFFFEF7, lr;
	s5 =	simm.s32 $0xFFFFFFFF;
	p2 =	slt.u32 s8, $0xFFFFF086  }
0x1c: {  	p1 =	slt.u32 s9, $0xF7A;
	s5 =	simm.s32 @!p2 $0x0  }
0x1d: {  	s5 =	simm.s32 @p1 $0x1;
	p0 =	seq.s32 s7, s2  }
0x1e: {  	s7 =	smul.u32 @!p0 $0xF7A, s2;
	p2 =	seq.s32 @!p0 s5, $0x0  }
0x1f: {  	s9 =	smul.u32 $0xF7A, s1;
	s8 =	simm.s32 @!p0 $0x1BF5;
	p2 =	por !p2, p0  }
0x20: {  	[sflag:s8] =	ssyncset.s32 @!p0 $0xFFFFF086;
	s6 =	sadd.s32 @!p0 s3, s7;
	s7 =	simm.s32 @!p0 $0x108  }
0x21: {  	s3 =	sadd.s32 s3, s9;
	s6 =	sadd.s32 @!p0 $0x88, s6;
	s7 =	simm.s32 @p2 $0x1082  }
0x22: {  	[simem:s7], [sflag:s8] =	dma.local @!p0 [hbm:s6], $0xF7A  }
0x23: {  	s9 =	sor.u32 $0xD0000000, s2;
	s6 =	simm.s32 $0x108;
	_ =	swait.ge @!p0 [sflag:s8], $0x0  }
0x24: {  	s3 =	sadd.s32 $0x88, s3;
	s6 =	simm.s32 @!p1 $0x1082;
	[sflag:s4] =	ssyncset.s32 $0xFFFFF086  }
0x25: {  	[simem:s6], [sflag:s4] =	dma.local [hbm:s3], $0xF7A  }
0x26: {  	[smem:$0x3F9B] =	sst s1;
	(tag) =	ssettag s2;
	_ =	strace s9  }
0x27: {  	s1 =	sld [smem:$0x3FAB]  }
0x28: {  	s2 =	sld [smem:$0x3FAC]  }
0x29: {  	s4 =	sld [smem:$0x3FAE]  }
0x2a: {  	p0 =	seq.s32 s5, $0x0;
	s5 =	sld [smem:$0x3FAF]  }
0x2b: {  	s6 =	sld [smem:$0x3FB0]  }
0x2c: {  	s7 =	sld [smem:$0x3FB1]  }
0x2d: {  	s3 =	simm.s32 $0x108;
	s8 =	sld [smem:$0x3FB2]  }
0x2e: {  	s3 =	simm.s32 @!p0 $0x1082;
	s9 =	sld [smem:$0x3FB3]  }
0x2f: {  	lr =	sadd.s32 s0, s3;
	s0 =	sld [smem:$0x3FAA]  }
0x30: {  	s3 =	sld [smem:$0x3FAD]  }
0x31: {  	[smem:$0x3FB6] =	sst s10  }
0x32: {  	s10 =	sld [smem:$0x3FB4];
	_ =	sdelay $0x3  }
0x33: {  	p0 =	seq.s32 s10, $0x1;
	s10 =	sld [smem:$0x3FB6];
	_ =	sdelay $0x3  }
0x34: {  	[smem:$0x3FB6] =	sst s10  }
0x35: {  	s10 =	sld [smem:$0x3FB5];
	_ =	sdelay $0x3  }
0x36: {  	p1 =	seq.s32 s10, $0x1;
	s10 =	sld [smem:$0x3FB6];
	_ =	sdelay $0x3  }
0x37: {  	[smem:$0x3FB6] =	sst s10  }
0x38: {  	s10 =	sld [smem:$0x3FB7]  }
0x39: {  	_ = 	snop;
	(pc) =	sbr.ind lr, $3  }
0x3a: {  	_ = 	snop  }
0x3b: {  	_ = 	snop  }
0x3c: {  	p2 =	seq.s32 s10, $0x1;
	s10 =	sld [smem:$0x3FB6]  }
0x3d: {  	_ =	shalt  }
0x3e: {  	_ =	shalt  }
0x3f: {  	_ =	shalt  }
0x40: {  	_ =	shalt  }
0x41: {  	_ =	shalt  }
0x42: {  	_ =	shalt  }
0x43: {  	_ =	shalt  }
0x44: {  	_ =	shalt  }
0x45: {  	_ =	shalt  }
0x46: {  	_ =	shalt  }
0x47: {  	_ =	shalt  }
0x48: {  	_ =	shalt  }
0x49: {  	_ =	shalt  }
0x4a: {  	_ =	shalt  }
0x4b: {  	_ =	shalt  }
0x4c: {  	_ =	shalt  }
0x4d: {  	_ =	shalt  }
0x4e: {  	_ =	shalt  }
0x4f: {  	_ =	shalt  }
0x50: {  	_ =	shalt  }
0x51: {  	_ =	shalt  }
0x52: {  	_ =	shalt  }
0x53: {  	_ =	shalt  }
0x54: {  	_ =	shalt  }
0x55: {  	_ =	shalt  }
0x56: {  	_ =	shalt  }
0x57: {  	_ =	shalt  }
0x58: {  	_ =	shalt  }
0x59: {  	_ =	shalt  }
0x5a: {  	_ =	shalt  }
0x5b: {  	_ =	shalt  }
0x5c: {  	_ =	shalt  }
0x5d: {  	_ =	shalt  }
0x5e: {  	_ =	shalt  }
0x5f: {  	_ =	shalt  }
0x60: {  	_ =	shalt  }
0x61: {  	_ =	shalt  }
0x62: {  	_ =	shalt  }
0x63: {  	_ =	shalt  }
0x64: {  	_ =	shalt  }
0x65: {  	_ =	shalt  }
0x66: {  	_ =	shalt  }
0x67: {  	_ =	shalt  }
0x68: {  	_ =	shalt  }
0x69: {  	_ =	shalt  }
0x6a: {  	_ =	shalt  }
0x6b: {  	_ =	shalt  }
0x6c: {  	_ =	shalt  }
0x6d: {  	_ =	shalt  }
0x6e: {  	_ =	shalt  }
0x6f: {  	_ =	shalt  }
0x70: {  	_ =	shalt  }
0x71: {  	_ =	shalt  }
0x72: {  	_ =	shalt  }
0x73: {  	_ =	shalt  }
0x74: {  	_ =	shalt  }
0x75: {  	_ =	shalt  }
0x76: {  	_ =	shalt  }
0x77: {  	_ =	shalt  }
0x78: {  	_ =	shalt  }
0x79: {  	_ =	shalt  }
0x7a: {  	_ =	shalt  }
0x7b: {  	_ =	shalt  }
0x7c: {  	_ =	shalt  }
0x7d: {  	_ =	shalt  }
0x7e: {  	_ =	shalt  }
0x7f: {  	_ =	shalt  }
0x80: {  	_ =	shalt  }
0x81: {  	_ =	shalt  }
0x82: {  	_ =	shalt  }
0x83: {  	_ =	shalt  }
0x84: {  	_ =	shalt  }
0x85: {  	_ =	shalt  }
0x86: {  	_ =	shalt  }
0x87: {  	_ =	shalt  }
.Lfunc_end0:
.L_simem_size_0:
called_computation_lowered:
.L_overlay_start_0:
0x88: {  	s2 =	sld [smem:$0x3FD9]  }
0x89: {  	s3 =	sld [smem:$0x3FFE];
	_ =	sdelay $0x1  }
0x8a: {  	s1 =	srdreg.scid  }
0x8b: {  	s0 =	sand.u32 $0x1, s1  }
0x8c: {  	s17 =	sshll.u32 s0, $0xA;
	s2 =	sadd.s32 s3, s2  }
0x8d: {  	s2 =	sadd.s32 s2, s17  }
0x8e: {  	[smem:$0x3FC2] =	sst s2  }
0x8f: {  	_ = 	snop  }
0x90: {  	s2 =	sld [smem:$0x3FD0];
	(tm) =	ssettm $0x1  }
0x91: {  	s18 =	sld [smem:$0x3FFB];
	_ =	sdelay $0x3  }
0x92: {  	_ =	strace s18  }
0x93: {  	s3 =	sld [smem:$0x3FFC];
	_ =	sdelay $0x3  }
0x94: {  	_ =	strace s3  }
0x95: {  	s3 =	sld [smem:$0x3FFD];
	_ =	sdelay $0x3  }
0x96: {  	_ =	strace s3  }
0x97: {  	_ =	strace $0x8FFFFFFF  }
0x98: {  	s19 =	sld [smem:$0x3FDB];
	_ =	sdelay $0x1  }
0x99: {  	s4 =	simm.s32 $_scs_section_size  }
0x9a: {  	s5 =	simm.s32 $_size__tile_overlayer_lowered;
	s6 =	simm.s32 $_tile_overlayer_lowered  }
0x9b: {  	s22 =	simm.s32 $0x1BFF;
	s21 =	sshll.u32 s6, $0x1;
	s3 =	sadd.s32 s4, s19  }
0x9c: {  	s7 =	simm.s32 $0x0;
	s20 =	sshll.u32 s5, $0x1;
	s5 =	sadd.s32 s21, s3  }
0x9d: {  	[timem:s7], [sflag:s22] =	dma.local [hbm:s5], s20  }
0x9e: {  	_ =	swait.ge [sflag:s22], s20  }
0x9f: {  	s4 =	ssub.s32 $0x0, s20;
	[sflag:s22] =	ssyncset.done $0x0  }
0xa0: {  	[sflag:s22] =	ssyncadd.s32 s4;
	_ =	sdelay $0x1  }
0xa1: {  	s23 =	simm.s32 $0x1B8B  }
0xa2: {  	_ =	swait.ge [sflag:s23], $0x1  }
0xa3: {  	[sflag:s23] =	ssyncset.done $0x0  }
0xa4: {  	s25 =	simm.s32 $0x1B8E;
	s24 =	sld [smem:$0x3FFE];
	[sflag:s23] =	ssyncadd.s32 $0xFFFFFFFF  }
0xa5: {  	s26 =	simm.s32 $execute0_lowered;
	[smem:$0x3FD2] =	sst s25  }
0xa6: {  	s5 =	sshll.u32 s26, $0x1;
	_ =	strace $0x80000046;
	[dreg:$0x1] =	wrdreg $0xFFFFFFFF  }
0xa7: {  	s28 =	simm.s32 $_size_execute0_lowered;
	s3 =	sadd.s32 s3, s5;
	[dreg:$0x0] =	wrdreg $0x0  }
0xa8: {  	s5 =	sshll.u32 s28, $0x1;
	[dreg:$0x2] =	wrdreg s3  }
0xa9: {  	[dreg:$0x3] =	wrdreg s5  }
0xaa: {  	[dreg:$0x4] =	wrdreg $0xC0  }
0xab: {  	_ =	task [dreg:s7], $0x5FFFF  }
0xac: {  	[dreg:$0x1] =	wrdreg $0xFFFFFFFF  }
0xad: {  	[dreg:$0x0] =	wrdreg $0x60  }
0xae: {  	[dreg:$0x2] =	wrdreg s24  }
0xaf: {  	[dreg:$0x3] =	wrdreg s2  }
0xb0: {  	[dreg:$0x4] =	wrdreg $0x34000  }
0xb1: {  	[dreg:$0x5] =	wrdreg $0x9  }
0xb2: {  	_ =	task.clear_ibuf [dreg:s7], $0x6FFFF;
	_ =	strace $0x90000046  }
0xb3: {  	s29 =	simm.s32 $0x9;
	_ =	strace $0x80000048  }
0xb4: {  	_ =	swait.ge [sflag:s29], $0x1  }
0xb5: {  	[sflag:s29] =	ssyncadd.s32 $0xFFFFFFFF  }
0xb6: {  	_ =	strace $0x90000048  }
0xb7: {  	_ =	sfence  }
0xb8: {  	s30 =	sld [smem:$0x0];
	_ =	sdelay $0x2  }
0xb9: {  	s31 =	sshll.u32 s1, $0xD;
	s1 =	sshrl.u32 s1, $0x2  }
0xba: {  	s3 =	sand.u32 $0x4000, s31;
	s1 =	sadd.s32 s1, s30  }
0xbb: {  	s0 =	sor.u32 s3, s0;
	s1 =	sshll.u32 s1, $0x11  }
0xbc: {  	s0 =	sor.u32 s1, s0  }
0xbd: {  	s0 =	sadd.s32 $0x8F2B, s0  }
0xbe: {  	[sflag:s0] =	ssyncadd.remote.s32 $0x1  }
0xbf: {  	_ =	sfence.sel $0xFFFF  }
0xc0: {  	[dreg:$0x0] =	wrdreg $0xFFFFFFFF;
	(pc) =	sbr.abs _section_cstart, $3  }
0xc1: {  	[dreg:$0x1] =	wrdreg $0xFFFFFFFF  }
0xc2: {  	_ =	task.clear_ibuf [dreg:s7], $0x2FFFF;
	_ =	strace $0x9FFFFFFF  }
0xc3: {  	(tm) =	ssettm $0x7FFFFFFF  }
tec
execute0_lowered:
.L_overlay_start_1:
0x0: {  	(tag) =	ssettag $0x1  }
0x1: {  	s7 =	rddreg [dreg:$0x0]  }
0x2: {  	s1 =	rddreg [dreg:$0x1]  }
0x3: {  	s2 =	rddreg [dreg:$0x2];
	s4 =	srdreg.scid  }
0x4: {  	s0 =	rddreg [dreg:$0x3];
	s3 =	simm.s32 $0x0;
	s6 =	simm.s32 $0x48  }
0x5: {  	s15 =	simm.s32 $0x2;
	s18 =	simm.s32 $0x80;
	s19 =	simm.s32 $0x1  }
0x6: {  	s21 =	simm.s32 $0x0;
	s11 =	sand.u32 $0x1, s4;
	[smem:$0x7FF] =	sst s3  }
0x7: {  	s5 =	sadd.s32 $0x16000, s7;
	s13 =	sadd.s32 $0xC240, s7;
	s4 =	smul.u32 $0x4E20, s11  }
0x8: {  	_ =	strace $0x80000047;
	s9 =	ssub.s32 $0x2, s11;
	p1 =	seq.s32 s11, $0x0  }
0x9: {  	s10 =	sshrl.u32 s9, $0x1;
	s8 =	sadd.s32 s4, s7;
	s4 =	stileid.u32  }
0xa: {  	p2 =	seq.s32 s11, $0x1;
	s10 =	ssub.s32 s9, s10;
	s12 =	smul.u32 $0x580, s4  }
0xb: {  	s9 =	sadd.s32 $0x25080, s2;
	p0 =	sne.s32 s4, $0xF;
	s30 =	smul.u32 $0x2400, s4  }
0xc: {  	s31 =	smul.u32 $0x2780, s4;
	s8 =	sadd.s32 $0x16600, s8;
	s10 =	smax.u32 s10, $0x1  }
0xd: {  	s16 =	sshll.u32 s4, $0x6;
	s6 =	simm.s32 @!p0 $0xC;
	p6 =	por !p0, !p2  }
0xe: {  	p0 =	seq.s32 s4, $0xF;
	s16 =	sor.u32 $0x1C02, s16;
	s6 =	simm.s32 @p1 $0x58  }
0xf: {  	p1 =	por !p6, !p6;
	p2 =	por !p0, !p2;
	s7 =	sshrl.u32 s30, $0x3  }
0x10: {  	s20 =	sshrl.u32 s31, $0x3;
	p3 =	por !p2, !p2;
	s14 =	sadd.s32 $0x5800, s7  }
0x11: {  	s7 =	sadd.s32 s31, s2;
	p2 =	sne.s32 s11, $0x0;
	s20 =	sadd.s32 @!p0 s20, s8  }
0x12: {  	p3 =	por !p3, p1;
	s11 =	sadd.s32 @!p2 s12, s13;
	s17 =	sshrl.u32 s7, $0x3  }
0x13: {  	s12 =	sadd.s32 @!p3 $0x9B80, s13;
	s13 =	sadd.s32 @p1 s14, s13;
	s14 =	simm.s32 $0x2C00  }
.LBB2_1:
0x14: {  	s22 =	simm.s32 @!p2 $0x0  }
0x15: {  	[tilespmem:s22], [sflag:$0x2] =	stream.linear.gather @!p2 [hbm4b:s11+s22], $0x2C00, $0x38;
	[tilespmem:$0x5B80] =	vst v63  }
0x16: {  	s22 =	simm.s32 @!p2 $0x2  }
0x17: {  	_ =	swait.ge @!p2 [sflag:s22], $0x2C00  }
0x18: {  	[sflag:s22] =	ssyncset.done @!p2 $0x0  }
0x19: {  	[sflag:s22] =	ssyncadd.s32 @!p2 $0xFFFFD400;
	s22 =	simm.s32 @!p3 $0x0  }
0x1a: {  	[tilespmem:s22], [sflag:$0x2] =	stream.linear.gather @!p3 [hbm4b:s12+s22], $0x600, $0x38;
	[tilespmem:$0x5B80] =	vst v63  }
0x1b: {  	s22 =	simm.s32 @!p3 $0x2  }
0x1c: {  	_ =	swait.ge @!p3 [sflag:s22], $0x600  }
0x1d: {  	[sflag:s22] =	ssyncset.done @!p3 $0x0  }
0x1e: {  	[sflag:s22] =	ssyncadd.s32 @!p3 $0xFFFFFA00;
	s22 =	simm.s32 @p1 $0x0  }
0x1f: {  	[tilespmem:s22], [sflag:$0x2] =	stream.linear.gather @p1 [hbm4b:s13+s22], $0x2400, $0x38;
	[tilespmem:$0x5B80] =	vst v63  }
0x20: {  	s22 =	simm.s32 @p1 $0x2  }
0x21: {  	_ =	swait.ge @p1 [sflag:s22], $0x2400  }
0x22: {  	[sflag:s22] =	ssyncset.done @p1 $0x0  }
0x23: {  	[sflag:s22] =	ssyncadd.s32 @p1 $0xFFFFDC00  }
0x24: {  	[tilespmem:s14], [sflag:$0x2] =	stream.linear.gather [hbm4b:s1+s3], $0x800, $0x38;
	[tilespmem:$0x5B80] =	vst v63  }
0x25: {  	_ =	swait.ge [sflag:s15], $0x800  }
0x26: {  	[sflag:s15] =	ssyncset.done $0x0  }
0x27: {  	p5 =	sne.s32 s6, $0x1;
	[sflag:s15] =	ssyncadd.s32 $0xFFFFF800  }
0x28: {  	[spmem:s17], [sflag:s16] =	dma.local [hbm:s5], $0x4F0  }
.Ltmp0:
0x29: {  	p4 =	por @!p3 $0x1, $0x1;
	_ =	swait.ge [sflag:s15], $0x4F0;
	(pc) =	sbr.rel @!p5 .LBB2_3-.Ltmp0, $4  }
0x2a: {  	p6 =	por p0, p0;
	s23 =	simm.s32 $0x0;
	[sflag:s15] =	ssyncset.done $0x0  }
0x2b: {  	p6 =	por @!p3 p4, p4;
	p4 =	por @p1 $0x0, $0x0;
	[sflag:s15] =	ssyncadd.s32 $0xFFFFFB10  }
0x2c: {  	p4 =	por @!p1 p6, p6;
	s22 =	sadd.s32 $0xFFFFFFFF, s6;
	[bflag:$0x0] =	sbarrier.arrive $0xFFFF  }
0x2d: {  	[spmem:s2] =	stream.indirect.scatter.add.f32 [tilespmem:s14], [sflag:$0x1], $0x10, s3, s18, $0xb8;
	[tilespmem:$0x5B80] =	vst v63  }
.LBB2_2:
0x2e: {  	p6 =	sne.s32 s22, $0x1  }
.Ltmp1:
0x2f: {  	_ = 	snop;
	(pc) =	sbr.rel @p6 .LBB2_2-.Ltmp1, $3  }
0x30: {  	_ = 	snop  }
0x31: {  	s22 =	sadd.s32 $0xFFFFFFFF, s22;
	s23 =	sadd.s32 $0x80, s23;
	_ =	sdelay $0x1  }
0x32: {  	[spmem:s2] =	stream.indirect.scatter.add.f32 [tilespmem:s14], [sflag:$0x1], $0x10, s23, s18, $0xb8;
	[tilespmem:$0x5B80] =	vst v63  }
.LBB2_3:
.Ltmp2:
0x33: {  	(pc) =	sbr.rel @!p5 .LBB2_5-.Ltmp2, $3  }
0x34: {  	_ =	sdelay $0x1  }
0x35: {  	_ =	swait.ge [sflag:s19], $0x800  }
0x36: {  	s22 =	sadd.s32 $0xFFFFFFFF, s6;
	[sflag:s19] =	ssyncset.done $0x0  }
.LBB2_4:
0x37: {  	p5 =	sne.s32 s22, $0x1;
	s22 =	sadd.s32 $0xFFFFFFFF, s22;
	[sflag:s19] =	ssyncadd.s32 $0xFFFFF800  }
.Ltmp3:
0x38: {  	(pc) =	sbr.rel @p5 .LBB2_4-.Ltmp3, $3  }
0x39: {  	_ =	sdelay $0x1  }
0x3a: {  	_ =	swait.ge [sflag:s19], $0x800  }
0x3b: {  	[sflag:s19] =	ssyncset.done $0x0  }
.LBB2_5:
0x3c: {  	[sflag:s19] =	ssyncadd.s32 $0xFFFFF800  }
0x3d: {  	s22 =	sshrl.u32 @!p0 s7, $0x3;
	[bflag:$0x0] =	sbarrier.arrive $0xFFFF  }
0x3e: {  	[hbm:s20], [sflag:s16] =	dma.local @!p0 [spmem:s22], $0x4F0  }
0x3f: {  	s22 =	simm.s32 @!p0 $0x2  }
0x40: {  	_ =	swait.ge @!p0 [sflag:s22], $0x4F0  }
0x41: {  	s23 =	sshrl.u32 @p4 s9, $0x3;
	s21 =	sadd.s32 $0x1, s21;
	[sflag:s22] =	ssyncset.done @!p0 $0x0  }
0x42: {  	p5 =	sne.s32 s21, s10;
	[sflag:s22] =	ssyncadd.s32 @!p0 $0xFFFFFB10;
	s22 =	sadd.s32 @p4 $0x4A10, s8  }
0x43: {  	[hbm:s22], [sflag:s16] =	dma.local @p4 [spmem:s23], $0x410  }
.Ltmp4:
0x44: {  	_ = 	snop;
	(pc) =	sbr.rel @p5 .LBB2_1-.Ltmp4, $4  }
0x45: {  	s22 =	simm.s32 @p4 $0x2  }
0x46: {  	_ =	swait.ge @p4 [sflag:s22], $0x410  }
0x47: {  	[sflag:s22] =	ssyncset.done @p4 $0x0  }
0x48: {  	[sflag:s22] =	ssyncadd.s32 @p4 $0xFFFFFBF0  }
0x49: {  	_ =	sfence.sel $0x180000  }
0x4a: {  	[bflag:$0x0] =	sbarrier.arrive $0xFFFF  }
0x4b: {  	p0 =	sne.s32 s4, $0x0;
	_ =	strace $0x90000047  }
0x4c: {  	s0 =	sadd.s32 @!p0 $0x100000, s0;
	[bflag:$0x2] =	sbarrier.arrive $0xFFFF  }
0x4d: {  	[sflag:s0] =	ssyncadd.tile.s32 @!p0 $0x1;
	_ =	shalt  }
.Lfunc_end2:
_tile_overlayer_lowered:
.L_overlay_start_2:
0x4e: {  	(tag) =	ssettag $0x2  }
0x4f: {  	s0 =	rddreg [dreg:$0x0];
	s2 =	stileid.u32  }
0x50: {  	s1 =	rddreg [dreg:$0x1];
	p0 =	sne.s32 s2, $0x0  }
0x51: {  	s3 =	rddreg [dreg:$0x2];
	[bflag:$0x3] =	sbarrier.arrive $0xFFFF;
	s2 =	simm.s32 @!p0 $0x1C02  }
0x52: {  	[timem:s3], [sflag:s2] =	dma.local @!p0 [hbm:s0], s1  }
0x53: {  	s0 =	simm.s32 @!p0 $0x2  }
0x54: {  	_ =	swait.ge @!p0 [sflag:s0], s1  }
0x55: {  	s1 =	ssub.s32 @!p0 $0x0, s1;
	[sflag:s0] =	ssyncset.done @!p0 $0x0  }
0x56: {  	[sflag:s0] =	ssyncadd.s32 @!p0 s1  }
0x57: {  	[bflag:$0x3] =	sbarrier.arrive $0xFFFF  }
0x58: {  	_ =	shalt  }

</sc_bundles>
